<compile_context>
chip_gen: v7x
topology: tpu7x:2x2x1
jax: 0.10.2.dev20260603
libtpu: 0.0.44.dev20260713+nightly
codegen_flags: <defaults>
</compile_context>

<pallas_src>
import functools

import jax
import jax.numpy as jnp
from jax import lax
from jax.experimental import pallas as pl
from jax.experimental.pallas import tpu as pltpu
from jax.experimental.pallas import tpu_sc as plsc

N = 16384
D = 3
T = 32
R = 64
B = 16
SCALE = 100.0
LOG2E = 1.4426950408889634

NC = 2
NS = 16
NW = NC * NS
NP = N // NW
NBANK = 4
ACC = B * T * R
BANK = ACC // NBANK
COL = ACC // NS


def _ect_body(x0_hbm, x1_hbm, x2_hbm, idx_hbm, vs_hbm, l_hbm, zeros_hbm,
              out_hbm,
              x0v, x1v, x2v, idxv, vsv, lv, acc0, acc1, acc2, acc3, tmp, red,
              shared_all):
    accs = [acc0, acc1, acc2, acc3]
    c = lax.axis_index("c")
    s = lax.axis_index("s")
    wid = s * NC + c
    base = wid * NP

    pltpu.sync_copy(x0_hbm.at[pl.ds(base, NP)], x0v.at[pl.ds(0, NP)])
    pltpu.sync_copy(x1_hbm.at[pl.ds(base, NP)], x1v.at[pl.ds(0, NP)])
    pltpu.sync_copy(x2_hbm.at[pl.ds(base, NP)], x2v.at[pl.ds(0, NP)])
    pltpu.sync_copy(idx_hbm.at[pl.ds(base, NP)], idxv.at[pl.ds(0, NP)])
    pltpu.sync_copy(vs_hbm, vsv)
    pltpu.sync_copy(l_hbm, lv)
    for a in accs:
        pltpu.sync_copy(zeros_hbm, a)

    vrow = [vsv[j, :] for j in range(2 * D)]
    one = jnp.float32(1.0)
    iota16 = lax.iota(jnp.int32, 16)
    gdims0 = lax.GatherDimensionNumbers(
        offset_dims=(), collapsed_slice_dims=(0,), start_index_map=(0,))

    def lane_bcast(vec, lane):
        return lax.gather(
            vec, jnp.full((16, 1), lane, jnp.int32), gdims0, slice_sizes=(1,),
            mode=lax.GatherScatterMode.PROMISE_IN_BOUNDS)

    l_head = lv[pl.ds(0, 16)]
    l0v = lane_bcast(l_head, 0)
    stepv = lane_bcast(l_head, 1) - l0v
    inv_step = one / stepv
    step_iota = stepv * iota16.astype(jnp.float32)
    w_lo = l0v + jnp.float32(21.0)
    shift_idx = jnp.maximum(iota16 - 1, 0)
    mask01 = jnp.where(iota16 == 0, jnp.float32(0.0), jnp.float32(1.0))
    zero_i = jnp.int32(0)
    max_w0 = jnp.int32(R - 16)

    GRP = 8

    def point_body(n, carry):
        x0 = x0v[pl.ds(n, 16)][0]
        x1 = x1v[pl.ds(n, 16)][0]
        x2 = x2v[pl.ds(n, 16)][0]
        seg = idxv[pl.ds(n, 16)][0]
        a_lo = x0 * vrow[0] + x1 * vrow[2] + x2 * vrow[4]
        a_hi = x0 * vrow[1] + x1 * vrow[3] + x2 * vrow[5]
        w_lo_lanes = [
            jnp.clip(((a_lo - w_lo) * inv_step).astype(jnp.int32) - 1,
                     zero_i, max_w0),
            jnp.clip(((a_hi - w_lo) * inv_step).astype(jnp.int32) - 1,
                     zero_i, max_w0),
        ]
        res_lanes = [
            a_lo - l0v - stepv * w_lo_lanes[0].astype(jnp.float32),
            a_hi - l0v - stepv * w_lo_lanes[1].astype(jnp.float32),
        ]
        segoff = seg * (BANK // B)

        def stage_a(t):
            res = res_lanes[t // 16][t % 16]
            w0 = w_lo_lanes[t // 16][t % 16]
            z = res - step_iota
            return w0, jnp.exp(z)

        def stage_b(e):
            return one / (one + e)

        def stage_c(t, w0, sig):
            prev = lax.gather(
                sig, shift_idx[:, None], gdims0, slice_sizes=(1,),
                mode=lax.GatherScatterMode.PROMISE_IN_BOUNDS) * mask01
            d = sig - prev
            sl = pl.ds(segoff + (t // NBANK) * R + w0, 16)
            bank = accs[t % NBANK]
            bank[sl] = bank[sl] + d

        for tg in range(0, T, GRP):
            ts = list(range(tg, tg + GRP))
            ws, es = zip(*[stage_a(t) for t in ts])
            sigs = [stage_b(e) for e in es]
            for t, w0, sig in zip(ts, ws, sigs):
                stage_c(t, w0, sig)
        return carry

    lax.fori_loop(0, NP, point_body, 0)

    for k, a in enumerate(accs):
        pltpu.sync_copy(a, shared_all.at[s, pl.ds(k * BANK, BANK)])
    plsc.subcore_barrier()
    colbase = s * COL
    pltpu.sync_copy(shared_all.at[:, pl.ds(colbase, COL)], tmp)

    def red_body(k, carry):
        sl = pl.ds(k * 16, 16)
        v = tmp[0, sl]
        for j in range(1, NS):
            v = v + tmp[j, sl]
        red[sl] = v
        return carry

    lax.fori_loop(0, COL // 16, red_body, 0)

    shift_g = [
        (jnp.maximum(iota16 - k, 0),
         jnp.where(iota16 >= k, jnp.float32(1.0), jnp.float32(0.0)))
        for k in (1, 2, 4, 8)
    ]

    def prefix16(vec):
        for gidx, gmask in shift_g:
            vec = vec + lax.gather(
                vec, gidx[:, None], gdims0, slice_sizes=(1,),
                mode=lax.GatherScatterMode.PROMISE_IN_BOUNDS) * gmask
        return vec

    def cum_body(i, carry):
        rbase = i * R
        cval = jnp.float32(0.0)
        for blk in range(R // 16):
            sl = pl.ds(rbase + blk * 16, 16)
            vblk = prefix16(red[sl]) + cval
            red[sl] = vblk
            cval = vblk[15]
        return carry

    lax.fori_loop(0, COL // R, cum_body, 0)
    pltpu.sync_copy(red, out_hbm.at[c, pl.ds(colbase, COL)])


@jax.jit
def _ect_sc(x0, x1, x2, idx, vs, l, zeros):
    mesh = plsc.VectorSubcoreMesh(core_axis_name="c", subcore_axis_name="s")
    f = functools.partial(
        pl.kernel,
        mesh=mesh,
        out_type=jax.ShapeDtypeStruct((NC, ACC), jnp.float32),
        scratch_types=[
            pltpu.VMEM((NP + 16,), jnp.float32),
            pltpu.VMEM((NP + 16,), jnp.float32),
            pltpu.VMEM((NP + 16,), jnp.float32),
            pltpu.VMEM((NP + 16,), jnp.int32),
            pltpu.VMEM((2 * D, 16), jnp.float32),
            pltpu.VMEM((R,), jnp.float32),
            pltpu.VMEM((BANK,), jnp.float32),
            pltpu.VMEM((BANK,), jnp.float32),
            pltpu.VMEM((BANK,), jnp.float32),
            pltpu.VMEM((BANK,), jnp.float32),
            pltpu.VMEM((NS, COL), jnp.float32),
            pltpu.VMEM((COL,), jnp.float32),
            pltpu.VMEM_SHARED((NS, ACC), jnp.float32),
        ],
    )(_ect_body)
    return f(x0, x1, x2, idx, vs, l, zeros)


def kernel(x, index, v, lin):
    x = x.astype(jnp.float32)
    x0 = x[:, 0]
    x1 = x[:, 1]
    x2 = x[:, 2]
    idx = index.astype(jnp.int32)
    scale = jnp.float32(SCALE)
    vs = (scale * v).astype(jnp.float32).reshape(D, 2, 16).reshape(2 * D, 16)
    l = (scale * lin).astype(jnp.float32).reshape(R)
    zeros = jnp.zeros((BANK,), jnp.float32)
    partials = _ect_sc(x0, x1, x2, idx, vs, l, zeros)
    out = (partials[0] + partials[1]).reshape(NBANK, B, T // NBANK, R)
    return jnp.transpose(out, (1, 3, 2, 0)).reshape(B, R, T)

# --- scband reference (transcript-rebuilt; emitter-appended) ---
"""Pipeline reference for scband-ect-layer-18545668784265 (READ-ONLY COPY).

The authoritative reference and input builder live on the scoring server;
editing this copy changes nothing except your own understanding.
"""

import jax, jax.numpy as jnp
import numpy as np

N = 16384
D = 3
T = 32  # num_thetas
R = 64  # resolution
RADIUS = 1.1
SCALE = 100.0
B = 16


def setup_inputs(seed: int = 0) -> dict:
    key = jax.random.key(seed)
    k1, k2, k3 = jax.random.split(key, 3)
    x = jax.random.normal(k1, (N, D), dtype=jnp.float32)
    index = jnp.sort(jax.random.randint(k2, (N,), 0, B, dtype=jnp.int64))
    # guarantee max segment id == B-1 so output shape matches torch's index.max()+1
    index = index.at[-1].set(B - 1)
    # direction vectors v (unit vectors, as typically used in ECT layers)
    v = jax.random.normal(k3, (D, T), dtype=jnp.float32)
    v = v / jnp.linalg.norm(v, axis=0, keepdims=True)
    # filtration heights (non-trainable parameter)
    lin = jnp.linspace(-RADIUS, RADIUS, R, dtype=jnp.float32).reshape(R, 1, 1)
    return {"x": x, "index": index, "v": v, "lin": lin}


def reference(x, index, v, lin):
    # node heights: project points onto each direction
    nh = x @ v  # [N, T]
    # ecc: sigmoid(scale * (lin - nh)) broadcast -> [R, N, T]
    ecc = jax.nn.sigmoid(SCALE * (lin - nh))
    num_segments = B
    out = jnp.zeros((R, num_segments, T), dtype=ecc.dtype)
    # torch.index_add(out, 1, index, ecc)
    out = out.at[:, index, :].add(ecc)
    # movedim(0, 1) -> [B, R, T]
    ect = jnp.moveaxis(out, 0, 1)
    # normalized=False in config, so return raw ect
    return ect

if __name__ == "__main__":
    import jax
    _d = setup_inputs()
    print(jax.jit(kernel)(*tuple(_d.values())))

</pallas_src>

<mosaic_0001>
#map = affine_map<(d0, d1) -> (0)>
#map1 = affine_map<(d0, d1) -> (0, 0)>
module attributes {stable_mosaic.version = 14 : i64} {
  func.func @_ect_body(%arg0: i32, %arg1: i32, %arg2: memref<16384xf32, #tpu.memory_space<hbm>>, %arg3: memref<16384xf32, #tpu.memory_space<hbm>>, %arg4: memref<16384xf32, #tpu.memory_space<hbm>>, %arg5: memref<16384xi32, #tpu.memory_space<hbm>>, %arg6: memref<6x16xf32, #tpu.memory_space<hbm>>, %arg7: memref<64xf32, #tpu.memory_space<hbm>>, %arg8: memref<8192xf32, #tpu.memory_space<hbm>>, %arg9: memref<2x32768xf32, #tpu.memory_space<hbm>>, %arg10: memref<528xf32, #tpu.memory_space<vmem>>, %arg11: memref<528xf32, #tpu.memory_space<vmem>>, %arg12: memref<528xf32, #tpu.memory_space<vmem>>, %arg13: memref<528xi32, #tpu.memory_space<vmem>>, %arg14: memref<6x16xf32, #tpu.memory_space<vmem>>, %arg15: memref<64xf32, #tpu.memory_space<vmem>>, %arg16: memref<8192xf32, #tpu.memory_space<vmem>>, %arg17: memref<8192xf32, #tpu.memory_space<vmem>>, %arg18: memref<8192xf32, #tpu.memory_space<vmem>>, %arg19: memref<8192xf32, #tpu.memory_space<vmem>>, %arg20: memref<16x2048xf32, #tpu.memory_space<vmem>>, %arg21: memref<2048xf32, #tpu.memory_space<vmem>>, %arg22: memref<16x32768xf32, #tpu.memory_space<vmem_shared>>) attributes {dimension_semantics = [#tpu.dimension_semantics<core_parallel>, #tpu.dimension_semantics<subcore_parallel>], iteration_bounds = array<i64: 2, 16>, scalar_prefetch = 0 : i64, scratch_operands = 13 : i64, tpu.core_type = #tpu.core_type<sc_vector_subcore>, window_params = [{transform_indices = #map}, {transform_indices = #map}, {transform_indices = #map}, {transform_indices = #map}, {transform_indices = #map1}, {transform_indices = #map}, {transform_indices = #map}, {transform_indices = #map1}]} {
    %mul3A = arith.constant 2 : i32
    %mul3A_0 = arith.muli %arg1, %mul3A : i32
    %add3A = arith.addi %mul3A_0, %arg0 : i32
    %mul3A_1 = arith.constant 512 : i32
    %mul3A_2 = arith.muli %add3A, %mul3A_1 : i32
    "tpu.region"() ({
      %run_scoped3A = tpu.sem_alloc : memref<!tpu.dma_semaphore, #tpu.memory_space<semaphore_mem>>
      %dma_start3A = arith.constant 0 : i32
      %dma_start3A_134 = tpu.memref_slice %arg10[%dma_start3A] : memref<528xf32, #tpu.memory_space<vmem>> -> memref<512xf32, #tpu.memory_space<vmem>>
      %dma_start3A_135 = tpu.memref_slice %arg2[%mul3A_2] : memref<16384xf32, #tpu.memory_space<hbm>> -> memref<512xf32, #tpu.memory_space<hbm>>
      %dma_start3A_136 = arith.constant 0 : i32
      %dma_start3A_137 = tpu.memref_slice %arg10[%dma_start3A_136] : memref<528xf32, #tpu.memory_space<vmem>> -> memref<512xf32, #tpu.memory_space<vmem>>
      %dma_start3A_138 = tpu.memref_slice %arg2[%mul3A_2] : memref<16384xf32, #tpu.memory_space<hbm>> -> memref<512xf32, #tpu.memory_space<hbm>>
      tpu.enqueue_dma source(%dma_start3A_138 : memref<512xf32, #tpu.memory_space<hbm>>) target(%dma_start3A_137 : memref<512xf32, #tpu.memory_space<vmem>>) target_semaphore(%run_scoped3A : memref<!tpu.dma_semaphore, #tpu.memory_space<semaphore_mem>>)
      %dma_wait3A = arith.constant 0 : i32
      %dma_wait3A_139 = tpu.memref_slice %arg10[%dma_wait3A] : memref<528xf32, #tpu.memory_space<vmem>> -> memref<512xf32, #tpu.memory_space<vmem>>
      %dma_wait3A_140 = tpu.memref_slice %arg2[%mul3A_2] : memref<16384xf32, #tpu.memory_space<hbm>> -> memref<512xf32, #tpu.memory_space<hbm>>
      %dma_wait3A_141 = arith.constant 0 : i32
      %dma_wait3A_142 = tpu.memref_slice %arg10[%dma_wait3A_141] : memref<528xf32, #tpu.memory_space<vmem>> -> memref<512xf32, #tpu.memory_space<vmem>>
      %dma_wait3A_143 = tpu.memref_slice %arg2[%mul3A_2] : memref<16384xf32, #tpu.memory_space<hbm>> -> memref<512xf32, #tpu.memory_space<hbm>>
      tpu.wait_dma2 semaphore(%run_scoped3A : memref<!tpu.dma_semaphore, #tpu.memory_space<semaphore_mem>>) src(%dma_wait3A_143 : memref<512xf32, #tpu.memory_space<hbm>>) dst(%dma_wait3A_142 : memref<512xf32, #tpu.memory_space<vmem>>)
      tpu.yield
    }) : () -> ()
    "tpu.region"() ({
      %run_scoped3A = tpu.sem_alloc : memref<!tpu.dma_semaphore, #tpu.memory_space<semaphore_mem>>
      %dma_start3A = arith.constant 0 : i32
      %dma_start3A_134 = tpu.memref_slice %arg11[%dma_start3A] : memref<528xf32, #tpu.memory_space<vmem>> -> memref<512xf32, #tpu.memory_space<vmem>>
      %dma_start3A_135 = tpu.memref_slice %arg3[%mul3A_2] : memref<16384xf32, #tpu.memory_space<hbm>> -> memref<512xf32, #tpu.memory_space<hbm>>
      %dma_start3A_136 = arith.constant 0 : i32
      %dma_start3A_137 = tpu.memref_slice %arg11[%dma_start3A_136] : memref<528xf32, #tpu.memory_space<vmem>> -> memref<512xf32, #tpu.memory_space<vmem>>
      %dma_start3A_138 = tpu.memref_slice %arg3[%mul3A_2] : memref<16384xf32, #tpu.memory_space<hbm>> -> memref<512xf32, #tpu.memory_space<hbm>>
      tpu.enqueue_dma source(%dma_start3A_138 : memref<512xf32, #tpu.memory_space<hbm>>) target(%dma_start3A_137 : memref<512xf32, #tpu.memory_space<vmem>>) target_semaphore(%run_scoped3A : memref<!tpu.dma_semaphore, #tpu.memory_space<semaphore_mem>>)
      %dma_wait3A = arith.constant 0 : i32
      %dma_wait3A_139 = tpu.memref_slice %arg11[%dma_wait3A] : memref<528xf32, #tpu.memory_space<vmem>> -> memref<512xf32, #tpu.memory_space<vmem>>
      %dma_wait3A_140 = tpu.memref_slice %arg3[%mul3A_2] : memref<16384xf32, #tpu.memory_space<hbm>> -> memref<512xf32, #tpu.memory_space<hbm>>
      %dma_wait3A_141 = arith.constant 0 : i32
      %dma_wait3A_142 = tpu.memref_slice %arg11[%dma_wait3A_141] : memref<528xf32, #tpu.memory_space<vmem>> -> memref<512xf32, #tpu.memory_space<vmem>>
      %dma_wait3A_143 = tpu.memref_slice %arg3[%mul3A_2] : memref<16384xf32, #tpu.memory_space<hbm>> -> memref<512xf32, #tpu.memory_space<hbm>>
      tpu.wait_dma2 semaphore(%run_scoped3A : memref<!tpu.dma_semaphore, #tpu.memory_space<semaphore_mem>>) src(%dma_wait3A_143 : memref<512xf32, #tpu.memory_space<hbm>>) dst(%dma_wait3A_142 : memref<512xf32, #tpu.memory_space<vmem>>)
      tpu.yield
    }) : () -> ()
    "tpu.region"() ({
      %run_scoped3A = tpu.sem_alloc : memref<!tpu.dma_semaphore, #tpu.memory_space<semaphore_mem>>
      %dma_start3A = arith.constant 0 : i32
      %dma_start3A_134 = tpu.memref_slice %arg12[%dma_start3A] : memref<528xf32, #tpu.memory_space<vmem>> -> memref<512xf32, #tpu.memory_space<vmem>>
      %dma_start3A_135 = tpu.memref_slice %arg4[%mul3A_2] : memref<16384xf32, #tpu.memory_space<hbm>> -> memref<512xf32, #tpu.memory_space<hbm>>
      %dma_start3A_136 = arith.constant 0 : i32
      %dma_start3A_137 = tpu.memref_slice %arg12[%dma_start3A_136] : memref<528xf32, #tpu.memory_space<vmem>> -> memref<512xf32, #tpu.memory_space<vmem>>
      %dma_start3A_138 = tpu.memref_slice %arg4[%mul3A_2] : memref<16384xf32, #tpu.memory_space<hbm>> -> memref<512xf32, #tpu.memory_space<hbm>>
      tpu.enqueue_dma source(%dma_start3A_138 : memref<512xf32, #tpu.memory_space<hbm>>) target(%dma_start3A_137 : memref<512xf32, #tpu.memory_space<vmem>>) target_semaphore(%run_scoped3A : memref<!tpu.dma_semaphore, #tpu.memory_space<semaphore_mem>>)
      %dma_wait3A = arith.constant 0 : i32
      %dma_wait3A_139 = tpu.memref_slice %arg12[%dma_wait3A] : memref<528xf32, #tpu.memory_space<vmem>> -> memref<512xf32, #tpu.memory_space<vmem>>
      %dma_wait3A_140 = tpu.memref_slice %arg4[%mul3A_2] : memref<16384xf32, #tpu.memory_space<hbm>> -> memref<512xf32, #tpu.memory_space<hbm>>
      %dma_wait3A_141 = arith.constant 0 : i32
      %dma_wait3A_142 = tpu.memref_slice %arg12[%dma_wait3A_141] : memref<528xf32, #tpu.memory_space<vmem>> -> memref<512xf32, #tpu.memory_space<vmem>>
      %dma_wait3A_143 = tpu.memref_slice %arg4[%mul3A_2] : memref<16384xf32, #tpu.memory_space<hbm>> -> memref<512xf32, #tpu.memory_space<hbm>>
      tpu.wait_dma2 semaphore(%run_scoped3A : memref<!tpu.dma_semaphore, #tpu.memory_space<semaphore_mem>>) src(%dma_wait3A_143 : memref<512xf32, #tpu.memory_space<hbm>>) dst(%dma_wait3A_142 : memref<512xf32, #tpu.memory_space<vmem>>)
      tpu.yield
    }) : () -> ()
    "tpu.region"() ({
      %run_scoped3A = tpu.sem_alloc : memref<!tpu.dma_semaphore, #tpu.memory_space<semaphore_mem>>
      %dma_start3A = arith.constant 0 : i32
      %dma_start3A_134 = tpu.memref_slice %arg13[%dma_start3A] : memref<528xi32, #tpu.memory_space<vmem>> -> memref<512xi32, #tpu.memory_space<vmem>>
      %dma_start3A_135 = tpu.memref_slice %arg5[%mul3A_2] : memref<16384xi32, #tpu.memory_space<hbm>> -> memref<512xi32, #tpu.memory_space<hbm>>
      %dma_start3A_136 = arith.constant 0 : i32
      %dma_start3A_137 = tpu.memref_slice %arg13[%dma_start3A_136] : memref<528xi32, #tpu.memory_space<vmem>> -> memref<512xi32, #tpu.memory_space<vmem>>
      %dma_start3A_138 = tpu.memref_slice %arg5[%mul3A_2] : memref<16384xi32, #tpu.memory_space<hbm>> -> memref<512xi32, #tpu.memory_space<hbm>>
      tpu.enqueue_dma source(%dma_start3A_138 : memref<512xi32, #tpu.memory_space<hbm>>) target(%dma_start3A_137 : memref<512xi32, #tpu.memory_space<vmem>>) target_semaphore(%run_scoped3A : memref<!tpu.dma_semaphore, #tpu.memory_space<semaphore_mem>>)
      %dma_wait3A = arith.constant 0 : i32
      %dma_wait3A_139 = tpu.memref_slice %arg13[%dma_wait3A] : memref<528xi32, #tpu.memory_space<vmem>> -> memref<512xi32, #tpu.memory_space<vmem>>
      %dma_wait3A_140 = tpu.memref_slice %arg5[%mul3A_2] : memref<16384xi32, #tpu.memory_space<hbm>> -> memref<512xi32, #tpu.memory_space<hbm>>
      %dma_wait3A_141 = arith.constant 0 : i32
      %dma_wait3A_142 = tpu.memref_slice %arg13[%dma_wait3A_141] : memref<528xi32, #tpu.memory_space<vmem>> -> memref<512xi32, #tpu.memory_space<vmem>>
      %dma_wait3A_143 = tpu.memref_slice %arg5[%mul3A_2] : memref<16384xi32, #tpu.memory_space<hbm>> -> memref<512xi32, #tpu.memory_space<hbm>>
      tpu.wait_dma2 semaphore(%run_scoped3A : memref<!tpu.dma_semaphore, #tpu.memory_space<semaphore_mem>>) src(%dma_wait3A_143 : memref<512xi32, #tpu.memory_space<hbm>>) dst(%dma_wait3A_142 : memref<512xi32, #tpu.memory_space<vmem>>)
      tpu.yield
    }) : () -> ()
    "tpu.region"() ({
      %run_scoped3A = tpu.sem_alloc : memref<!tpu.dma_semaphore, #tpu.memory_space<semaphore_mem>>
      tpu.enqueue_dma source(%arg6 : memref<6x16xf32, #tpu.memory_space<hbm>>) target(%arg14 : memref<6x16xf32, #tpu.memory_space<vmem>>) target_semaphore(%run_scoped3A : memref<!tpu.dma_semaphore, #tpu.memory_space<semaphore_mem>>)
      tpu.wait_dma2 semaphore(%run_scoped3A : memref<!tpu.dma_semaphore, #tpu.memory_space<semaphore_mem>>) src(%arg6 : memref<6x16xf32, #tpu.memory_space<hbm>>) dst(%arg14 : memref<6x16xf32, #tpu.memory_space<vmem>>)
      tpu.yield
    }) : () -> ()
    "tpu.region"() ({
      %run_scoped3A = tpu.sem_alloc : memref<!tpu.dma_semaphore, #tpu.memory_space<semaphore_mem>>
      tpu.enqueue_dma source(%arg7 : memref<64xf32, #tpu.memory_space<hbm>>) target(%arg15 : memref<64xf32, #tpu.memory_space<vmem>>) target_semaphore(%run_scoped3A : memref<!tpu.dma_semaphore, #tpu.memory_space<semaphore_mem>>)
      tpu.wait_dma2 semaphore(%run_scoped3A : memref<!tpu.dma_semaphore, #tpu.memory_space<semaphore_mem>>) src(%arg7 : memref<64xf32, #tpu.memory_space<hbm>>) dst(%arg15 : memref<64xf32, #tpu.memory_space<vmem>>)
      tpu.yield
    }) : () -> ()
    "tpu.region"() ({
      %run_scoped3A = tpu.sem_alloc : memref<!tpu.dma_semaphore, #tpu.memory_space<semaphore_mem>>
      tpu.enqueue_dma source(%arg8 : memref<8192xf32, #tpu.memory_space<hbm>>) target(%arg16 : memref<8192xf32, #tpu.memory_space<vmem>>) target_semaphore(%run_scoped3A : memref<!tpu.dma_semaphore, #tpu.memory_space<semaphore_mem>>)
      tpu.wait_dma2 semaphore(%run_scoped3A : memref<!tpu.dma_semaphore, #tpu.memory_space<semaphore_mem>>) src(%arg8 : memref<8192xf32, #tpu.memory_space<hbm>>) dst(%arg16 : memref<8192xf32, #tpu.memory_space<vmem>>)
      tpu.yield
    }) : () -> ()
    "tpu.region"() ({
      %run_scoped3A = tpu.sem_alloc : memref<!tpu.dma_semaphore, #tpu.memory_space<semaphore_mem>>
      tpu.enqueue_dma source(%arg8 : memref<8192xf32, #tpu.memory_space<hbm>>) target(%arg17 : memref<8192xf32, #tpu.memory_space<vmem>>) target_semaphore(%run_scoped3A : memref<!tpu.dma_semaphore, #tpu.memory_space<semaphore_mem>>)
      tpu.wait_dma2 semaphore(%run_scoped3A : memref<!tpu.dma_semaphore, #tpu.memory_space<semaphore_mem>>) src(%arg8 : memref<8192xf32, #tpu.memory_space<hbm>>) dst(%arg17 : memref<8192xf32, #tpu.memory_space<vmem>>)
      tpu.yield
    }) : () -> ()
    "tpu.region"() ({
      %run_scoped3A = tpu.sem_alloc : memref<!tpu.dma_semaphore, #tpu.memory_space<semaphore_mem>>
      tpu.enqueue_dma source(%arg8 : memref<8192xf32, #tpu.memory_space<hbm>>) target(%arg18 : memref<8192xf32, #tpu.memory_space<vmem>>) target_semaphore(%run_scoped3A : memref<!tpu.dma_semaphore, #tpu.memory_space<semaphore_mem>>)
      tpu.wait_dma2 semaphore(%run_scoped3A : memref<!tpu.dma_semaphore, #tpu.memory_space<semaphore_mem>>) src(%arg8 : memref<8192xf32, #tpu.memory_space<hbm>>) dst(%arg18 : memref<8192xf32, #tpu.memory_space<vmem>>)
      tpu.yield
    }) : () -> ()
    "tpu.region"() ({
      %run_scoped3A = tpu.sem_alloc : memref<!tpu.dma_semaphore, #tpu.memory_space<semaphore_mem>>
      tpu.enqueue_dma source(%arg8 : memref<8192xf32, #tpu.memory_space<hbm>>) target(%arg19 : memref<8192xf32, #tpu.memory_space<vmem>>) target_semaphore(%run_scoped3A : memref<!tpu.dma_semaphore, #tpu.memory_space<semaphore_mem>>)
      tpu.wait_dma2 semaphore(%run_scoped3A : memref<!tpu.dma_semaphore, #tpu.memory_space<semaphore_mem>>) src(%arg8 : memref<8192xf32, #tpu.memory_space<hbm>>) dst(%arg19 : memref<8192xf32, #tpu.memory_space<vmem>>)
      tpu.yield
    }) : () -> ()
    %get3A = arith.constant 0 : i32
    %get3A_3 = arith.index_cast %get3A : i32 to index
    %get3A_4 = arith.constant 0 : index
    %get3A_5 = tpu.vector_load %arg14[%get3A_3, %get3A_4] {strides = array<i32>} : memref<6x16xf32, #tpu.memory_space<vmem>>, vector<1x16xf32>,
    %get3A_6 = vector.shape_cast %get3A_5 : vector<1x16xf32> to vector<16xf32>
    %get3A_7 = arith.constant 1 : i32
    %get3A_8 = arith.index_cast %get3A_7 : i32 to index
    %get3A_9 = arith.constant 0 : index
    %get3A_10 = tpu.vector_load %arg14[%get3A_8, %get3A_9] {strides = array<i32>} : memref<6x16xf32, #tpu.memory_space<vmem>>, vector<1x16xf32>,
    %get3A_11 = vector.shape_cast %get3A_10 : vector<1x16xf32> to vector<16xf32>
    %get3A_12 = arith.constant 2 : i32
    %get3A_13 = arith.index_cast %get3A_12 : i32 to index
    %get3A_14 = arith.constant 0 : index
    %get3A_15 = tpu.vector_load %arg14[%get3A_13, %get3A_14] {strides = array<i32>} : memref<6x16xf32, #tpu.memory_space<vmem>>, vector<1x16xf32>,
    %get3A_16 = vector.shape_cast %get3A_15 : vector<1x16xf32> to vector<16xf32>
    %get3A_17 = arith.constant 3 : i32
    %get3A_18 = arith.index_cast %get3A_17 : i32 to index
    %get3A_19 = arith.constant 0 : index
    %get3A_20 = tpu.vector_load %arg14[%get3A_18, %get3A_19] {strides = array<i32>} : memref<6x16xf32, #tpu.memory_space<vmem>>, vector<1x16xf32>,
    %get3A_21 = vector.shape_cast %get3A_20 : vector<1x16xf32> to vector<16xf32>
    %get3A_22 = arith.constant 4 : i32
    %get3A_23 = arith.index_cast %get3A_22 : i32 to index
    %get3A_24 = arith.constant 0 : index
    %get3A_25 = tpu.vector_load %arg14[%get3A_23, %get3A_24] {strides = array<i32>} : memref<6x16xf32, #tpu.memory_space<vmem>>, vector<1x16xf32>,
    %get3A_26 = vector.shape_cast %get3A_25 : vector<1x16xf32> to vector<16xf32>
    %get3A_27 = arith.constant 5 : i32
    %get3A_28 = arith.index_cast %get3A_27 : i32 to index
    %get3A_29 = arith.constant 0 : index
    %get3A_30 = tpu.vector_load %arg14[%get3A_28, %get3A_29] {strides = array<i32>} : memref<6x16xf32, #tpu.memory_space<vmem>>, vector<1x16xf32>,
    %get3A_31 = vector.shape_cast %get3A_30 : vector<1x16xf32> to vector<16xf32>
    %iota3A = tpu.iota {dimensions = array<i32: 0>} : vector<16xi32>
    %get3A_32 = arith.constant 0 : index
    %get3A_33 = tpu.vector_load %arg15[%get3A_32] {strides = array<i32>} : memref<64xf32, #tpu.memory_space<vmem>>, vector<16xf32>,
    %get3A_34 = vector.shape_cast %get3A_33 : vector<16xf32> to vector<16xf32>
    %broadcast_in_dim3A = arith.constant 0 : i32
    %broadcast_in_dim3A_35 = vector.broadcast %broadcast_in_dim3A : i32 to vector<16x1xi32>
    %gather3A = vector.shape_cast %broadcast_in_dim3A_35 : vector<16x1xi32> to vector<16xi32>
    %gather3A_36 = tpu.dynamic_gather %get3A_34[%gather3A] in [0] : vector<16xf32>, vector<16xi32> -> vector<16xf32>
    %broadcast_in_dim3A_37 = arith.constant 1 : i32
    %broadcast_in_dim3A_38 = vector.broadcast %broadcast_in_dim3A_37 : i32 to vector<16x1xi32>
    %gather3A_39 = vector.shape_cast %broadcast_in_dim3A_38 : vector<16x1xi32> to vector<16xi32>
    %gather3A_40 = tpu.dynamic_gather %get3A_34[%gather3A_39] in [0] : vector<16xf32>, vector<16xi32> -> vector<16xf32>
    %sub3A = arith.subf %gather3A_40, %gather3A_36 : vector<16xf32>
    %div3A = arith.constant 1.000000e+00 : f32
    %div3A_41 = vector.broadcast %div3A : f32 to vector<16xf32>
    %div3A_42 = arith.divf %div3A_41, %sub3A : vector<16xf32>
    %convert_element_type3A = arith.sitofp %iota3A : vector<16xi32> to vector<16xf32>
    %mul3A_43 = arith.mulf %sub3A, %convert_element_type3A : vector<16xf32>
    %add3A_44 = arith.constant 2.100000e+01 : f32
    %add3A_45 = vector.broadcast %add3A_44 : f32 to vector<16xf32>
    %add3A_46 = arith.addf %gather3A_36, %add3A_45 : vector<16xf32>
    %sub3A_47 = arith.constant 1 : i32
    %sub3A_48 = vector.broadcast %sub3A_47 : i32 to vector<16xi32>
    %sub3A_49 = arith.subi %iota3A, %sub3A_48 : vector<16xi32>
    %max3A = arith.constant 0 : i32
    %max3A_50 = vector.broadcast %max3A : i32 to vector<16xi32>
    %max3A_51 = arith.maxsi %sub3A_49, %max3A_50 : vector<16xi32>
    %eq3A = arith.constant 0 : i32
    %eq3A_52 = vector.broadcast %eq3A : i32 to vector<16xi32>
    %eq3A_53 = arith.cmpi eq, %iota3A, %eq3A_52 : vector<16xi32>
    %jit3A = arith.constant 0.000000e+00 : f32
    %jit3A_54 = arith.constant 1.000000e+00 : f32
    %broadcast_in_dim3A_55 = vector.broadcast %jit3A : f32 to vector<16xf32>
    %broadcast_in_dim3A_56 = vector.broadcast %jit3A_54 : f32 to vector<16xf32>
    %select_n3A = arith.select %eq3A_53, %broadcast_in_dim3A_55, %broadcast_in_dim3A_56 : vector<16xi1>, vector<16xf32>
    %scan3A = arith.constant 0 : i32
    %scan3A_57 = arith.constant 0 : i32
    %scan3A_58 = arith.constant 48 : i32
    %scan3A_59 = arith.constant 1.000000e+00 : f32
    %scan3A_60 = arith.constant 0 : i32
    %scan3A_61 = arith.constant 512 : i32
    %scan3A_62 = arith.addi %scan3A_60, %scan3A_61 : i32
    %scan3A_63 = arith.constant 1 : i32
    scf.for %scan3A_134 = %scan3A_60 to %scan3A_62 step %scan3A_63  : i32 {
      %get3A_135 = arith.index_cast %scan3A_134 : i32 to index
      %get3A_136 = tpu.vector_load %arg10[%get3A_135] {strides = array<i32>} : memref<528xf32, #tpu.memory_space<vmem>>, vector<16xf32>,
      %get3A_137 = vector.shape_cast %get3A_136 : vector<16xf32> to vector<16xf32>
      %slice3A = vector.extract_strided_slice %get3A_137 {offsets = [0], sizes = [1], strides = [1]} : vector<16xf32> to vector<1xf32>
      %squeeze3A = vector.extract %slice3A[0] : f32 from vector<1xf32>
      %get3A_138 = arith.index_cast %scan3A_134 : i32 to index
      %get3A_139 = tpu.vector_load %arg11[%get3A_138] {strides = array<i32>} : memref<528xf32, #tpu.memory_space<vmem>>, vector<16xf32>,
      %get3A_140 = vector.shape_cast %get3A_139 : vector<16xf32> to vector<16xf32>
      %slice3A_141 = vector.extract_strided_slice %get3A_140 {offsets = [0], sizes = [1], strides = [1]} : vector<16xf32> to vector<1xf32>
      %squeeze3A_142 = vector.extract %slice3A_141[0] : f32 from vector<1xf32>
      %get3A_143 = arith.index_cast %scan3A_134 : i32 to index
      %get3A_144 = tpu.vector_load %arg12[%get3A_143] {strides = array<i32>} : memref<528xf32, #tpu.memory_space<vmem>>, vector<16xf32>,
      %get3A_145 = vector.shape_cast %get3A_144 : vector<16xf32> to vector<16xf32>
      %slice3A_146 = vector.extract_strided_slice %get3A_145 {offsets = [0], sizes = [1], strides = [1]} : vector<16xf32> to vector<1xf32>
      %squeeze3A_147 = vector.extract %slice3A_146[0] : f32 from vector<1xf32>
      %get3A_148 = arith.index_cast %scan3A_134 : i32 to index
      %get3A_149 = tpu.vector_load %arg13[%get3A_148] {strides = array<i32>} : memref<528xi32, #tpu.memory_space<vmem>>, vector<16xi32>,
      %get3A_150 = vector.shape_cast %get3A_149 : vector<16xi32> to vector<16xi32>
      %slice3A_151 = vector.extract_strided_slice %get3A_150 {offsets = [0], sizes = [1], strides = [1]} : vector<16xi32> to vector<1xi32>
      %squeeze3A_152 = vector.extract %slice3A_151[0] : i32 from vector<1xi32>
      %mul3A_153 = vector.broadcast %squeeze3A : f32 to vector<16xf32>
      %mul3A_154 = arith.mulf %mul3A_153, %get3A_6 : vector<16xf32>
      %mul3A_155 = vector.broadcast %squeeze3A_142 : f32 to vector<16xf32>
      %mul3A_156 = arith.mulf %mul3A_155, %get3A_16 : vector<16xf32>
      %add3A_157 = arith.addf %mul3A_154, %mul3A_156 : vector<16xf32>
      %mul3A_158 = vector.broadcast %squeeze3A_147 : f32 to vector<16xf32>
      %mul3A_159 = arith.mulf %mul3A_158, %get3A_26 : vector<16xf32>
      %add3A_160 = arith.addf %add3A_157, %mul3A_159 : vector<16xf32>
      %mul3A_161 = vector.broadcast %squeeze3A : f32 to vector<16xf32>
      %mul3A_162 = arith.mulf %mul3A_161, %get3A_11 : vector<16xf32>
      %mul3A_163 = vector.broadcast %squeeze3A_142 : f32 to vector<16xf32>
      %mul3A_164 = arith.mulf %mul3A_163, %get3A_21 : vector<16xf32>
      %add3A_165 = arith.addf %mul3A_162, %mul3A_164 : vector<16xf32>
      %mul3A_166 = vector.broadcast %squeeze3A_147 : f32 to vector<16xf32>
      %mul3A_167 = arith.mulf %mul3A_166, %get3A_31 : vector<16xf32>
      %add3A_168 = arith.addf %add3A_165, %mul3A_167 : vector<16xf32>
      %sub3A_169 = arith.subf %add3A_160, %add3A_46 : vector<16xf32>
      %mul3A_170 = arith.mulf %sub3A_169, %div3A_42 : vector<16xf32>
      %convert_element_type3A_171 = arith.fptosi %mul3A_170 : vector<16xf32> to vector<16xi32>
      %sub3A_172 = arith.constant 1 : i32
      %sub3A_173 = vector.broadcast %sub3A_172 : i32 to vector<16xi32>
      %sub3A_174 = arith.subi %convert_element_type3A_171, %sub3A_173 : vector<16xi32>
      %max3A_175 = vector.broadcast %scan3A_57 : i32 to vector<16xi32>
      %max3A_176 = arith.maxsi %max3A_175, %sub3A_174 : vector<16xi32>
      %min3A = vector.broadcast %scan3A_58 : i32 to vector<16xi32>
      %min3A_177 = arith.minsi %min3A, %max3A_176 : vector<16xi32>
      %sub3A_178 = arith.subf %add3A_168, %add3A_46 : vector<16xf32>
      %mul3A_179 = arith.mulf %sub3A_178, %div3A_42 : vector<16xf32>
      %convert_element_type3A_180 = arith.fptosi %mul3A_179 : vector<16xf32> to vector<16xi32>
      %sub3A_181 = arith.constant 1 : i32
      %sub3A_182 = vector.broadcast %sub3A_181 : i32 to vector<16xi32>
      %sub3A_183 = arith.subi %convert_element_type3A_180, %sub3A_182 : vector<16xi32>
      %max3A_184 = vector.broadcast %scan3A_57 : i32 to vector<16xi32>
      %max3A_185 = arith.maxsi %max3A_184, %sub3A_183 : vector<16xi32>
      %min3A_186 = vector.broadcast %scan3A_58 : i32 to vector<16xi32>
      %min3A_187 = arith.minsi %min3A_186, %max3A_185 : vector<16xi32>
      %sub3A_188 = arith.subf %add3A_160, %gather3A_36 : vector<16xf32>
      %convert_element_type3A_189 = arith.sitofp %min3A_177 : vector<16xi32> to vector<16xf32>
      %mul3A_190 = arith.mulf %sub3A, %convert_element_type3A_189 : vector<16xf32>
      %sub3A_191 = arith.subf %sub3A_188, %mul3A_190 : vector<16xf32>
      %sub3A_192 = arith.subf %add3A_168, %gather3A_36 : vector<16xf32>
      %convert_element_type3A_193 = arith.sitofp %min3A_187 : vector<16xi32> to vector<16xf32>
      %mul3A_194 = arith.mulf %sub3A, %convert_element_type3A_193 : vector<16xf32>
      %sub3A_195 = arith.subf %sub3A_192, %mul3A_194 : vector<16xf32>
      %mul3A_196 = arith.constant 512 : i32
      %mul3A_197 = arith.muli %squeeze3A_152, %mul3A_196 : i32
      %slice3A_198 = vector.extract_strided_slice %sub3A_191 {offsets = [0], sizes = [1], strides = [1]} : vector<16xf32> to vector<1xf32>
      %squeeze3A_199 = vector.extract %slice3A_198[0] : f32 from vector<1xf32>
      %slice3A_200 = vector.extract_strided_slice %min3A_177 {offsets = [0], sizes = [1], strides = [1]} : vector<16xi32> to vector<1xi32>
      %squeeze3A_201 = vector.extract %slice3A_200[0] : i32 from vector<1xi32>
      %sub3A_202 = vector.broadcast %squeeze3A_199 : f32 to vector<16xf32>
      %sub3A_203 = arith.subf %sub3A_202, %mul3A_43 : vector<16xf32>
      %exp3A = math.exp %sub3A_203 : vector<16xf32>
      %slice3A_204 = vector.extract_strided_slice %sub3A_191 {offsets = [1], sizes = [1], strides = [1]} : vector<16xf32> to vector<1xf32>
      %squeeze3A_205 = vector.extract %slice3A_204[0] : f32 from vector<1xf32>
      %slice3A_206 = vector.extract_strided_slice %min3A_177 {offsets = [1], sizes = [1], strides = [1]} : vector<16xi32> to vector<1xi32>
      %squeeze3A_207 = vector.extract %slice3A_206[0] : i32 from vector<1xi32>
      %sub3A_208 = vector.broadcast %squeeze3A_205 : f32 to vector<16xf32>
      %sub3A_209 = arith.subf %sub3A_208, %mul3A_43 : vector<16xf32>
      %exp3A_210 = math.exp %sub3A_209 : vector<16xf32>
      %slice3A_211 = vector.extract_strided_slice %sub3A_191 {offsets = [2], sizes = [1], strides = [1]} : vector<16xf32> to vector<1xf32>
      %squeeze3A_212 = vector.extract %slice3A_211[0] : f32 from vector<1xf32>
      %slice3A_213 = vector.extract_strided_slice %min3A_177 {offsets = [2], sizes = [1], strides = [1]} : vector<16xi32> to vector<1xi32>
      %squeeze3A_214 = vector.extract %slice3A_213[0] : i32 from vector<1xi32>
      %sub3A_215 = vector.broadcast %squeeze3A_212 : f32 to vector<16xf32>
      %sub3A_216 = arith.subf %sub3A_215, %mul3A_43 : vector<16xf32>
      %exp3A_217 = math.exp %sub3A_216 : vector<16xf32>
      %slice3A_218 = vector.extract_strided_slice %sub3A_191 {offsets = [3], sizes = [1], strides = [1]} : vector<16xf32> to vector<1xf32>
      %squeeze3A_219 = vector.extract %slice3A_218[0] : f32 from vector<1xf32>
      %slice3A_220 = vector.extract_strided_slice %min3A_177 {offsets = [3], sizes = [1], strides = [1]} : vector<16xi32> to vector<1xi32>
      %squeeze3A_221 = vector.extract %slice3A_220[0] : i32 from vector<1xi32>
      %sub3A_222 = vector.broadcast %squeeze3A_219 : f32 to vector<16xf32>
      %sub3A_223 = arith.subf %sub3A_222, %mul3A_43 : vector<16xf32>
      %exp3A_224 = math.exp %sub3A_223 : vector<16xf32>
      %slice3A_225 = vector.extract_strided_slice %sub3A_191 {offsets = [4], sizes = [1], strides = [1]} : vector<16xf32> to vector<1xf32>
      %squeeze3A_226 = vector.extract %slice3A_225[0] : f32 from vector<1xf32>
      %slice3A_227 = vector.extract_strided_slice %min3A_177 {offsets = [4], sizes = [1], strides = [1]} : vector<16xi32> to vector<1xi32>
      %squeeze3A_228 = vector.extract %slice3A_227[0] : i32 from vector<1xi32>
      %sub3A_229 = vector.broadcast %squeeze3A_226 : f32 to vector<16xf32>
      %sub3A_230 = arith.subf %sub3A_229, %mul3A_43 : vector<16xf32>
      %exp3A_231 = math.exp %sub3A_230 : vector<16xf32>
      %slice3A_232 = vector.extract_strided_slice %sub3A_191 {offsets = [5], sizes = [1], strides = [1]} : vector<16xf32> to vector<1xf32>
      %squeeze3A_233 = vector.extract %slice3A_232[0] : f32 from vector<1xf32>
      %slice3A_234 = vector.extract_strided_slice %min3A_177 {offsets = [5], sizes = [1], strides = [1]} : vector<16xi32> to vector<1xi32>
      %squeeze3A_235 = vector.extract %slice3A_234[0] : i32 from vector<1xi32>
      %sub3A_236 = vector.broadcast %squeeze3A_233 : f32 to vector<16xf32>
      %sub3A_237 = arith.subf %sub3A_236, %mul3A_43 : vector<16xf32>
      %exp3A_238 = math.exp %sub3A_237 : vector<16xf32>
      %slice3A_239 = vector.extract_strided_slice %sub3A_191 {offsets = [6], sizes = [1], strides = [1]} : vector<16xf32> to vector<1xf32>
      %squeeze3A_240 = vector.extract %slice3A_239[0] : f32 from vector<1xf32>
      %slice3A_241 = vector.extract_strided_slice %min3A_177 {offsets = [6], sizes = [1], strides = [1]} : vector<16xi32> to vector<1xi32>
      %squeeze3A_242 = vector.extract %slice3A_241[0] : i32 from vector<1xi32>
      %sub3A_243 = vector.broadcast %squeeze3A_240 : f32 to vector<16xf32>
      %sub3A_244 = arith.subf %sub3A_243, %mul3A_43 : vector<16xf32>
      %exp3A_245 = math.exp %sub3A_244 : vector<16xf32>
      %slice3A_246 = vector.extract_strided_slice %sub3A_191 {offsets = [7], sizes = [1], strides = [1]} : vector<16xf32> to vector<1xf32>
      %squeeze3A_247 = vector.extract %slice3A_246[0] : f32 from vector<1xf32>
      %slice3A_248 = vector.extract_strided_slice %min3A_177 {offsets = [7], sizes = [1], strides = [1]} : vector<16xi32> to vector<1xi32>
      %squeeze3A_249 = vector.extract %slice3A_248[0] : i32 from vector<1xi32>
      %sub3A_250 = vector.broadcast %squeeze3A_247 : f32 to vector<16xf32>
      %sub3A_251 = arith.subf %sub3A_250, %mul3A_43 : vector<16xf32>
      %exp3A_252 = math.exp %sub3A_251 : vector<16xf32>
      %add3A_253 = vector.broadcast %scan3A_59 : f32 to vector<16xf32>
      %add3A_254 = arith.addf %add3A_253, %exp3A : vector<16xf32>
      %div3A_255 = vector.broadcast %scan3A_59 : f32 to vector<16xf32>
      %div3A_256 = arith.divf %div3A_255, %add3A_254 : vector<16xf32>
      %add3A_257 = vector.broadcast %scan3A_59 : f32 to vector<16xf32>
      %add3A_258 = arith.addf %add3A_257, %exp3A_210 : vector<16xf32>
      %div3A_259 = vector.broadcast %scan3A_59 : f32 to vector<16xf32>
      %div3A_260 = arith.divf %div3A_259, %add3A_258 : vector<16xf32>
      %add3A_261 = vector.broadcast %scan3A_59 : f32 to vector<16xf32>
      %add3A_262 = arith.addf %add3A_261, %exp3A_217 : vector<16xf32>
      %div3A_263 = vector.broadcast %scan3A_59 : f32 to vector<16xf32>
      %div3A_264 = arith.divf %div3A_263, %add3A_262 : vector<16xf32>
      %add3A_265 = vector.broadcast %scan3A_59 : f32 to vector<16xf32>
      %add3A_266 = arith.addf %add3A_265, %exp3A_224 : vector<16xf32>
      %div3A_267 = vector.broadcast %scan3A_59 : f32 to vector<16xf32>
      %div3A_268 = arith.divf %div3A_267, %add3A_266 : vector<16xf32>
      %add3A_269 = vector.broadcast %scan3A_59 : f32 to vector<16xf32>
      %add3A_270 = arith.addf %add3A_269, %exp3A_231 : vector<16xf32>
      %div3A_271 = vector.broadcast %scan3A_59 : f32 to vector<16xf32>
      %div3A_272 = arith.divf %div3A_271, %add3A_270 : vector<16xf32>
      %add3A_273 = vector.broadcast %scan3A_59 : f32 to vector<16xf32>
      %add3A_274 = arith.addf %add3A_273, %exp3A_238 : vector<16xf32>
      %div3A_275 = vector.broadcast %scan3A_59 : f32 to vector<16xf32>
      %div3A_276 = arith.divf %div3A_275, %add3A_274 : vector<16xf32>
      %add3A_277 = vector.broadcast %scan3A_59 : f32 to vector<16xf32>
      %add3A_278 = arith.addf %add3A_277, %exp3A_245 : vector<16xf32>
      %div3A_279 = vector.broadcast %scan3A_59 : f32 to vector<16xf32>
      %div3A_280 = arith.divf %div3A_279, %add3A_278 : vector<16xf32>
      %add3A_281 = vector.broadcast %scan3A_59 : f32 to vector<16xf32>
      %add3A_282 = arith.addf %add3A_281, %exp3A_252 : vector<16xf32>
      %div3A_283 = vector.broadcast %scan3A_59 : f32 to vector<16xf32>
      %div3A_284 = arith.divf %div3A_283, %add3A_282 : vector<16xf32>
      %broadcast_in_dim3A_285 = vector.shape_cast %max3A_51 : vector<16xi32> to vector<16x1xi32>
      %gather3A_286 = vector.shape_cast %broadcast_in_dim3A_285 : vector<16x1xi32> to vector<16xi32>
      %gather3A_287 = tpu.dynamic_gather %div3A_256[%gather3A_286] in [0] : vector<16xf32>, vector<16xi32> -> vector<16xf32>
      %mul3A_288 = arith.mulf %gather3A_287, %select_n3A : vector<16xf32>
      %sub3A_289 = arith.subf %div3A_256, %mul3A_288 : vector<16xf32>
      %add3A_290 = arith.constant 0 : i32
      %add3A_291 = arith.addi %mul3A_197, %add3A_290 : i32
      %add3A_292 = arith.addi %add3A_291, %squeeze3A_201 : i32
      %get3A_293 = arith.index_cast %add3A_292 : i32 to index
      %get3A_294 = tpu.vector_load %arg16[%get3A_293] {strides = array<i32>} : memref<8192xf32, #tpu.memory_space<vmem>>, vector<16xf32>,
      %get3A_295 = vector.shape_cast %get3A_294 : vector<16xf32> to vector<16xf32>
      %add3A_296 = arith.addf %get3A_295, %sub3A_289 : vector<16xf32>
      %swap3A = arith.index_cast %add3A_292 : i32 to index
      %swap3A_297 = tpu.vector_load %arg16[%swap3A] {strides = array<i32>} : memref<8192xf32, #tpu.memory_space<vmem>>, vector<16xf32>,
      %swap3A_298 = vector.shape_cast %swap3A_297 : vector<16xf32> to vector<16xf32>
      %swap3A_299 = vector.shape_cast %add3A_296 : vector<16xf32> to vector<16xf32>
      tpu.vector_store %arg16[%swap3A], %swap3A_299 {strides = array<i32>} : memref<8192xf32, #tpu.memory_space<vmem>>, vector<16xf32>,
      %broadcast_in_dim3A_300 = vector.shape_cast %max3A_51 : vector<16xi32> to vector<16x1xi32>
      %gather3A_301 = vector.shape_cast %broadcast_in_dim3A_300 : vector<16x1xi32> to vector<16xi32>
      %gather3A_302 = tpu.dynamic_gather %div3A_260[%gather3A_301] in [0] : vector<16xf32>, vector<16xi32> -> vector<16xf32>
      %mul3A_303 = arith.mulf %gather3A_302, %select_n3A : vector<16xf32>
      %sub3A_304 = arith.subf %div3A_260, %mul3A_303 : vector<16xf32>
      %add3A_305 = arith.constant 0 : i32
      %add3A_306 = arith.addi %mul3A_197, %add3A_305 : i32
      %add3A_307 = arith.addi %add3A_306, %squeeze3A_207 : i32
      %get3A_308 = arith.index_cast %add3A_307 : i32 to index
      %get3A_309 = tpu.vector_load %arg17[%get3A_308] {strides = array<i32>} : memref<8192xf32, #tpu.memory_space<vmem>>, vector<16xf32>,
      %get3A_310 = vector.shape_cast %get3A_309 : vector<16xf32> to vector<16xf32>
      %add3A_311 = arith.addf %get3A_310, %sub3A_304 : vector<16xf32>
      %swap3A_312 = arith.index_cast %add3A_307 : i32 to index
      %swap3A_313 = tpu.vector_load %arg17[%swap3A_312] {strides = array<i32>} : memref<8192xf32, #tpu.memory_space<vmem>>, vector<16xf32>,
      %swap3A_314 = vector.shape_cast %swap3A_313 : vector<16xf32> to vector<16xf32>
      %swap3A_315 = vector.shape_cast %add3A_311 : vector<16xf32> to vector<16xf32>
      tpu.vector_store %arg17[%swap3A_312], %swap3A_315 {strides = array<i32>} : memref<8192xf32, #tpu.memory_space<vmem>>, vector<16xf32>,
      %broadcast_in_dim3A_316 = vector.shape_cast %max3A_51 : vector<16xi32> to vector<16x1xi32>
      %gather3A_317 = vector.shape_cast %broadcast_in_dim3A_316 : vector<16x1xi32> to vector<16xi32>
      %gather3A_318 = tpu.dynamic_gather %div3A_264[%gather3A_317] in [0] : vector<16xf32>, vector<16xi32> -> vector<16xf32>
      %mul3A_319 = arith.mulf %gather3A_318, %select_n3A : vector<16xf32>
      %sub3A_320 = arith.subf %div3A_264, %mul3A_319 : vector<16xf32>
      %add3A_321 = arith.constant 0 : i32
      %add3A_322 = arith.addi %mul3A_197, %add3A_321 : i32
      %add3A_323 = arith.addi %add3A_322, %squeeze3A_214 : i32
      %get3A_324 = arith.index_cast %add3A_323 : i32 to index
      %get3A_325 = tpu.vector_load %arg18[%get3A_324] {strides = array<i32>} : memref<8192xf32, #tpu.memory_space<vmem>>, vector<16xf32>,
      %get3A_326 = vector.shape_cast %get3A_325 : vector<16xf32> to vector<16xf32>
      %add3A_327 = arith.addf %get3A_326, %sub3A_320 : vector<16xf32>
      %swap3A_328 = arith.index_cast %add3A_323 : i32 to index
      %swap3A_329 = tpu.vector_load %arg18[%swap3A_328] {strides = array<i32>} : memref<8192xf32, #tpu.memory_space<vmem>>, vector<16xf32>,
      %swap3A_330 = vector.shape_cast %swap3A_329 : vector<16xf32> to vector<16xf32>
      %swap3A_331 = vector.shape_cast %add3A_327 : vector<16xf32> to vector<16xf32>
      tpu.vector_store %arg18[%swap3A_328], %swap3A_331 {strides = array<i32>} : memref<8192xf32, #tpu.memory_space<vmem>>, vector<16xf32>,
      %broadcast_in_dim3A_332 = vector.shape_cast %max3A_51 : vector<16xi32> to vector<16x1xi32>
      %gather3A_333 = vector.shape_cast %broadcast_in_dim3A_332 : vector<16x1xi32> to vector<16xi32>
      %gather3A_334 = tpu.dynamic_gather %div3A_268[%gather3A_333] in [0] : vector<16xf32>, vector<16xi32> -> vector<16xf32>
      %mul3A_335 = arith.mulf %gather3A_334, %select_n3A : vector<16xf32>
      %sub3A_336 = arith.subf %div3A_268, %mul3A_335 : vector<16xf32>
      %add3A_337 = arith.constant 0 : i32
      %add3A_338 = arith.addi %mul3A_197, %add3A_337 : i32
      %add3A_339 = arith.addi %add3A_338, %squeeze3A_221 : i32
      %get3A_340 = arith.index_cast %add3A_339 : i32 to index
      %get3A_341 = tpu.vector_load %arg19[%get3A_340] {strides = array<i32>} : memref<8192xf32, #tpu.memory_space<vmem>>, vector<16xf32>,
      %get3A_342 = vector.shape_cast %get3A_341 : vector<16xf32> to vector<16xf32>
      %add3A_343 = arith.addf %get3A_342, %sub3A_336 : vector<16xf32>
      %swap3A_344 = arith.index_cast %add3A_339 : i32 to index
      %swap3A_345 = tpu.vector_load %arg19[%swap3A_344] {strides = array<i32>} : memref<8192xf32, #tpu.memory_space<vmem>>, vector<16xf32>,
      %swap3A_346 = vector.shape_cast %swap3A_345 : vector<16xf32> to vector<16xf32>
      %swap3A_347 = vector.shape_cast %add3A_343 : vector<16xf32> to vector<16xf32>
      tpu.vector_store %arg19[%swap3A_344], %swap3A_347 {strides = array<i32>} : memref<8192xf32, #tpu.memory_space<vmem>>, vector<16xf32>,
      %broadcast_in_dim3A_348 = vector.shape_cast %max3A_51 : vector<16xi32> to vector<16x1xi32>
      %gather3A_349 = vector.shape_cast %broadcast_in_dim3A_348 : vector<16x1xi32> to vector<16xi32>
      %gather3A_350 = tpu.dynamic_gather %div3A_272[%gather3A_349] in [0] : vector<16xf32>, vector<16xi32> -> vector<16xf32>
      %mul3A_351 = arith.mulf %gather3A_350, %select_n3A : vector<16xf32>
      %sub3A_352 = arith.subf %div3A_272, %mul3A_351 : vector<16xf32>
      %add3A_353 = arith.constant 64 : i32
      %add3A_354 = arith.addi %mul3A_197, %add3A_353 : i32
      %add3A_355 = arith.addi %add3A_354, %squeeze3A_228 : i32
      %get3A_356 = arith.index_cast %add3A_355 : i32 to index
      %get3A_357 = tpu.vector_load %arg16[%get3A_356] {strides = array<i32>} : memref<8192xf32, #tpu.memory_space<vmem>>, vector<16xf32>,
      %get3A_358 = vector.shape_cast %get3A_357 : vector<16xf32> to vector<16xf32>
      %add3A_359 = arith.addf %get3A_358, %sub3A_352 : vector<16xf32>
      %swap3A_360 = arith.index_cast %add3A_355 : i32 to index
      %swap3A_361 = tpu.vector_load %arg16[%swap3A_360] {strides = array<i32>} : memref<8192xf32, #tpu.memory_space<vmem>>, vector<16xf32>,
      %swap3A_362 = vector.shape_cast %swap3A_361 : vector<16xf32> to vector<16xf32>
      %swap3A_363 = vector.shape_cast %add3A_359 : vector<16xf32> to vector<16xf32>
      tpu.vector_store %arg16[%swap3A_360], %swap3A_363 {strides = array<i32>} : memref<8192xf32, #tpu.memory_space<vmem>>, vector<16xf32>,
      %broadcast_in_dim3A_364 = vector.shape_cast %max3A_51 : vector<16xi32> to vector<16x1xi32>
      %gather3A_365 = vector.shape_cast %broadcast_in_dim3A_364 : vector<16x1xi32> to vector<16xi32>
      %gather3A_366 = tpu.dynamic_gather %div3A_276[%gather3A_365] in [0] : vector<16xf32>, vector<16xi32> -> vector<16xf32>
      %mul3A_367 = arith.mulf %gather3A_366, %select_n3A : vector<16xf32>
      %sub3A_368 = arith.subf %div3A_276, %mul3A_367 : vector<16xf32>
      %add3A_369 = arith.constant 64 : i32
      %add3A_370 = arith.addi %mul3A_197, %add3A_369 : i32
      %add3A_371 = arith.addi %add3A_370, %squeeze3A_235 : i32
      %get3A_372 = arith.index_cast %add3A_371 : i32 to index
      %get3A_373 = tpu.vector_load %arg17[%get3A_372] {strides = array<i32>} : memref<8192xf32, #tpu.memory_space<vmem>>, vector<16xf32>,
      %get3A_374 = vector.shape_cast %get3A_373 : vector<16xf32> to vector<16xf32>
      %add3A_375 = arith.addf %get3A_374, %sub3A_368 : vector<16xf32>
      %swap3A_376 = arith.index_cast %add3A_371 : i32 to index
      %swap3A_377 = tpu.vector_load %arg17[%swap3A_376] {strides = array<i32>} : memref<8192xf32, #tpu.memory_space<vmem>>, vector<16xf32>,
      %swap3A_378 = vector.shape_cast %swap3A_377 : vector<16xf32> to vector<16xf32>
      %swap3A_379 = vector.shape_cast %add3A_375 : vector<16xf32> to vector<16xf32>
      tpu.vector_store %arg17[%swap3A_376], %swap3A_379 {strides = array<i32>} : memref<8192xf32, #tpu.memory_space<vmem>>, vector<16xf32>,
      %broadcast_in_dim3A_380 = vector.shape_cast %max3A_51 : vector<16xi32> to vector<16x1xi32>
      %gather3A_381 = vector.shape_cast %broadcast_in_dim3A_380 : vector<16x1xi32> to vector<16xi32>
      %gather3A_382 = tpu.dynamic_gather %div3A_280[%gather3A_381] in [0] : vector<16xf32>, vector<16xi32> -> vector<16xf32>
      %mul3A_383 = arith.mulf %gather3A_382, %select_n3A : vector<16xf32>
      %sub3A_384 = arith.subf %div3A_280, %mul3A_383 : vector<16xf32>
      %add3A_385 = arith.constant 64 : i32
      %add3A_386 = arith.addi %mul3A_197, %add3A_385 : i32
      %add3A_387 = arith.addi %add3A_386, %squeeze3A_242 : i32
      %get3A_388 = arith.index_cast %add3A_387 : i32 to index
      %get3A_389 = tpu.vector_load %arg18[%get3A_388] {strides = array<i32>} : memref<8192xf32, #tpu.memory_space<vmem>>, vector<16xf32>,
      %get3A_390 = vector.shape_cast %get3A_389 : vector<16xf32> to vector<16xf32>
      %add3A_391 = arith.addf %get3A_390, %sub3A_384 : vector<16xf32>
      %swap3A_392 = arith.index_cast %add3A_387 : i32 to index
      %swap3A_393 = tpu.vector_load %arg18[%swap3A_392] {strides = array<i32>} : memref<8192xf32, #tpu.memory_space<vmem>>, vector<16xf32>,
      %swap3A_394 = vector.shape_cast %swap3A_393 : vector<16xf32> to vector<16xf32>
      %swap3A_395 = vector.shape_cast %add3A_391 : vector<16xf32> to vector<16xf32>
      tpu.vector_store %arg18[%swap3A_392], %swap3A_395 {strides = array<i32>} : memref<8192xf32, #tpu.memory_space<vmem>>, vector<16xf32>,
      %broadcast_in_dim3A_396 = vector.shape_cast %max3A_51 : vector<16xi32> to vector<16x1xi32>
      %gather3A_397 = vector.shape_cast %broadcast_in_dim3A_396 : vector<16x1xi32> to vector<16xi32>
      %gather3A_398 = tpu.dynamic_gather %div3A_284[%gather3A_397] in [0] : vector<16xf32>, vector<16xi32> -> vector<16xf32>
      %mul3A_399 = arith.mulf %gather3A_398, %select_n3A : vector<16xf32>
      %sub3A_400 = arith.subf %div3A_284, %mul3A_399 : vector<16xf32>
      %add3A_401 = arith.constant 64 : i32
      %add3A_402 = arith.addi %mul3A_197, %add3A_401 : i32
      %add3A_403 = arith.addi %add3A_402, %squeeze3A_249 : i32
      %get3A_404 = arith.index_cast %add3A_403 : i32 to index
      %get3A_405 = tpu.vector_load %arg19[%get3A_404] {strides = array<i32>} : memref<8192xf32, #tpu.memory_space<vmem>>, vector<16xf32>,
      %get3A_406 = vector.shape_cast %get3A_405 : vector<16xf32> to vector<16xf32>
      %add3A_407 = arith.addf %get3A_406, %sub3A_400 : vector<16xf32>
      %swap3A_408 = arith.index_cast %add3A_403 : i32 to index
      %swap3A_409 = tpu.vector_load %arg19[%swap3A_408] {strides = array<i32>} : memref<8192xf32, #tpu.memory_space<vmem>>, vector<16xf32>,
      %swap3A_410 = vector.shape_cast %swap3A_409 : vector<16xf32> to vector<16xf32>
      %swap3A_411 = vector.shape_cast %add3A_407 : vector<16xf32> to vector<16xf32>
      tpu.vector_store %arg19[%swap3A_408], %swap3A_411 {strides = array<i32>} : memref<8192xf32, #tpu.memory_space<vmem>>, vector<16xf32>,
      %slice3A_412 = vector.extract_strided_slice %sub3A_191 {offsets = [8], sizes = [1], strides = [1]} : vector<16xf32> to vector<1xf32>
      %squeeze3A_413 = vector.extract %slice3A_412[0] : f32 from vector<1xf32>
      %slice3A_414 = vector.extract_strided_slice %min3A_177 {offsets = [8], sizes = [1], strides = [1]} : vector<16xi32> to vector<1xi32>
      %squeeze3A_415 = vector.extract %slice3A_414[0] : i32 from vector<1xi32>
      %sub3A_416 = vector.broadcast %squeeze3A_413 : f32 to vector<16xf32>
      %sub3A_417 = arith.subf %sub3A_416, %mul3A_43 : vector<16xf32>
      %exp3A_418 = math.exp %sub3A_417 : vector<16xf32>
      %slice3A_419 = vector.extract_strided_slice %sub3A_191 {offsets = [9], sizes = [1], strides = [1]} : vector<16xf32> to vector<1xf32>
      %squeeze3A_420 = vector.extract %slice3A_419[0] : f32 from vector<1xf32>
      %slice3A_421 = vector.extract_strided_slice %min3A_177 {offsets = [9], sizes = [1], strides = [1]} : vector<16xi32> to vector<1xi32>
      %squeeze3A_422 = vector.extract %slice3A_421[0] : i32 from vector<1xi32>
      %sub3A_423 = vector.broadcast %squeeze3A_420 : f32 to vector<16xf32>
      %sub3A_424 = arith.subf %sub3A_423, %mul3A_43 : vector<16xf32>
      %exp3A_425 = math.exp %sub3A_424 : vector<16xf32>
      %slice3A_426 = vector.extract_strided_slice %sub3A_191 {offsets = [10], sizes = [1], strides = [1]} : vector<16xf32> to vector<1xf32>
      %squeeze3A_427 = vector.extract %slice3A_426[0] : f32 from vector<1xf32>
      %slice3A_428 = vector.extract_strided_slice %min3A_177 {offsets = [10], sizes = [1], strides = [1]} : vector<16xi32> to vector<1xi32>
      %squeeze3A_429 = vector.extract %slice3A_428[0] : i32 from vector<1xi32>
      %sub3A_430 = vector.broadcast %squeeze3A_427 : f32 to vector<16xf32>
      %sub3A_431 = arith.subf %sub3A_430, %mul3A_43 : vector<16xf32>
      %exp3A_432 = math.exp %sub3A_431 : vector<16xf32>
      %slice3A_433 = vector.extract_strided_slice %sub3A_191 {offsets = [11], sizes = [1], strides = [1]} : vector<16xf32> to vector<1xf32>
      %squeeze3A_434 = vector.extract %slice3A_433[0] : f32 from vector<1xf32>
      %slice3A_435 = vector.extract_strided_slice %min3A_177 {offsets = [11], sizes = [1], strides = [1]} : vector<16xi32> to vector<1xi32>
      %squeeze3A_436 = vector.extract %slice3A_435[0] : i32 from vector<1xi32>
      %sub3A_437 = vector.broadcast %squeeze3A_434 : f32 to vector<16xf32>
      %sub3A_438 = arith.subf %sub3A_437, %mul3A_43 : vector<16xf32>
      %exp3A_439 = math.exp %sub3A_438 : vector<16xf32>
      %slice3A_440 = vector.extract_strided_slice %sub3A_191 {offsets = [12], sizes = [1], strides = [1]} : vector<16xf32> to vector<1xf32>
      %squeeze3A_441 = vector.extract %slice3A_440[0] : f32 from vector<1xf32>
      %slice3A_442 = vector.extract_strided_slice %min3A_177 {offsets = [12], sizes = [1], strides = [1]} : vector<16xi32> to vector<1xi32>
      %squeeze3A_443 = vector.extract %slice3A_442[0] : i32 from vector<1xi32>
      %sub3A_444 = vector.broadcast %squeeze3A_441 : f32 to vector<16xf32>
      %sub3A_445 = arith.subf %sub3A_444, %mul3A_43 : vector<16xf32>
      %exp3A_446 = math.exp %sub3A_445 : vector<16xf32>
      %slice3A_447 = vector.extract_strided_slice %sub3A_191 {offsets = [13], sizes = [1], strides = [1]} : vector<16xf32> to vector<1xf32>
      %squeeze3A_448 = vector.extract %slice3A_447[0] : f32 from vector<1xf32>
      %slice3A_449 = vector.extract_strided_slice %min3A_177 {offsets = [13], sizes = [1], strides = [1]} : vector<16xi32> to vector<1xi32>
      %squeeze3A_450 = vector.extract %slice3A_449[0] : i32 from vector<1xi32>
      %sub3A_451 = vector.broadcast %squeeze3A_448 : f32 to vector<16xf32>
      %sub3A_452 = arith.subf %sub3A_451, %mul3A_43 : vector<16xf32>
      %exp3A_453 = math.exp %sub3A_452 : vector<16xf32>
      %slice3A_454 = vector.extract_strided_slice %sub3A_191 {offsets = [14], sizes = [1], strides = [1]} : vector<16xf32> to vector<1xf32>
      %squeeze3A_455 = vector.extract %slice3A_454[0] : f32 from vector<1xf32>
      %slice3A_456 = vector.extract_strided_slice %min3A_177 {offsets = [14], sizes = [1], strides = [1]} : vector<16xi32> to vector<1xi32>
      %squeeze3A_457 = vector.extract %slice3A_456[0] : i32 from vector<1xi32>
      %sub3A_458 = vector.broadcast %squeeze3A_455 : f32 to vector<16xf32>
      %sub3A_459 = arith.subf %sub3A_458, %mul3A_43 : vector<16xf32>
      %exp3A_460 = math.exp %sub3A_459 : vector<16xf32>
      %slice3A_461 = vector.extract_strided_slice %sub3A_191 {offsets = [15], sizes = [1], strides = [1]} : vector<16xf32> to vector<1xf32>
      %squeeze3A_462 = vector.extract %slice3A_461[0] : f32 from vector<1xf32>
      %slice3A_463 = vector.extract_strided_slice %min3A_177 {offsets = [15], sizes = [1], strides = [1]} : vector<16xi32> to vector<1xi32>
      %squeeze3A_464 = vector.extract %slice3A_463[0] : i32 from vector<1xi32>
      %sub3A_465 = vector.broadcast %squeeze3A_462 : f32 to vector<16xf32>
      %sub3A_466 = arith.subf %sub3A_465, %mul3A_43 : vector<16xf32>
      %exp3A_467 = math.exp %sub3A_466 : vector<16xf32>
      %add3A_468 = vector.broadcast %scan3A_59 : f32 to vector<16xf32>
      %add3A_469 = arith.addf %add3A_468, %exp3A_418 : vector<16xf32>
      %div3A_470 = vector.broadcast %scan3A_59 : f32 to vector<16xf32>
      %div3A_471 = arith.divf %div3A_470, %add3A_469 : vector<16xf32>
      %add3A_472 = vector.broadcast %scan3A_59 : f32 to vector<16xf32>
      %add3A_473 = arith.addf %add3A_472, %exp3A_425 : vector<16xf32>
      %div3A_474 = vector.broadcast %scan3A_59 : f32 to vector<16xf32>
      %div3A_475 = arith.divf %div3A_474, %add3A_473 : vector<16xf32>
      %add3A_476 = vector.broadcast %scan3A_59 : f32 to vector<16xf32>
      %add3A_477 = arith.addf %add3A_476, %exp3A_432 : vector<16xf32>
      %div3A_478 = vector.broadcast %scan3A_59 : f32 to vector<16xf32>
      %div3A_479 = arith.divf %div3A_478, %add3A_477 : vector<16xf32>
      %add3A_480 = vector.broadcast %scan3A_59 : f32 to vector<16xf32>
      %add3A_481 = arith.addf %add3A_480, %exp3A_439 : vector<16xf32>
      %div3A_482 = vector.broadcast %scan3A_59 : f32 to vector<16xf32>
      %div3A_483 = arith.divf %div3A_482, %add3A_481 : vector<16xf32>
      %add3A_484 = vector.broadcast %scan3A_59 : f32 to vector<16xf32>
      %add3A_485 = arith.addf %add3A_484, %exp3A_446 : vector<16xf32>
      %div3A_486 = vector.broadcast %scan3A_59 : f32 to vector<16xf32>
      %div3A_487 = arith.divf %div3A_486, %add3A_485 : vector<16xf32>
      %add3A_488 = vector.broadcast %scan3A_59 : f32 to vector<16xf32>
      %add3A_489 = arith.addf %add3A_488, %exp3A_453 : vector<16xf32>
      %div3A_490 = vector.broadcast %scan3A_59 : f32 to vector<16xf32>
      %div3A_491 = arith.divf %div3A_490, %add3A_489 : vector<16xf32>
      %add3A_492 = vector.broadcast %scan3A_59 : f32 to vector<16xf32>
      %add3A_493 = arith.addf %add3A_492, %exp3A_460 : vector<16xf32>
      %div3A_494 = vector.broadcast %scan3A_59 : f32 to vector<16xf32>
      %div3A_495 = arith.divf %div3A_494, %add3A_493 : vector<16xf32>
      %add3A_496 = vector.broadcast %scan3A_59 : f32 to vector<16xf32>
      %add3A_497 = arith.addf %add3A_496, %exp3A_467 : vector<16xf32>
      %div3A_498 = vector.broadcast %scan3A_59 : f32 to vector<16xf32>
      %div3A_499 = arith.divf %div3A_498, %add3A_497 : vector<16xf32>
      %broadcast_in_dim3A_500 = vector.shape_cast %max3A_51 : vector<16xi32> to vector<16x1xi32>
      %gather3A_501 = vector.shape_cast %broadcast_in_dim3A_500 : vector<16x1xi32> to vector<16xi32>
      %gather3A_502 = tpu.dynamic_gather %div3A_471[%gather3A_501] in [0] : vector<16xf32>, vector<16xi32> -> vector<16xf32>
      %mul3A_503 = arith.mulf %gather3A_502, %select_n3A : vector<16xf32>
      %sub3A_504 = arith.subf %div3A_471, %mul3A_503 : vector<16xf32>
      %add3A_505 = arith.constant 128 : i32
      %add3A_506 = arith.addi %mul3A_197, %add3A_505 : i32
      %add3A_507 = arith.addi %add3A_506, %squeeze3A_415 : i32
      %get3A_508 = arith.index_cast %add3A_507 : i32 to index
      %get3A_509 = tpu.vector_load %arg16[%get3A_508] {strides = array<i32>} : memref<8192xf32, #tpu.memory_space<vmem>>, vector<16xf32>,
      %get3A_510 = vector.shape_cast %get3A_509 : vector<16xf32> to vector<16xf32>
      %add3A_511 = arith.addf %get3A_510, %sub3A_504 : vector<16xf32>
      %swap3A_512 = arith.index_cast %add3A_507 : i32 to index
      %swap3A_513 = tpu.vector_load %arg16[%swap3A_512] {strides = array<i32>} : memref<8192xf32, #tpu.memory_space<vmem>>, vector<16xf32>,
      %swap3A_514 = vector.shape_cast %swap3A_513 : vector<16xf32> to vector<16xf32>
      %swap3A_515 = vector.shape_cast %add3A_511 : vector<16xf32> to vector<16xf32>
      tpu.vector_store %arg16[%swap3A_512], %swap3A_515 {strides = array<i32>} : memref<8192xf32, #tpu.memory_space<vmem>>, vector<16xf32>,
      %broadcast_in_dim3A_516 = vector.shape_cast %max3A_51 : vector<16xi32> to vector<16x1xi32>
      %gather3A_517 = vector.shape_cast %broadcast_in_dim3A_516 : vector<16x1xi32> to vector<16xi32>
      %gather3A_518 = tpu.dynamic_gather %div3A_475[%gather3A_517] in [0] : vector<16xf32>, vector<16xi32> -> vector<16xf32>
      %mul3A_519 = arith.mulf %gather3A_518, %select_n3A : vector<16xf32>
      %sub3A_520 = arith.subf %div3A_475, %mul3A_519 : vector<16xf32>
      %add3A_521 = arith.constant 128 : i32
      %add3A_522 = arith.addi %mul3A_197, %add3A_521 : i32
      %add3A_523 = arith.addi %add3A_522, %squeeze3A_422 : i32
      %get3A_524 = arith.index_cast %add3A_523 : i32 to index
      %get3A_525 = tpu.vector_load %arg17[%get3A_524] {strides = array<i32>} : memref<8192xf32, #tpu.memory_space<vmem>>, vector<16xf32>,
      %get3A_526 = vector.shape_cast %get3A_525 : vector<16xf32> to vector<16xf32>
      %add3A_527 = arith.addf %get3A_526, %sub3A_520 : vector<16xf32>
      %swap3A_528 = arith.index_cast %add3A_523 : i32 to index
      %swap3A_529 = tpu.vector_load %arg17[%swap3A_528] {strides = array<i32>} : memref<8192xf32, #tpu.memory_space<vmem>>, vector<16xf32>,
      %swap3A_530 = vector.shape_cast %swap3A_529 : vector<16xf32> to vector<16xf32>
      %swap3A_531 = vector.shape_cast %add3A_527 : vector<16xf32> to vector<16xf32>
      tpu.vector_store %arg17[%swap3A_528], %swap3A_531 {strides = array<i32>} : memref<8192xf32, #tpu.memory_space<vmem>>, vector<16xf32>,
      %broadcast_in_dim3A_532 = vector.shape_cast %max3A_51 : vector<16xi32> to vector<16x1xi32>
      %gather3A_533 = vector.shape_cast %broadcast_in_dim3A_532 : vector<16x1xi32> to vector<16xi32>
      %gather3A_534 = tpu.dynamic_gather %div3A_479[%gather3A_533] in [0] : vector<16xf32>, vector<16xi32> -> vector<16xf32>
      %mul3A_535 = arith.mulf %gather3A_534, %select_n3A : vector<16xf32>
      %sub3A_536 = arith.subf %div3A_479, %mul3A_535 : vector<16xf32>
      %add3A_537 = arith.constant 128 : i32
      %add3A_538 = arith.addi %mul3A_197, %add3A_537 : i32
      %add3A_539 = arith.addi %add3A_538, %squeeze3A_429 : i32
      %get3A_540 = arith.index_cast %add3A_539 : i32 to index
      %get3A_541 = tpu.vector_load %arg18[%get3A_540] {strides = array<i32>} : memref<8192xf32, #tpu.memory_space<vmem>>, vector<16xf32>,
      %get3A_542 = vector.shape_cast %get3A_541 : vector<16xf32> to vector<16xf32>
      %add3A_543 = arith.addf %get3A_542, %sub3A_536 : vector<16xf32>
      %swap3A_544 = arith.index_cast %add3A_539 : i32 to index
      %swap3A_545 = tpu.vector_load %arg18[%swap3A_544] {strides = array<i32>} : memref<8192xf32, #tpu.memory_space<vmem>>, vector<16xf32>,
      %swap3A_546 = vector.shape_cast %swap3A_545 : vector<16xf32> to vector<16xf32>
      %swap3A_547 = vector.shape_cast %add3A_543 : vector<16xf32> to vector<16xf32>
      tpu.vector_store %arg18[%swap3A_544], %swap3A_547 {strides = array<i32>} : memref<8192xf32, #tpu.memory_space<vmem>>, vector<16xf32>,
      %broadcast_in_dim3A_548 = vector.shape_cast %max3A_51 : vector<16xi32> to vector<16x1xi32>
      %gather3A_549 = vector.shape_cast %broadcast_in_dim3A_548 : vector<16x1xi32> to vector<16xi32>
      %gather3A_550 = tpu.dynamic_gather %div3A_483[%gather3A_549] in [0] : vector<16xf32>, vector<16xi32> -> vector<16xf32>
      %mul3A_551 = arith.mulf %gather3A_550, %select_n3A : vector<16xf32>
      %sub3A_552 = arith.subf %div3A_483, %mul3A_551 : vector<16xf32>
      %add3A_553 = arith.constant 128 : i32
      %add3A_554 = arith.addi %mul3A_197, %add3A_553 : i32
      %add3A_555 = arith.addi %add3A_554, %squeeze3A_436 : i32
      %get3A_556 = arith.index_cast %add3A_555 : i32 to index
      %get3A_557 = tpu.vector_load %arg19[%get3A_556] {strides = array<i32>} : memref<8192xf32, #tpu.memory_space<vmem>>, vector<16xf32>,
      %get3A_558 = vector.shape_cast %get3A_557 : vector<16xf32> to vector<16xf32>
      %add3A_559 = arith.addf %get3A_558, %sub3A_552 : vector<16xf32>
      %swap3A_560 = arith.index_cast %add3A_555 : i32 to index
      %swap3A_561 = tpu.vector_load %arg19[%swap3A_560] {strides = array<i32>} : memref<8192xf32, #tpu.memory_space<vmem>>, vector<16xf32>,
      %swap3A_562 = vector.shape_cast %swap3A_561 : vector<16xf32> to vector<16xf32>
      %swap3A_563 = vector.shape_cast %add3A_559 : vector<16xf32> to vector<16xf32>
      tpu.vector_store %arg19[%swap3A_560], %swap3A_563 {strides = array<i32>} : memref<8192xf32, #tpu.memory_space<vmem>>, vector<16xf32>,
      %broadcast_in_dim3A_564 = vector.shape_cast %max3A_51 : vector<16xi32> to vector<16x1xi32>
      %gather3A_565 = vector.shape_cast %broadcast_in_dim3A_564 : vector<16x1xi32> to vector<16xi32>
      %gather3A_566 = tpu.dynamic_gather %div3A_487[%gather3A_565] in [0] : vector<16xf32>, vector<16xi32> -> vector<16xf32>
      %mul3A_567 = arith.mulf %gather3A_566, %select_n3A : vector<16xf32>
      %sub3A_568 = arith.subf %div3A_487, %mul3A_567 : vector<16xf32>
      %add3A_569 = arith.constant 192 : i32
      %add3A_570 = arith.addi %mul3A_197, %add3A_569 : i32
      %add3A_571 = arith.addi %add3A_570, %squeeze3A_443 : i32
      %get3A_572 = arith.index_cast %add3A_571 : i32 to index
      %get3A_573 = tpu.vector_load %arg16[%get3A_572] {strides = array<i32>} : memref<8192xf32, #tpu.memory_space<vmem>>, vector<16xf32>,
      %get3A_574 = vector.shape_cast %get3A_573 : vector<16xf32> to vector<16xf32>
      %add3A_575 = arith.addf %get3A_574, %sub3A_568 : vector<16xf32>
      %swap3A_576 = arith.index_cast %add3A_571 : i32 to index
      %swap3A_577 = tpu.vector_load %arg16[%swap3A_576] {strides = array<i32>} : memref<8192xf32, #tpu.memory_space<vmem>>, vector<16xf32>,
      %swap3A_578 = vector.shape_cast %swap3A_577 : vector<16xf32> to vector<16xf32>
      %swap3A_579 = vector.shape_cast %add3A_575 : vector<16xf32> to vector<16xf32>
      tpu.vector_store %arg16[%swap3A_576], %swap3A_579 {strides = array<i32>} : memref<8192xf32, #tpu.memory_space<vmem>>, vector<16xf32>,
      %broadcast_in_dim3A_580 = vector.shape_cast %max3A_51 : vector<16xi32> to vector<16x1xi32>
      %gather3A_581 = vector.shape_cast %broadcast_in_dim3A_580 : vector<16x1xi32> to vector<16xi32>
      %gather3A_582 = tpu.dynamic_gather %div3A_491[%gather3A_581] in [0] : vector<16xf32>, vector<16xi32> -> vector<16xf32>
      %mul3A_583 = arith.mulf %gather3A_582, %select_n3A : vector<16xf32>
      %sub3A_584 = arith.subf %div3A_491, %mul3A_583 : vector<16xf32>
      %add3A_585 = arith.constant 192 : i32
      %add3A_586 = arith.addi %mul3A_197, %add3A_585 : i32
      %add3A_587 = arith.addi %add3A_586, %squeeze3A_450 : i32
      %get3A_588 = arith.index_cast %add3A_587 : i32 to index
      %get3A_589 = tpu.vector_load %arg17[%get3A_588] {strides = array<i32>} : memref<8192xf32, #tpu.memory_space<vmem>>, vector<16xf32>,
      %get3A_590 = vector.shape_cast %get3A_589 : vector<16xf32> to vector<16xf32>
      %add3A_591 = arith.addf %get3A_590, %sub3A_584 : vector<16xf32>
      %swap3A_592 = arith.index_cast %add3A_587 : i32 to index
      %swap3A_593 = tpu.vector_load %arg17[%swap3A_592] {strides = array<i32>} : memref<8192xf32, #tpu.memory_space<vmem>>, vector<16xf32>,
      %swap3A_594 = vector.shape_cast %swap3A_593 : vector<16xf32> to vector<16xf32>
      %swap3A_595 = vector.shape_cast %add3A_591 : vector<16xf32> to vector<16xf32>
      tpu.vector_store %arg17[%swap3A_592], %swap3A_595 {strides = array<i32>} : memref<8192xf32, #tpu.memory_space<vmem>>, vector<16xf32>,
      %broadcast_in_dim3A_596 = vector.shape_cast %max3A_51 : vector<16xi32> to vector<16x1xi32>
      %gather3A_597 = vector.shape_cast %broadcast_in_dim3A_596 : vector<16x1xi32> to vector<16xi32>
      %gather3A_598 = tpu.dynamic_gather %div3A_495[%gather3A_597] in [0] : vector<16xf32>, vector<16xi32> -> vector<16xf32>
      %mul3A_599 = arith.mulf %gather3A_598, %select_n3A : vector<16xf32>
      %sub3A_600 = arith.subf %div3A_495, %mul3A_599 : vector<16xf32>
      %add3A_601 = arith.constant 192 : i32
      %add3A_602 = arith.addi %mul3A_197, %add3A_601 : i32
      %add3A_603 = arith.addi %add3A_602, %squeeze3A_457 : i32
      %get3A_604 = arith.index_cast %add3A_603 : i32 to index
      %get3A_605 = tpu.vector_load %arg18[%get3A_604] {strides = array<i32>} : memref<8192xf32, #tpu.memory_space<vmem>>, vector<16xf32>,
      %get3A_606 = vector.shape_cast %get3A_605 : vector<16xf32> to vector<16xf32>
      %add3A_607 = arith.addf %get3A_606, %sub3A_600 : vector<16xf32>
      %swap3A_608 = arith.index_cast %add3A_603 : i32 to index
      %swap3A_609 = tpu.vector_load %arg18[%swap3A_608] {strides = array<i32>} : memref<8192xf32, #tpu.memory_space<vmem>>, vector<16xf32>,
      %swap3A_610 = vector.shape_cast %swap3A_609 : vector<16xf32> to vector<16xf32>
      %swap3A_611 = vector.shape_cast %add3A_607 : vector<16xf32> to vector<16xf32>
      tpu.vector_store %arg18[%swap3A_608], %swap3A_611 {strides = array<i32>} : memref<8192xf32, #tpu.memory_space<vmem>>, vector<16xf32>,
      %broadcast_in_dim3A_612 = vector.shape_cast %max3A_51 : vector<16xi32> to vector<16x1xi32>
      %gather3A_613 = vector.shape_cast %broadcast_in_dim3A_612 : vector<16x1xi32> to vector<16xi32>
      %gather3A_614 = tpu.dynamic_gather %div3A_499[%gather3A_613] in [0] : vector<16xf32>, vector<16xi32> -> vector<16xf32>
      %mul3A_615 = arith.mulf %gather3A_614, %select_n3A : vector<16xf32>
      %sub3A_616 = arith.subf %div3A_499, %mul3A_615 : vector<16xf32>
      %add3A_617 = arith.constant 192 : i32
      %add3A_618 = arith.addi %mul3A_197, %add3A_617 : i32
      %add3A_619 = arith.addi %add3A_618, %squeeze3A_464 : i32
      %get3A_620 = arith.index_cast %add3A_619 : i32 to index
      %get3A_621 = tpu.vector_load %arg19[%get3A_620] {strides = array<i32>} : memref<8192xf32, #tpu.memory_space<vmem>>, vector<16xf32>,
      %get3A_622 = vector.shape_cast %get3A_621 : vector<16xf32> to vector<16xf32>
      %add3A_623 = arith.addf %get3A_622, %sub3A_616 : vector<16xf32>
      %swap3A_624 = arith.index_cast %add3A_619 : i32 to index
      %swap3A_625 = tpu.vector_load %arg19[%swap3A_624] {strides = array<i32>} : memref<8192xf32, #tpu.memory_space<vmem>>, vector<16xf32>,
      %swap3A_626 = vector.shape_cast %swap3A_625 : vector<16xf32> to vector<16xf32>
      %swap3A_627 = vector.shape_cast %add3A_623 : vector<16xf32> to vector<16xf32>
      tpu.vector_store %arg19[%swap3A_624], %swap3A_627 {strides = array<i32>} : memref<8192xf32, #tpu.memory_space<vmem>>, vector<16xf32>,
      %slice3A_628 = vector.extract_strided_slice %sub3A_195 {offsets = [0], sizes = [1], strides = [1]} : vector<16xf32> to vector<1xf32>
      %squeeze3A_629 = vector.extract %slice3A_628[0] : f32 from vector<1xf32>
      %slice3A_630 = vector.extract_strided_slice %min3A_187 {offsets = [0], sizes = [1], strides = [1]} : vector<16xi32> to vector<1xi32>
      %squeeze3A_631 = vector.extract %slice3A_630[0] : i32 from vector<1xi32>
      %sub3A_632 = vector.broadcast %squeeze3A_629 : f32 to vector<16xf32>
      %sub3A_633 = arith.subf %sub3A_632, %mul3A_43 : vector<16xf32>
      %exp3A_634 = math.exp %sub3A_633 : vector<16xf32>
      %slice3A_635 = vector.extract_strided_slice %sub3A_195 {offsets = [1], sizes = [1], strides = [1]} : vector<16xf32> to vector<1xf32>
      %squeeze3A_636 = vector.extract %slice3A_635[0] : f32 from vector<1xf32>
      %slice3A_637 = vector.extract_strided_slice %min3A_187 {offsets = [1], sizes = [1], strides = [1]} : vector<16xi32> to vector<1xi32>
      %squeeze3A_638 = vector.extract %slice3A_637[0] : i32 from vector<1xi32>
      %sub3A_639 = vector.broadcast %squeeze3A_636 : f32 to vector<16xf32>
      %sub3A_640 = arith.subf %sub3A_639, %mul3A_43 : vector<16xf32>
      %exp3A_641 = math.exp %sub3A_640 : vector<16xf32>
      %slice3A_642 = vector.extract_strided_slice %sub3A_195 {offsets = [2], sizes = [1], strides = [1]} : vector<16xf32> to vector<1xf32>
      %squeeze3A_643 = vector.extract %slice3A_642[0] : f32 from vector<1xf32>
      %slice3A_644 = vector.extract_strided_slice %min3A_187 {offsets = [2], sizes = [1], strides = [1]} : vector<16xi32> to vector<1xi32>
      %squeeze3A_645 = vector.extract %slice3A_644[0] : i32 from vector<1xi32>
      %sub3A_646 = vector.broadcast %squeeze3A_643 : f32 to vector<16xf32>
      %sub3A_647 = arith.subf %sub3A_646, %mul3A_43 : vector<16xf32>
      %exp3A_648 = math.exp %sub3A_647 : vector<16xf32>
      %slice3A_649 = vector.extract_strided_slice %sub3A_195 {offsets = [3], sizes = [1], strides = [1]} : vector<16xf32> to vector<1xf32>
      %squeeze3A_650 = vector.extract %slice3A_649[0] : f32 from vector<1xf32>
      %slice3A_651 = vector.extract_strided_slice %min3A_187 {offsets = [3], sizes = [1], strides = [1]} : vector<16xi32> to vector<1xi32>
      %squeeze3A_652 = vector.extract %slice3A_651[0] : i32 from vector<1xi32>
      %sub3A_653 = vector.broadcast %squeeze3A_650 : f32 to vector<16xf32>
      %sub3A_654 = arith.subf %sub3A_653, %mul3A_43 : vector<16xf32>
      %exp3A_655 = math.exp %sub3A_654 : vector<16xf32>
      %slice3A_656 = vector.extract_strided_slice %sub3A_195 {offsets = [4], sizes = [1], strides = [1]} : vector<16xf32> to vector<1xf32>
      %squeeze3A_657 = vector.extract %slice3A_656[0] : f32 from vector<1xf32>
      %slice3A_658 = vector.extract_strided_slice %min3A_187 {offsets = [4], sizes = [1], strides = [1]} : vector<16xi32> to vector<1xi32>
      %squeeze3A_659 = vector.extract %slice3A_658[0] : i32 from vector<1xi32>
      %sub3A_660 = vector.broadcast %squeeze3A_657 : f32 to vector<16xf32>
      %sub3A_661 = arith.subf %sub3A_660, %mul3A_43 : vector<16xf32>
      %exp3A_662 = math.exp %sub3A_661 : vector<16xf32>
      %slice3A_663 = vector.extract_strided_slice %sub3A_195 {offsets = [5], sizes = [1], strides = [1]} : vector<16xf32> to vector<1xf32>
      %squeeze3A_664 = vector.extract %slice3A_663[0] : f32 from vector<1xf32>
      %slice3A_665 = vector.extract_strided_slice %min3A_187 {offsets = [5], sizes = [1], strides = [1]} : vector<16xi32> to vector<1xi32>
      %squeeze3A_666 = vector.extract %slice3A_665[0] : i32 from vector<1xi32>
      %sub3A_667 = vector.broadcast %squeeze3A_664 : f32 to vector<16xf32>
      %sub3A_668 = arith.subf %sub3A_667, %mul3A_43 : vector<16xf32>
      %exp3A_669 = math.exp %sub3A_668 : vector<16xf32>
      %slice3A_670 = vector.extract_strided_slice %sub3A_195 {offsets = [6], sizes = [1], strides = [1]} : vector<16xf32> to vector<1xf32>
      %squeeze3A_671 = vector.extract %slice3A_670[0] : f32 from vector<1xf32>
      %slice3A_672 = vector.extract_strided_slice %min3A_187 {offsets = [6], sizes = [1], strides = [1]} : vector<16xi32> to vector<1xi32>
      %squeeze3A_673 = vector.extract %slice3A_672[0] : i32 from vector<1xi32>
      %sub3A_674 = vector.broadcast %squeeze3A_671 : f32 to vector<16xf32>
      %sub3A_675 = arith.subf %sub3A_674, %mul3A_43 : vector<16xf32>
      %exp3A_676 = math.exp %sub3A_675 : vector<16xf32>
      %slice3A_677 = vector.extract_strided_slice %sub3A_195 {offsets = [7], sizes = [1], strides = [1]} : vector<16xf32> to vector<1xf32>
      %squeeze3A_678 = vector.extract %slice3A_677[0] : f32 from vector<1xf32>
      %slice3A_679 = vector.extract_strided_slice %min3A_187 {offsets = [7], sizes = [1], strides = [1]} : vector<16xi32> to vector<1xi32>
      %squeeze3A_680 = vector.extract %slice3A_679[0] : i32 from vector<1xi32>
      %sub3A_681 = vector.broadcast %squeeze3A_678 : f32 to vector<16xf32>
      %sub3A_682 = arith.subf %sub3A_681, %mul3A_43 : vector<16xf32>
      %exp3A_683 = math.exp %sub3A_682 : vector<16xf32>
      %add3A_684 = vector.broadcast %scan3A_59 : f32 to vector<16xf32>
      %add3A_685 = arith.addf %add3A_684, %exp3A_634 : vector<16xf32>
      %div3A_686 = vector.broadcast %scan3A_59 : f32 to vector<16xf32>
      %div3A_687 = arith.divf %div3A_686, %add3A_685 : vector<16xf32>
      %add3A_688 = vector.broadcast %scan3A_59 : f32 to vector<16xf32>
      %add3A_689 = arith.addf %add3A_688, %exp3A_641 : vector<16xf32>
      %div3A_690 = vector.broadcast %scan3A_59 : f32 to vector<16xf32>
      %div3A_691 = arith.divf %div3A_690, %add3A_689 : vector<16xf32>
      %add3A_692 = vector.broadcast %scan3A_59 : f32 to vector<16xf32>
      %add3A_693 = arith.addf %add3A_692, %exp3A_648 : vector<16xf32>
      %div3A_694 = vector.broadcast %scan3A_59 : f32 to vector<16xf32>
      %div3A_695 = arith.divf %div3A_694, %add3A_693 : vector<16xf32>
      %add3A_696 = vector.broadcast %scan3A_59 : f32 to vector<16xf32>
      %add3A_697 = arith.addf %add3A_696, %exp3A_655 : vector<16xf32>
      %div3A_698 = vector.broadcast %scan3A_59 : f32 to vector<16xf32>
      %div3A_699 = arith.divf %div3A_698, %add3A_697 : vector<16xf32>
      %add3A_700 = vector.broadcast %scan3A_59 : f32 to vector<16xf32>
      %add3A_701 = arith.addf %add3A_700, %exp3A_662 : vector<16xf32>
      %div3A_702 = vector.broadcast %scan3A_59 : f32 to vector<16xf32>
      %div3A_703 = arith.divf %div3A_702, %add3A_701 : vector<16xf32>
      %add3A_704 = vector.broadcast %scan3A_59 : f32 to vector<16xf32>
      %add3A_705 = arith.addf %add3A_704, %exp3A_669 : vector<16xf32>
      %div3A_706 = vector.broadcast %scan3A_59 : f32 to vector<16xf32>
      %div3A_707 = arith.divf %div3A_706, %add3A_705 : vector<16xf32>
      %add3A_708 = vector.broadcast %scan3A_59 : f32 to vector<16xf32>
      %add3A_709 = arith.addf %add3A_708, %exp3A_676 : vector<16xf32>
      %div3A_710 = vector.broadcast %scan3A_59 : f32 to vector<16xf32>
      %div3A_711 = arith.divf %div3A_710, %add3A_709 : vector<16xf32>
      %add3A_712 = vector.broadcast %scan3A_59 : f32 to vector<16xf32>
      %add3A_713 = arith.addf %add3A_712, %exp3A_683 : vector<16xf32>
      %div3A_714 = vector.broadcast %scan3A_59 : f32 to vector<16xf32>
      %div3A_715 = arith.divf %div3A_714, %add3A_713 : vector<16xf32>
      %broadcast_in_dim3A_716 = vector.shape_cast %max3A_51 : vector<16xi32> to vector<16x1xi32>
      %gather3A_717 = vector.shape_cast %broadcast_in_dim3A_716 : vector<16x1xi32> to vector<16xi32>
      %gather3A_718 = tpu.dynamic_gather %div3A_687[%gather3A_717] in [0] : vector<16xf32>, vector<16xi32> -> vector<16xf32>
      %mul3A_719 = arith.mulf %gather3A_718, %select_n3A : vector<16xf32>
      %sub3A_720 = arith.subf %div3A_687, %mul3A_719 : vector<16xf32>
      %add3A_721 = arith.constant 256 : i32
      %add3A_722 = arith.addi %mul3A_197, %add3A_721 : i32
      %add3A_723 = arith.addi %add3A_722, %squeeze3A_631 : i32
      %get3A_724 = arith.index_cast %add3A_723 : i32 to index
      %get3A_725 = tpu.vector_load %arg16[%get3A_724] {strides = array<i32>} : memref<8192xf32, #tpu.memory_space<vmem>>, vector<16xf32>,
      %get3A_726 = vector.shape_cast %get3A_725 : vector<16xf32> to vector<16xf32>
      %add3A_727 = arith.addf %get3A_726, %sub3A_720 : vector<16xf32>
      %swap3A_728 = arith.index_cast %add3A_723 : i32 to index
      %swap3A_729 = tpu.vector_load %arg16[%swap3A_728] {strides = array<i32>} : memref<8192xf32, #tpu.memory_space<vmem>>, vector<16xf32>,
      %swap3A_730 = vector.shape_cast %swap3A_729 : vector<16xf32> to vector<16xf32>
      %swap3A_731 = vector.shape_cast %add3A_727 : vector<16xf32> to vector<16xf32>
      tpu.vector_store %arg16[%swap3A_728], %swap3A_731 {strides = array<i32>} : memref<8192xf32, #tpu.memory_space<vmem>>, vector<16xf32>,
      %broadcast_in_dim3A_732 = vector.shape_cast %max3A_51 : vector<16xi32> to vector<16x1xi32>
      %gather3A_733 = vector.shape_cast %broadcast_in_dim3A_732 : vector<16x1xi32> to vector<16xi32>
      %gather3A_734 = tpu.dynamic_gather %div3A_691[%gather3A_733] in [0] : vector<16xf32>, vector<16xi32> -> vector<16xf32>
      %mul3A_735 = arith.mulf %gather3A_734, %select_n3A : vector<16xf32>
      %sub3A_736 = arith.subf %div3A_691, %mul3A_735 : vector<16xf32>
      %add3A_737 = arith.constant 256 : i32
      %add3A_738 = arith.addi %mul3A_197, %add3A_737 : i32
      %add3A_739 = arith.addi %add3A_738, %squeeze3A_638 : i32
      %get3A_740 = arith.index_cast %add3A_739 : i32 to index
      %get3A_741 = tpu.vector_load %arg17[%get3A_740] {strides = array<i32>} : memref<8192xf32, #tpu.memory_space<vmem>>, vector<16xf32>,
      %get3A_742 = vector.shape_cast %get3A_741 : vector<16xf32> to vector<16xf32>
      %add3A_743 = arith.addf %get3A_742, %sub3A_736 : vector<16xf32>
      %swap3A_744 = arith.index_cast %add3A_739 : i32 to index
      %swap3A_745 = tpu.vector_load %arg17[%swap3A_744] {strides = array<i32>} : memref<8192xf32, #tpu.memory_space<vmem>>, vector<16xf32>,
      %swap3A_746 = vector.shape_cast %swap3A_745 : vector<16xf32> to vector<16xf32>
      %swap3A_747 = vector.shape_cast %add3A_743 : vector<16xf32> to vector<16xf32>
      tpu.vector_store %arg17[%swap3A_744], %swap3A_747 {strides = array<i32>} : memref<8192xf32, #tpu.memory_space<vmem>>, vector<16xf32>,
      %broadcast_in_dim3A_748 = vector.shape_cast %max3A_51 : vector<16xi32> to vector<16x1xi32>
      %gather3A_749 = vector.shape_cast %broadcast_in_dim3A_748 : vector<16x1xi32> to vector<16xi32>
      %gather3A_750 = tpu.dynamic_gather %div3A_695[%gather3A_749] in [0] : vector<16xf32>, vector<16xi32> -> vector<16xf32>
      %mul3A_751 = arith.mulf %gather3A_750, %select_n3A : vector<16xf32>
      %sub3A_752 = arith.subf %div3A_695, %mul3A_751 : vector<16xf32>
      %add3A_753 = arith.constant 256 : i32
      %add3A_754 = arith.addi %mul3A_197, %add3A_753 : i32
      %add3A_755 = arith.addi %add3A_754, %squeeze3A_645 : i32
      %get3A_756 = arith.index_cast %add3A_755 : i32 to index
      %get3A_757 = tpu.vector_load %arg18[%get3A_756] {strides = array<i32>} : memref<8192xf32, #tpu.memory_space<vmem>>, vector<16xf32>,
      %get3A_758 = vector.shape_cast %get3A_757 : vector<16xf32> to vector<16xf32>
      %add3A_759 = arith.addf %get3A_758, %sub3A_752 : vector<16xf32>
      %swap3A_760 = arith.index_cast %add3A_755 : i32 to index
      %swap3A_761 = tpu.vector_load %arg18[%swap3A_760] {strides = array<i32>} : memref<8192xf32, #tpu.memory_space<vmem>>, vector<16xf32>,
      %swap3A_762 = vector.shape_cast %swap3A_761 : vector<16xf32> to vector<16xf32>
      %swap3A_763 = vector.shape_cast %add3A_759 : vector<16xf32> to vector<16xf32>
      tpu.vector_store %arg18[%swap3A_760], %swap3A_763 {strides = array<i32>} : memref<8192xf32, #tpu.memory_space<vmem>>, vector<16xf32>,
      %broadcast_in_dim3A_764 = vector.shape_cast %max3A_51 : vector<16xi32> to vector<16x1xi32>
      %gather3A_765 = vector.shape_cast %broadcast_in_dim3A_764 : vector<16x1xi32> to vector<16xi32>
      %gather3A_766 = tpu.dynamic_gather %div3A_699[%gather3A_765] in [0] : vector<16xf32>, vector<16xi32> -> vector<16xf32>
      %mul3A_767 = arith.mulf %gather3A_766, %select_n3A : vector<16xf32>
      %sub3A_768 = arith.subf %div3A_699, %mul3A_767 : vector<16xf32>
      %add3A_769 = arith.constant 256 : i32
      %add3A_770 = arith.addi %mul3A_197, %add3A_769 : i32
      %add3A_771 = arith.addi %add3A_770, %squeeze3A_652 : i32
      %get3A_772 = arith.index_cast %add3A_771 : i32 to index
      %get3A_773 = tpu.vector_load %arg19[%get3A_772] {strides = array<i32>} : memref<8192xf32, #tpu.memory_space<vmem>>, vector<16xf32>,
      %get3A_774 = vector.shape_cast %get3A_773 : vector<16xf32> to vector<16xf32>
      %add3A_775 = arith.addf %get3A_774, %sub3A_768 : vector<16xf32>
      %swap3A_776 = arith.index_cast %add3A_771 : i32 to index
      %swap3A_777 = tpu.vector_load %arg19[%swap3A_776] {strides = array<i32>} : memref<8192xf32, #tpu.memory_space<vmem>>, vector<16xf32>,
      %swap3A_778 = vector.shape_cast %swap3A_777 : vector<16xf32> to vector<16xf32>
      %swap3A_779 = vector.shape_cast %add3A_775 : vector<16xf32> to vector<16xf32>
      tpu.vector_store %arg19[%swap3A_776], %swap3A_779 {strides = array<i32>} : memref<8192xf32, #tpu.memory_space<vmem>>, vector<16xf32>,
      %broadcast_in_dim3A_780 = vector.shape_cast %max3A_51 : vector<16xi32> to vector<16x1xi32>
      %gather3A_781 = vector.shape_cast %broadcast_in_dim3A_780 : vector<16x1xi32> to vector<16xi32>
      %gather3A_782 = tpu.dynamic_gather %div3A_703[%gather3A_781] in [0] : vector<16xf32>, vector<16xi32> -> vector<16xf32>
      %mul3A_783 = arith.mulf %gather3A_782, %select_n3A : vector<16xf32>
      %sub3A_784 = arith.subf %div3A_703, %mul3A_783 : vector<16xf32>
      %add3A_785 = arith.constant 320 : i32
      %add3A_786 = arith.addi %mul3A_197, %add3A_785 : i32
      %add3A_787 = arith.addi %add3A_786, %squeeze3A_659 : i32
      %get3A_788 = arith.index_cast %add3A_787 : i32 to index
      %get3A_789 = tpu.vector_load %arg16[%get3A_788] {strides = array<i32>} : memref<8192xf32, #tpu.memory_space<vmem>>, vector<16xf32>,
      %get3A_790 = vector.shape_cast %get3A_789 : vector<16xf32> to vector<16xf32>
      %add3A_791 = arith.addf %get3A_790, %sub3A_784 : vector<16xf32>
      %swap3A_792 = arith.index_cast %add3A_787 : i32 to index
      %swap3A_793 = tpu.vector_load %arg16[%swap3A_792] {strides = array<i32>} : memref<8192xf32, #tpu.memory_space<vmem>>, vector<16xf32>,
      %swap3A_794 = vector.shape_cast %swap3A_793 : vector<16xf32> to vector<16xf32>
      %swap3A_795 = vector.shape_cast %add3A_791 : vector<16xf32> to vector<16xf32>
      tpu.vector_store %arg16[%swap3A_792], %swap3A_795 {strides = array<i32>} : memref<8192xf32, #tpu.memory_space<vmem>>, vector<16xf32>,
      %broadcast_in_dim3A_796 = vector.shape_cast %max3A_51 : vector<16xi32> to vector<16x1xi32>
      %gather3A_797 = vector.shape_cast %broadcast_in_dim3A_796 : vector<16x1xi32> to vector<16xi32>
      %gather3A_798 = tpu.dynamic_gather %div3A_707[%gather3A_797] in [0] : vector<16xf32>, vector<16xi32> -> vector<16xf32>
      %mul3A_799 = arith.mulf %gather3A_798, %select_n3A : vector<16xf32>
      %sub3A_800 = arith.subf %div3A_707, %mul3A_799 : vector<16xf32>
      %add3A_801 = arith.constant 320 : i32
      %add3A_802 = arith.addi %mul3A_197, %add3A_801 : i32
      %add3A_803 = arith.addi %add3A_802, %squeeze3A_666 : i32
      %get3A_804 = arith.index_cast %add3A_803 : i32 to index
      %get3A_805 = tpu.vector_load %arg17[%get3A_804] {strides = array<i32>} : memref<8192xf32, #tpu.memory_space<vmem>>, vector<16xf32>,
      %get3A_806 = vector.shape_cast %get3A_805 : vector<16xf32> to vector<16xf32>
      %add3A_807 = arith.addf %get3A_806, %sub3A_800 : vector<16xf32>
      %swap3A_808 = arith.index_cast %add3A_803 : i32 to index
      %swap3A_809 = tpu.vector_load %arg17[%swap3A_808] {strides = array<i32>} : memref<8192xf32, #tpu.memory_space<vmem>>, vector<16xf32>,
      %swap3A_810 = vector.shape_cast %swap3A_809 : vector<16xf32> to vector<16xf32>
      %swap3A_811 = vector.shape_cast %add3A_807 : vector<16xf32> to vector<16xf32>
      tpu.vector_store %arg17[%swap3A_808], %swap3A_811 {strides = array<i32>} : memref<8192xf32, #tpu.memory_space<vmem>>, vector<16xf32>,
      %broadcast_in_dim3A_812 = vector.shape_cast %max3A_51 : vector<16xi32> to vector<16x1xi32>
      %gather3A_813 = vector.shape_cast %broadcast_in_dim3A_812 : vector<16x1xi32> to vector<16xi32>
      %gather3A_814 = tpu.dynamic_gather %div3A_711[%gather3A_813] in [0] : vector<16xf32>, vector<16xi32> -> vector<16xf32>
      %mul3A_815 = arith.mulf %gather3A_814, %select_n3A : vector<16xf32>
      %sub3A_816 = arith.subf %div3A_711, %mul3A_815 : vector<16xf32>
      %add3A_817 = arith.constant 320 : i32
      %add3A_818 = arith.addi %mul3A_197, %add3A_817 : i32
      %add3A_819 = arith.addi %add3A_818, %squeeze3A_673 : i32
      %get3A_820 = arith.index_cast %add3A_819 : i32 to index
      %get3A_821 = tpu.vector_load %arg18[%get3A_820] {strides = array<i32>} : memref<8192xf32, #tpu.memory_space<vmem>>, vector<16xf32>,
      %get3A_822 = vector.shape_cast %get3A_821 : vector<16xf32> to vector<16xf32>
      %add3A_823 = arith.addf %get3A_822, %sub3A_816 : vector<16xf32>
      %swap3A_824 = arith.index_cast %add3A_819 : i32 to index
      %swap3A_825 = tpu.vector_load %arg18[%swap3A_824] {strides = array<i32>} : memref<8192xf32, #tpu.memory_space<vmem>>, vector<16xf32>,
      %swap3A_826 = vector.shape_cast %swap3A_825 : vector<16xf32> to vector<16xf32>
      %swap3A_827 = vector.shape_cast %add3A_823 : vector<16xf32> to vector<16xf32>
      tpu.vector_store %arg18[%swap3A_824], %swap3A_827 {strides = array<i32>} : memref<8192xf32, #tpu.memory_space<vmem>>, vector<16xf32>,
      %broadcast_in_dim3A_828 = vector.shape_cast %max3A_51 : vector<16xi32> to vector<16x1xi32>
      %gather3A_829 = vector.shape_cast %broadcast_in_dim3A_828 : vector<16x1xi32> to vector<16xi32>
      %gather3A_830 = tpu.dynamic_gather %div3A_715[%gather3A_829] in [0] : vector<16xf32>, vector<16xi32> -> vector<16xf32>
      %mul3A_831 = arith.mulf %gather3A_830, %select_n3A : vector<16xf32>
      %sub3A_832 = arith.subf %div3A_715, %mul3A_831 : vector<16xf32>
      %add3A_833 = arith.constant 320 : i32
      %add3A_834 = arith.addi %mul3A_197, %add3A_833 : i32
      %add3A_835 = arith.addi %add3A_834, %squeeze3A_680 : i32
      %get3A_836 = arith.index_cast %add3A_835 : i32 to index
      %get3A_837 = tpu.vector_load %arg19[%get3A_836] {strides = array<i32>} : memref<8192xf32, #tpu.memory_space<vmem>>, vector<16xf32>,
      %get3A_838 = vector.shape_cast %get3A_837 : vector<16xf32> to vector<16xf32>
      %add3A_839 = arith.addf %get3A_838, %sub3A_832 : vector<16xf32>
      %swap3A_840 = arith.index_cast %add3A_835 : i32 to index
      %swap3A_841 = tpu.vector_load %arg19[%swap3A_840] {strides = array<i32>} : memref<8192xf32, #tpu.memory_space<vmem>>, vector<16xf32>,
      %swap3A_842 = vector.shape_cast %swap3A_841 : vector<16xf32> to vector<16xf32>
      %swap3A_843 = vector.shape_cast %add3A_839 : vector<16xf32> to vector<16xf32>
      tpu.vector_store %arg19[%swap3A_840], %swap3A_843 {strides = array<i32>} : memref<8192xf32, #tpu.memory_space<vmem>>, vector<16xf32>,
      %slice3A_844 = vector.extract_strided_slice %sub3A_195 {offsets = [8], sizes = [1], strides = [1]} : vector<16xf32> to vector<1xf32>
      %squeeze3A_845 = vector.extract %slice3A_844[0] : f32 from vector<1xf32>
      %slice3A_846 = vector.extract_strided_slice %min3A_187 {offsets = [8], sizes = [1], strides = [1]} : vector<16xi32> to vector<1xi32>
      %squeeze3A_847 = vector.extract %slice3A_846[0] : i32 from vector<1xi32>
      %sub3A_848 = vector.broadcast %squeeze3A_845 : f32 to vector<16xf32>
      %sub3A_849 = arith.subf %sub3A_848, %mul3A_43 : vector<16xf32>
      %exp3A_850 = math.exp %sub3A_849 : vector<16xf32>
      %slice3A_851 = vector.extract_strided_slice %sub3A_195 {offsets = [9], sizes = [1], strides = [1]} : vector<16xf32> to vector<1xf32>
      %squeeze3A_852 = vector.extract %slice3A_851[0] : f32 from vector<1xf32>
      %slice3A_853 = vector.extract_strided_slice %min3A_187 {offsets = [9], sizes = [1], strides = [1]} : vector<16xi32> to vector<1xi32>
      %squeeze3A_854 = vector.extract %slice3A_853[0] : i32 from vector<1xi32>
      %sub3A_855 = vector.broadcast %squeeze3A_852 : f32 to vector<16xf32>
      %sub3A_856 = arith.subf %sub3A_855, %mul3A_43 : vector<16xf32>
      %exp3A_857 = math.exp %sub3A_856 : vector<16xf32>
      %slice3A_858 = vector.extract_strided_slice %sub3A_195 {offsets = [10], sizes = [1], strides = [1]} : vector<16xf32> to vector<1xf32>
      %squeeze3A_859 = vector.extract %slice3A_858[0] : f32 from vector<1xf32>
      %slice3A_860 = vector.extract_strided_slice %min3A_187 {offsets = [10], sizes = [1], strides = [1]} : vector<16xi32> to vector<1xi32>
      %squeeze3A_861 = vector.extract %slice3A_860[0] : i32 from vector<1xi32>
      %sub3A_862 = vector.broadcast %squeeze3A_859 : f32 to vector<16xf32>
      %sub3A_863 = arith.subf %sub3A_862, %mul3A_43 : vector<16xf32>
      %exp3A_864 = math.exp %sub3A_863 : vector<16xf32>
      %slice3A_865 = vector.extract_strided_slice %sub3A_195 {offsets = [11], sizes = [1], strides = [1]} : vector<16xf32> to vector<1xf32>
      %squeeze3A_866 = vector.extract %slice3A_865[0] : f32 from vector<1xf32>
      %slice3A_867 = vector.extract_strided_slice %min3A_187 {offsets = [11], sizes = [1], strides = [1]} : vector<16xi32> to vector<1xi32>
      %squeeze3A_868 = vector.extract %slice3A_867[0] : i32 from vector<1xi32>
      %sub3A_869 = vector.broadcast %squeeze3A_866 : f32 to vector<16xf32>
      %sub3A_870 = arith.subf %sub3A_869, %mul3A_43 : vector<16xf32>
      %exp3A_871 = math.exp %sub3A_870 : vector<16xf32>
      %slice3A_872 = vector.extract_strided_slice %sub3A_195 {offsets = [12], sizes = [1], strides = [1]} : vector<16xf32> to vector<1xf32>
      %squeeze3A_873 = vector.extract %slice3A_872[0] : f32 from vector<1xf32>
      %slice3A_874 = vector.extract_strided_slice %min3A_187 {offsets = [12], sizes = [1], strides = [1]} : vector<16xi32> to vector<1xi32>
      %squeeze3A_875 = vector.extract %slice3A_874[0] : i32 from vector<1xi32>
      %sub3A_876 = vector.broadcast %squeeze3A_873 : f32 to vector<16xf32>
      %sub3A_877 = arith.subf %sub3A_876, %mul3A_43 : vector<16xf32>
      %exp3A_878 = math.exp %sub3A_877 : vector<16xf32>
      %slice3A_879 = vector.extract_strided_slice %sub3A_195 {offsets = [13], sizes = [1], strides = [1]} : vector<16xf32> to vector<1xf32>
      %squeeze3A_880 = vector.extract %slice3A_879[0] : f32 from vector<1xf32>
      %slice3A_881 = vector.extract_strided_slice %min3A_187 {offsets = [13], sizes = [1], strides = [1]} : vector<16xi32> to vector<1xi32>
      %squeeze3A_882 = vector.extract %slice3A_881[0] : i32 from vector<1xi32>
      %sub3A_883 = vector.broadcast %squeeze3A_880 : f32 to vector<16xf32>
      %sub3A_884 = arith.subf %sub3A_883, %mul3A_43 : vector<16xf32>
      %exp3A_885 = math.exp %sub3A_884 : vector<16xf32>
      %slice3A_886 = vector.extract_strided_slice %sub3A_195 {offsets = [14], sizes = [1], strides = [1]} : vector<16xf32> to vector<1xf32>
      %squeeze3A_887 = vector.extract %slice3A_886[0] : f32 from vector<1xf32>
      %slice3A_888 = vector.extract_strided_slice %min3A_187 {offsets = [14], sizes = [1], strides = [1]} : vector<16xi32> to vector<1xi32>
      %squeeze3A_889 = vector.extract %slice3A_888[0] : i32 from vector<1xi32>
      %sub3A_890 = vector.broadcast %squeeze3A_887 : f32 to vector<16xf32>
      %sub3A_891 = arith.subf %sub3A_890, %mul3A_43 : vector<16xf32>
      %exp3A_892 = math.exp %sub3A_891 : vector<16xf32>
      %slice3A_893 = vector.extract_strided_slice %sub3A_195 {offsets = [15], sizes = [1], strides = [1]} : vector<16xf32> to vector<1xf32>
      %squeeze3A_894 = vector.extract %slice3A_893[0] : f32 from vector<1xf32>
      %slice3A_895 = vector.extract_strided_slice %min3A_187 {offsets = [15], sizes = [1], strides = [1]} : vector<16xi32> to vector<1xi32>
      %squeeze3A_896 = vector.extract %slice3A_895[0] : i32 from vector<1xi32>
      %sub3A_897 = vector.broadcast %squeeze3A_894 : f32 to vector<16xf32>
      %sub3A_898 = arith.subf %sub3A_897, %mul3A_43 : vector<16xf32>
      %exp3A_899 = math.exp %sub3A_898 : vector<16xf32>
      %add3A_900 = vector.broadcast %scan3A_59 : f32 to vector<16xf32>
      %add3A_901 = arith.addf %add3A_900, %exp3A_850 : vector<16xf32>
      %div3A_902 = vector.broadcast %scan3A_59 : f32 to vector<16xf32>
      %div3A_903 = arith.divf %div3A_902, %add3A_901 : vector<16xf32>
      %add3A_904 = vector.broadcast %scan3A_59 : f32 to vector<16xf32>
      %add3A_905 = arith.addf %add3A_904, %exp3A_857 : vector<16xf32>
      %div3A_906 = vector.broadcast %scan3A_59 : f32 to vector<16xf32>
      %div3A_907 = arith.divf %div3A_906, %add3A_905 : vector<16xf32>
      %add3A_908 = vector.broadcast %scan3A_59 : f32 to vector<16xf32>
      %add3A_909 = arith.addf %add3A_908, %exp3A_864 : vector<16xf32>
      %div3A_910 = vector.broadcast %scan3A_59 : f32 to vector<16xf32>
      %div3A_911 = arith.divf %div3A_910, %add3A_909 : vector<16xf32>
      %add3A_912 = vector.broadcast %scan3A_59 : f32 to vector<16xf32>
      %add3A_913 = arith.addf %add3A_912, %exp3A_871 : vector<16xf32>
      %div3A_914 = vector.broadcast %scan3A_59 : f32 to vector<16xf32>
      %div3A_915 = arith.divf %div3A_914, %add3A_913 : vector<16xf32>
      %add3A_916 = vector.broadcast %scan3A_59 : f32 to vector<16xf32>
      %add3A_917 = arith.addf %add3A_916, %exp3A_878 : vector<16xf32>
      %div3A_918 = vector.broadcast %scan3A_59 : f32 to vector<16xf32>
      %div3A_919 = arith.divf %div3A_918, %add3A_917 : vector<16xf32>
      %add3A_920 = vector.broadcast %scan3A_59 : f32 to vector<16xf32>
      %add3A_921 = arith.addf %add3A_920, %exp3A_885 : vector<16xf32>
      %div3A_922 = vector.broadcast %scan3A_59 : f32 to vector<16xf32>
      %div3A_923 = arith.divf %div3A_922, %add3A_921 : vector<16xf32>
      %add3A_924 = vector.broadcast %scan3A_59 : f32 to vector<16xf32>
      %add3A_925 = arith.addf %add3A_924, %exp3A_892 : vector<16xf32>
      %div3A_926 = vector.broadcast %scan3A_59 : f32 to vector<16xf32>
      %div3A_927 = arith.divf %div3A_926, %add3A_925 : vector<16xf32>
      %add3A_928 = vector.broadcast %scan3A_59 : f32 to vector<16xf32>
      %add3A_929 = arith.addf %add3A_928, %exp3A_899 : vector<16xf32>
      %div3A_930 = vector.broadcast %scan3A_59 : f32 to vector<16xf32>
      %div3A_931 = arith.divf %div3A_930, %add3A_929 : vector<16xf32>
      %broadcast_in_dim3A_932 = vector.shape_cast %max3A_51 : vector<16xi32> to vector<16x1xi32>
      %gather3A_933 = vector.shape_cast %broadcast_in_dim3A_932 : vector<16x1xi32> to vector<16xi32>
      %gather3A_934 = tpu.dynamic_gather %div3A_903[%gather3A_933] in [0] : vector<16xf32>, vector<16xi32> -> vector<16xf32>
      %mul3A_935 = arith.mulf %gather3A_934, %select_n3A : vector<16xf32>
      %sub3A_936 = arith.subf %div3A_903, %mul3A_935 : vector<16xf32>
      %add3A_937 = arith.constant 384 : i32
      %add3A_938 = arith.addi %mul3A_197, %add3A_937 : i32
      %add3A_939 = arith.addi %add3A_938, %squeeze3A_847 : i32
      %get3A_940 = arith.index_cast %add3A_939 : i32 to index
      %get3A_941 = tpu.vector_load %arg16[%get3A_940] {strides = array<i32>} : memref<8192xf32, #tpu.memory_space<vmem>>, vector<16xf32>,
      %get3A_942 = vector.shape_cast %get3A_941 : vector<16xf32> to vector<16xf32>
      %add3A_943 = arith.addf %get3A_942, %sub3A_936 : vector<16xf32>
      %swap3A_944 = arith.index_cast %add3A_939 : i32 to index
      %swap3A_945 = tpu.vector_load %arg16[%swap3A_944] {strides = array<i32>} : memref<8192xf32, #tpu.memory_space<vmem>>, vector<16xf32>,
      %swap3A_946 = vector.shape_cast %swap3A_945 : vector<16xf32> to vector<16xf32>
      %swap3A_947 = vector.shape_cast %add3A_943 : vector<16xf32> to vector<16xf32>
      tpu.vector_store %arg16[%swap3A_944], %swap3A_947 {strides = array<i32>} : memref<8192xf32, #tpu.memory_space<vmem>>, vector<16xf32>,
      %broadcast_in_dim3A_948 = vector.shape_cast %max3A_51 : vector<16xi32> to vector<16x1xi32>
      %gather3A_949 = vector.shape_cast %broadcast_in_dim3A_948 : vector<16x1xi32> to vector<16xi32>
      %gather3A_950 = tpu.dynamic_gather %div3A_907[%gather3A_949] in [0] : vector<16xf32>, vector<16xi32> -> vector<16xf32>
      %mul3A_951 = arith.mulf %gather3A_950, %select_n3A : vector<16xf32>
      %sub3A_952 = arith.subf %div3A_907, %mul3A_951 : vector<16xf32>
      %add3A_953 = arith.constant 384 : i32
      %add3A_954 = arith.addi %mul3A_197, %add3A_953 : i32
      %add3A_955 = arith.addi %add3A_954, %squeeze3A_854 : i32
      %get3A_956 = arith.index_cast %add3A_955 : i32 to index
      %get3A_957 = tpu.vector_load %arg17[%get3A_956] {strides = array<i32>} : memref<8192xf32, #tpu.memory_space<vmem>>, vector<16xf32>,
      %get3A_958 = vector.shape_cast %get3A_957 : vector<16xf32> to vector<16xf32>
      %add3A_959 = arith.addf %get3A_958, %sub3A_952 : vector<16xf32>
      %swap3A_960 = arith.index_cast %add3A_955 : i32 to index
      %swap3A_961 = tpu.vector_load %arg17[%swap3A_960] {strides = array<i32>} : memref<8192xf32, #tpu.memory_space<vmem>>, vector<16xf32>,
      %swap3A_962 = vector.shape_cast %swap3A_961 : vector<16xf32> to vector<16xf32>
      %swap3A_963 = vector.shape_cast %add3A_959 : vector<16xf32> to vector<16xf32>
      tpu.vector_store %arg17[%swap3A_960], %swap3A_963 {strides = array<i32>} : memref<8192xf32, #tpu.memory_space<vmem>>, vector<16xf32>,
      %broadcast_in_dim3A_964 = vector.shape_cast %max3A_51 : vector<16xi32> to vector<16x1xi32>
      %gather3A_965 = vector.shape_cast %broadcast_in_dim3A_964 : vector<16x1xi32> to vector<16xi32>
      %gather3A_966 = tpu.dynamic_gather %div3A_911[%gather3A_965] in [0] : vector<16xf32>, vector<16xi32> -> vector<16xf32>
      %mul3A_967 = arith.mulf %gather3A_966, %select_n3A : vector<16xf32>
      %sub3A_968 = arith.subf %div3A_911, %mul3A_967 : vector<16xf32>
      %add3A_969 = arith.constant 384 : i32
      %add3A_970 = arith.addi %mul3A_197, %add3A_969 : i32
      %add3A_971 = arith.addi %add3A_970, %squeeze3A_861 : i32
      %get3A_972 = arith.index_cast %add3A_971 : i32 to index
      %get3A_973 = tpu.vector_load %arg18[%get3A_972] {strides = array<i32>} : memref<8192xf32, #tpu.memory_space<vmem>>, vector<16xf32>,
      %get3A_974 = vector.shape_cast %get3A_973 : vector<16xf32> to vector<16xf32>
      %add3A_975 = arith.addf %get3A_974, %sub3A_968 : vector<16xf32>
      %swap3A_976 = arith.index_cast %add3A_971 : i32 to index
      %swap3A_977 = tpu.vector_load %arg18[%swap3A_976] {strides = array<i32>} : memref<8192xf32, #tpu.memory_space<vmem>>, vector<16xf32>,
      %swap3A_978 = vector.shape_cast %swap3A_977 : vector<16xf32> to vector<16xf32>
      %swap3A_979 = vector.shape_cast %add3A_975 : vector<16xf32> to vector<16xf32>
      tpu.vector_store %arg18[%swap3A_976], %swap3A_979 {strides = array<i32>} : memref<8192xf32, #tpu.memory_space<vmem>>, vector<16xf32>,
      %broadcast_in_dim3A_980 = vector.shape_cast %max3A_51 : vector<16xi32> to vector<16x1xi32>
      %gather3A_981 = vector.shape_cast %broadcast_in_dim3A_980 : vector<16x1xi32> to vector<16xi32>
      %gather3A_982 = tpu.dynamic_gather %div3A_915[%gather3A_981] in [0] : vector<16xf32>, vector<16xi32> -> vector<16xf32>
      %mul3A_983 = arith.mulf %gather3A_982, %select_n3A : vector<16xf32>
      %sub3A_984 = arith.subf %div3A_915, %mul3A_983 : vector<16xf32>
      %add3A_985 = arith.constant 384 : i32
      %add3A_986 = arith.addi %mul3A_197, %add3A_985 : i32
      %add3A_987 = arith.addi %add3A_986, %squeeze3A_868 : i32
      %get3A_988 = arith.index_cast %add3A_987 : i32 to index
      %get3A_989 = tpu.vector_load %arg19[%get3A_988] {strides = array<i32>} : memref<8192xf32, #tpu.memory_space<vmem>>, vector<16xf32>,
      %get3A_990 = vector.shape_cast %get3A_989 : vector<16xf32> to vector<16xf32>
      %add3A_991 = arith.addf %get3A_990, %sub3A_984 : vector<16xf32>
      %swap3A_992 = arith.index_cast %add3A_987 : i32 to index
      %swap3A_993 = tpu.vector_load %arg19[%swap3A_992] {strides = array<i32>} : memref<8192xf32, #tpu.memory_space<vmem>>, vector<16xf32>,
      %swap3A_994 = vector.shape_cast %swap3A_993 : vector<16xf32> to vector<16xf32>
      %swap3A_995 = vector.shape_cast %add3A_991 : vector<16xf32> to vector<16xf32>
      tpu.vector_store %arg19[%swap3A_992], %swap3A_995 {strides = array<i32>} : memref<8192xf32, #tpu.memory_space<vmem>>, vector<16xf32>,
      %broadcast_in_dim3A_996 = vector.shape_cast %max3A_51 : vector<16xi32> to vector<16x1xi32>
      %gather3A_997 = vector.shape_cast %broadcast_in_dim3A_996 : vector<16x1xi32> to vector<16xi32>
      %gather3A_998 = tpu.dynamic_gather %div3A_919[%gather3A_997] in [0] : vector<16xf32>, vector<16xi32> -> vector<16xf32>
      %mul3A_999 = arith.mulf %gather3A_998, %select_n3A : vector<16xf32>
      %sub3A_1000 = arith.subf %div3A_919, %mul3A_999 : vector<16xf32>
      %add3A_1001 = arith.constant 448 : i32
      %add3A_1002 = arith.addi %mul3A_197, %add3A_1001 : i32
      %add3A_1003 = arith.addi %add3A_1002, %squeeze3A_875 : i32
      %get3A_1004 = arith.index_cast %add3A_1003 : i32 to index
      %get3A_1005 = tpu.vector_load %arg16[%get3A_1004] {strides = array<i32>} : memref<8192xf32, #tpu.memory_space<vmem>>, vector<16xf32>,
      %get3A_1006 = vector.shape_cast %get3A_1005 : vector<16xf32> to vector<16xf32>
      %add3A_1007 = arith.addf %get3A_1006, %sub3A_1000 : vector<16xf32>
      %swap3A_1008 = arith.index_cast %add3A_1003 : i32 to index
      %swap3A_1009 = tpu.vector_load %arg16[%swap3A_1008] {strides = array<i32>} : memref<8192xf32, #tpu.memory_space<vmem>>, vector<16xf32>,
      %swap3A_1010 = vector.shape_cast %swap3A_1009 : vector<16xf32> to vector<16xf32>
      %swap3A_1011 = vector.shape_cast %add3A_1007 : vector<16xf32> to vector<16xf32>
      tpu.vector_store %arg16[%swap3A_1008], %swap3A_1011 {strides = array<i32>} : memref<8192xf32, #tpu.memory_space<vmem>>, vector<16xf32>,
      %broadcast_in_dim3A_1012 = vector.shape_cast %max3A_51 : vector<16xi32> to vector<16x1xi32>
      %gather3A_1013 = vector.shape_cast %broadcast_in_dim3A_1012 : vector<16x1xi32> to vector<16xi32>
      %gather3A_1014 = tpu.dynamic_gather %div3A_923[%gather3A_1013] in [0] : vector<16xf32>, vector<16xi32> -> vector<16xf32>
      %mul3A_1015 = arith.mulf %gather3A_1014, %select_n3A : vector<16xf32>
      %sub3A_1016 = arith.subf %div3A_923, %mul3A_1015 : vector<16xf32>
      %add3A_1017 = arith.constant 448 : i32
      %add3A_1018 = arith.addi %mul3A_197, %add3A_1017 : i32
      %add3A_1019 = arith.addi %add3A_1018, %squeeze3A_882 : i32
      %get3A_1020 = arith.index_cast %add3A_1019 : i32 to index
      %get3A_1021 = tpu.vector_load %arg17[%get3A_1020] {strides = array<i32>} : memref<8192xf32, #tpu.memory_space<vmem>>, vector<16xf32>,
      %get3A_1022 = vector.shape_cast %get3A_1021 : vector<16xf32> to vector<16xf32>
      %add3A_1023 = arith.addf %get3A_1022, %sub3A_1016 : vector<16xf32>
      %swap3A_1024 = arith.index_cast %add3A_1019 : i32 to index
      %swap3A_1025 = tpu.vector_load %arg17[%swap3A_1024] {strides = array<i32>} : memref<8192xf32, #tpu.memory_space<vmem>>, vector<16xf32>,
      %swap3A_1026 = vector.shape_cast %swap3A_1025 : vector<16xf32> to vector<16xf32>
      %swap3A_1027 = vector.shape_cast %add3A_1023 : vector<16xf32> to vector<16xf32>
      tpu.vector_store %arg17[%swap3A_1024], %swap3A_1027 {strides = array<i32>} : memref<8192xf32, #tpu.memory_space<vmem>>, vector<16xf32>,
      %broadcast_in_dim3A_1028 = vector.shape_cast %max3A_51 : vector<16xi32> to vector<16x1xi32>
      %gather3A_1029 = vector.shape_cast %broadcast_in_dim3A_1028 : vector<16x1xi32> to vector<16xi32>
      %gather3A_1030 = tpu.dynamic_gather %div3A_927[%gather3A_1029] in [0] : vector<16xf32>, vector<16xi32> -> vector<16xf32>
      %mul3A_1031 = arith.mulf %gather3A_1030, %select_n3A : vector<16xf32>
      %sub3A_1032 = arith.subf %div3A_927, %mul3A_1031 : vector<16xf32>
      %add3A_1033 = arith.constant 448 : i32
      %add3A_1034 = arith.addi %mul3A_197, %add3A_1033 : i32
      %add3A_1035 = arith.addi %add3A_1034, %squeeze3A_889 : i32
      %get3A_1036 = arith.index_cast %add3A_1035 : i32 to index
      %get3A_1037 = tpu.vector_load %arg18[%get3A_1036] {strides = array<i32>} : memref<8192xf32, #tpu.memory_space<vmem>>, vector<16xf32>,
      %get3A_1038 = vector.shape_cast %get3A_1037 : vector<16xf32> to vector<16xf32>
      %add3A_1039 = arith.addf %get3A_1038, %sub3A_1032 : vector<16xf32>
      %swap3A_1040 = arith.index_cast %add3A_1035 : i32 to index
      %swap3A_1041 = tpu.vector_load %arg18[%swap3A_1040] {strides = array<i32>} : memref<8192xf32, #tpu.memory_space<vmem>>, vector<16xf32>,
      %swap3A_1042 = vector.shape_cast %swap3A_1041 : vector<16xf32> to vector<16xf32>
      %swap3A_1043 = vector.shape_cast %add3A_1039 : vector<16xf32> to vector<16xf32>
      tpu.vector_store %arg18[%swap3A_1040], %swap3A_1043 {strides = array<i32>} : memref<8192xf32, #tpu.memory_space<vmem>>, vector<16xf32>,
      %broadcast_in_dim3A_1044 = vector.shape_cast %max3A_51 : vector<16xi32> to vector<16x1xi32>
      %gather3A_1045 = vector.shape_cast %broadcast_in_dim3A_1044 : vector<16x1xi32> to vector<16xi32>
      %gather3A_1046 = tpu.dynamic_gather %div3A_931[%gather3A_1045] in [0] : vector<16xf32>, vector<16xi32> -> vector<16xf32>
      %mul3A_1047 = arith.mulf %gather3A_1046, %select_n3A : vector<16xf32>
      %sub3A_1048 = arith.subf %div3A_931, %mul3A_1047 : vector<16xf32>
      %add3A_1049 = arith.constant 448 : i32
      %add3A_1050 = arith.addi %mul3A_197, %add3A_1049 : i32
      %add3A_1051 = arith.addi %add3A_1050, %squeeze3A_896 : i32
      %get3A_1052 = arith.index_cast %add3A_1051 : i32 to index
      %get3A_1053 = tpu.vector_load %arg19[%get3A_1052] {strides = array<i32>} : memref<8192xf32, #tpu.memory_space<vmem>>, vector<16xf32>,
      %get3A_1054 = vector.shape_cast %get3A_1053 : vector<16xf32> to vector<16xf32>
      %add3A_1055 = arith.addf %get3A_1054, %sub3A_1048 : vector<16xf32>
      %swap3A_1056 = arith.index_cast %add3A_1051 : i32 to index
      %swap3A_1057 = tpu.vector_load %arg19[%swap3A_1056] {strides = array<i32>} : memref<8192xf32, #tpu.memory_space<vmem>>, vector<16xf32>,
      %swap3A_1058 = vector.shape_cast %swap3A_1057 : vector<16xf32> to vector<16xf32>
      %swap3A_1059 = vector.shape_cast %add3A_1055 : vector<16xf32> to vector<16xf32>
      tpu.vector_store %arg19[%swap3A_1056], %swap3A_1059 {strides = array<i32>} : memref<8192xf32, #tpu.memory_space<vmem>>, vector<16xf32>,
    }
    %scan3A_64 = arith.constant 512 : i32
    "tpu.region"() ({
      %run_scoped3A = tpu.sem_alloc : memref<!tpu.dma_semaphore, #tpu.memory_space<semaphore_mem>>
      %dma_start3A = arith.constant 0 : i32
      %dma_start3A_134 = tpu.memref_slice %arg22[%arg1, %dma_start3A] : memref<16x32768xf32, #tpu.memory_space<vmem_shared>> -> memref<1x8192xf32, #tpu.memory_space<vmem_shared>>
      %dma_start3A_135 = tpu.memref_squeeze %dma_start3A_134 : memref<1x8192xf32, #tpu.memory_space<vmem_shared>> -> memref<8192xf32, #tpu.memory_space<vmem_shared>>
      %dma_start3A_136 = arith.constant 0 : i32
      %dma_start3A_137 = tpu.memref_slice %arg22[%arg1, %dma_start3A_136] : memref<16x32768xf32, #tpu.memory_space<vmem_shared>> -> memref<1x8192xf32, #tpu.memory_space<vmem_shared>>
      %dma_start3A_138 = tpu.memref_squeeze %dma_start3A_137 : memref<1x8192xf32, #tpu.memory_space<vmem_shared>> -> memref<8192xf32, #tpu.memory_space<vmem_shared>>
      tpu.enqueue_dma source(%arg16 : memref<8192xf32, #tpu.memory_space<vmem>>) target(%dma_start3A_138 : memref<8192xf32, #tpu.memory_space<vmem_shared>>) target_semaphore(%run_scoped3A : memref<!tpu.dma_semaphore, #tpu.memory_space<semaphore_mem>>)
      %dma_wait3A = arith.constant 0 : i32
      %dma_wait3A_139 = tpu.memref_slice %arg22[%arg1, %dma_wait3A] : memref<16x32768xf32, #tpu.memory_space<vmem_shared>> -> memref<1x8192xf32, #tpu.memory_space<vmem_shared>>
      %dma_wait3A_140 = tpu.memref_squeeze %dma_wait3A_139 : memref<1x8192xf32, #tpu.memory_space<vmem_shared>> -> memref<8192xf32, #tpu.memory_space<vmem_shared>>
      %dma_wait3A_141 = arith.constant 0 : i32
      %dma_wait3A_142 = tpu.memref_slice %arg22[%arg1, %dma_wait3A_141] : memref<16x32768xf32, #tpu.memory_space<vmem_shared>> -> memref<1x8192xf32, #tpu.memory_space<vmem_shared>>
      %dma_wait3A_143 = tpu.memref_squeeze %dma_wait3A_142 : memref<1x8192xf32, #tpu.memory_space<vmem_shared>> -> memref<8192xf32, #tpu.memory_space<vmem_shared>>
      tpu.wait_dma2 semaphore(%run_scoped3A : memref<!tpu.dma_semaphore, #tpu.memory_space<semaphore_mem>>) src(%arg16 : memref<8192xf32, #tpu.memory_space<vmem>>) dst(%dma_wait3A_143 : memref<8192xf32, #tpu.memory_space<vmem_shared>>)
      tpu.yield
    }) : () -> ()
    "tpu.region"() ({
      %run_scoped3A = tpu.sem_alloc : memref<!tpu.dma_semaphore, #tpu.memory_space<semaphore_mem>>
      %dma_start3A = arith.constant 8192 : i32
      %dma_start3A_134 = tpu.memref_slice %arg22[%arg1, %dma_start3A] : memref<16x32768xf32, #tpu.memory_space<vmem_shared>> -> memref<1x8192xf32, #tpu.memory_space<vmem_shared>>
      %dma_start3A_135 = tpu.memref_squeeze %dma_start3A_134 : memref<1x8192xf32, #tpu.memory_space<vmem_shared>> -> memref<8192xf32, #tpu.memory_space<vmem_shared>>
      %dma_start3A_136 = arith.constant 8192 : i32
      %dma_start3A_137 = tpu.memref_slice %arg22[%arg1, %dma_start3A_136] : memref<16x32768xf32, #tpu.memory_space<vmem_shared>> -> memref<1x8192xf32, #tpu.memory_space<vmem_shared>>
      %dma_start3A_138 = tpu.memref_squeeze %dma_start3A_137 : memref<1x8192xf32, #tpu.memory_space<vmem_shared>> -> memref<8192xf32, #tpu.memory_space<vmem_shared>>
      tpu.enqueue_dma source(%arg17 : memref<8192xf32, #tpu.memory_space<vmem>>) target(%dma_start3A_138 : memref<8192xf32, #tpu.memory_space<vmem_shared>>) target_semaphore(%run_scoped3A : memref<!tpu.dma_semaphore, #tpu.memory_space<semaphore_mem>>)
      %dma_wait3A = arith.constant 8192 : i32
      %dma_wait3A_139 = tpu.memref_slice %arg22[%arg1, %dma_wait3A] : memref<16x32768xf32, #tpu.memory_space<vmem_shared>> -> memref<1x8192xf32, #tpu.memory_space<vmem_shared>>
      %dma_wait3A_140 = tpu.memref_squeeze %dma_wait3A_139 : memref<1x8192xf32, #tpu.memory_space<vmem_shared>> -> memref<8192xf32, #tpu.memory_space<vmem_shared>>
      %dma_wait3A_141 = arith.constant 8192 : i32
      %dma_wait3A_142 = tpu.memref_slice %arg22[%arg1, %dma_wait3A_141] : memref<16x32768xf32, #tpu.memory_space<vmem_shared>> -> memref<1x8192xf32, #tpu.memory_space<vmem_shared>>
      %dma_wait3A_143 = tpu.memref_squeeze %dma_wait3A_142 : memref<1x8192xf32, #tpu.memory_space<vmem_shared>> -> memref<8192xf32, #tpu.memory_space<vmem_shared>>
      tpu.wait_dma2 semaphore(%run_scoped3A : memref<!tpu.dma_semaphore, #tpu.memory_space<semaphore_mem>>) src(%arg17 : memref<8192xf32, #tpu.memory_space<vmem>>) dst(%dma_wait3A_143 : memref<8192xf32, #tpu.memory_space<vmem_shared>>)
      tpu.yield
    }) : () -> ()
    "tpu.region"() ({
      %run_scoped3A = tpu.sem_alloc : memref<!tpu.dma_semaphore, #tpu.memory_space<semaphore_mem>>
      %dma_start3A = arith.constant 16384 : i32
      %dma_start3A_134 = tpu.memref_slice %arg22[%arg1, %dma_start3A] : memref<16x32768xf32, #tpu.memory_space<vmem_shared>> -> memref<1x8192xf32, #tpu.memory_space<vmem_shared>>
      %dma_start3A_135 = tpu.memref_squeeze %dma_start3A_134 : memref<1x8192xf32, #tpu.memory_space<vmem_shared>> -> memref<8192xf32, #tpu.memory_space<vmem_shared>>
      %dma_start3A_136 = arith.constant 16384 : i32
      %dma_start3A_137 = tpu.memref_slice %arg22[%arg1, %dma_start3A_136] : memref<16x32768xf32, #tpu.memory_space<vmem_shared>> -> memref<1x8192xf32, #tpu.memory_space<vmem_shared>>
      %dma_start3A_138 = tpu.memref_squeeze %dma_start3A_137 : memref<1x8192xf32, #tpu.memory_space<vmem_shared>> -> memref<8192xf32, #tpu.memory_space<vmem_shared>>
      tpu.enqueue_dma source(%arg18 : memref<8192xf32, #tpu.memory_space<vmem>>) target(%dma_start3A_138 : memref<8192xf32, #tpu.memory_space<vmem_shared>>) target_semaphore(%run_scoped3A : memref<!tpu.dma_semaphore, #tpu.memory_space<semaphore_mem>>)
      %dma_wait3A = arith.constant 16384 : i32
      %dma_wait3A_139 = tpu.memref_slice %arg22[%arg1, %dma_wait3A] : memref<16x32768xf32, #tpu.memory_space<vmem_shared>> -> memref<1x8192xf32, #tpu.memory_space<vmem_shared>>
      %dma_wait3A_140 = tpu.memref_squeeze %dma_wait3A_139 : memref<1x8192xf32, #tpu.memory_space<vmem_shared>> -> memref<8192xf32, #tpu.memory_space<vmem_shared>>
      %dma_wait3A_141 = arith.constant 16384 : i32
      %dma_wait3A_142 = tpu.memref_slice %arg22[%arg1, %dma_wait3A_141] : memref<16x32768xf32, #tpu.memory_space<vmem_shared>> -> memref<1x8192xf32, #tpu.memory_space<vmem_shared>>
      %dma_wait3A_143 = tpu.memref_squeeze %dma_wait3A_142 : memref<1x8192xf32, #tpu.memory_space<vmem_shared>> -> memref<8192xf32, #tpu.memory_space<vmem_shared>>
      tpu.wait_dma2 semaphore(%run_scoped3A : memref<!tpu.dma_semaphore, #tpu.memory_space<semaphore_mem>>) src(%arg18 : memref<8192xf32, #tpu.memory_space<vmem>>) dst(%dma_wait3A_143 : memref<8192xf32, #tpu.memory_space<vmem_shared>>)
      tpu.yield
    }) : () -> ()
    "tpu.region"() ({
      %run_scoped3A = tpu.sem_alloc : memref<!tpu.dma_semaphore, #tpu.memory_space<semaphore_mem>>
      %dma_start3A = arith.constant 24576 : i32
      %dma_start3A_134 = tpu.memref_slice %arg22[%arg1, %dma_start3A] : memref<16x32768xf32, #tpu.memory_space<vmem_shared>> -> memref<1x8192xf32, #tpu.memory_space<vmem_shared>>
      %dma_start3A_135 = tpu.memref_squeeze %dma_start3A_134 : memref<1x8192xf32, #tpu.memory_space<vmem_shared>> -> memref<8192xf32, #tpu.memory_space<vmem_shared>>
      %dma_start3A_136 = arith.constant 24576 : i32
      %dma_start3A_137 = tpu.memref_slice %arg22[%arg1, %dma_start3A_136] : memref<16x32768xf32, #tpu.memory_space<vmem_shared>> -> memref<1x8192xf32, #tpu.memory_space<vmem_shared>>
      %dma_start3A_138 = tpu.memref_squeeze %dma_start3A_137 : memref<1x8192xf32, #tpu.memory_space<vmem_shared>> -> memref<8192xf32, #tpu.memory_space<vmem_shared>>
      tpu.enqueue_dma source(%arg19 : memref<8192xf32, #tpu.memory_space<vmem>>) target(%dma_start3A_138 : memref<8192xf32, #tpu.memory_space<vmem_shared>>) target_semaphore(%run_scoped3A : memref<!tpu.dma_semaphore, #tpu.memory_space<semaphore_mem>>)
      %dma_wait3A = arith.constant 24576 : i32
      %dma_wait3A_139 = tpu.memref_slice %arg22[%arg1, %dma_wait3A] : memref<16x32768xf32, #tpu.memory_space<vmem_shared>> -> memref<1x8192xf32, #tpu.memory_space<vmem_shared>>
      %dma_wait3A_140 = tpu.memref_squeeze %dma_wait3A_139 : memref<1x8192xf32, #tpu.memory_space<vmem_shared>> -> memref<8192xf32, #tpu.memory_space<vmem_shared>>
      %dma_wait3A_141 = arith.constant 24576 : i32
      %dma_wait3A_142 = tpu.memref_slice %arg22[%arg1, %dma_wait3A_141] : memref<16x32768xf32, #tpu.memory_space<vmem_shared>> -> memref<1x8192xf32, #tpu.memory_space<vmem_shared>>
      %dma_wait3A_143 = tpu.memref_squeeze %dma_wait3A_142 : memref<1x8192xf32, #tpu.memory_space<vmem_shared>> -> memref<8192xf32, #tpu.memory_space<vmem_shared>>
      tpu.wait_dma2 semaphore(%run_scoped3A : memref<!tpu.dma_semaphore, #tpu.memory_space<semaphore_mem>>) src(%arg19 : memref<8192xf32, #tpu.memory_space<vmem>>) dst(%dma_wait3A_143 : memref<8192xf32, #tpu.memory_space<vmem_shared>>)
      tpu.yield
    }) : () -> ()
    %barrier3A = arith.constant 0 : index
    tpu.barrier barrier_id(%barrier3A)
    %mul3A_65 = arith.constant 2048 : i32
    %mul3A_66 = arith.muli %arg1, %mul3A_65 : i32
    "tpu.region"() ({
      %run_scoped3A = tpu.sem_alloc : memref<!tpu.dma_semaphore, #tpu.memory_space<semaphore_mem>>
      %dma_start3A = arith.constant 0 : i32
      %dma_start3A_134 = tpu.memref_slice %arg22[%dma_start3A, %mul3A_66] : memref<16x32768xf32, #tpu.memory_space<vmem_shared>> -> memref<16x2048xf32, #tpu.memory_space<vmem_shared>>
      %dma_start3A_135 = arith.constant 0 : i32
      %dma_start3A_136 = tpu.memref_slice %arg22[%dma_start3A_135, %mul3A_66] : memref<16x32768xf32, #tpu.memory_space<vmem_shared>> -> memref<16x2048xf32, #tpu.memory_space<vmem_shared>>
      tpu.enqueue_dma source(%dma_start3A_136 : memref<16x2048xf32, #tpu.memory_space<vmem_shared>>) target(%arg20 : memref<16x2048xf32, #tpu.memory_space<vmem>>) target_semaphore(%run_scoped3A : memref<!tpu.dma_semaphore, #tpu.memory_space<semaphore_mem>>)
      %dma_wait3A = arith.constant 0 : i32
      %dma_wait3A_137 = tpu.memref_slice %arg22[%dma_wait3A, %mul3A_66] : memref<16x32768xf32, #tpu.memory_space<vmem_shared>> -> memref<16x2048xf32, #tpu.memory_space<vmem_shared>>
      %dma_wait3A_138 = arith.constant 0 : i32
      %dma_wait3A_139 = tpu.memref_slice %arg22[%dma_wait3A_138, %mul3A_66] : memref<16x32768xf32, #tpu.memory_space<vmem_shared>> -> memref<16x2048xf32, #tpu.memory_space<vmem_shared>>
      tpu.wait_dma2 semaphore(%run_scoped3A : memref<!tpu.dma_semaphore, #tpu.memory_space<semaphore_mem>>) src(%dma_wait3A_139 : memref<16x2048xf32, #tpu.memory_space<vmem_shared>>) dst(%arg20 : memref<16x2048xf32, #tpu.memory_space<vmem>>)
      tpu.yield
    }) : () -> ()
    %scan3A_67 = arith.constant 0 : i32
    %scan3A_68 = arith.constant 0 : i32
    %scan3A_69 = arith.constant 128 : i32
    %scan3A_70 = arith.addi %scan3A_68, %scan3A_69 : i32
    %scan3A_71 = arith.constant 1 : i32
    scf.for %scan3A_134 = %scan3A_68 to %scan3A_70 step %scan3A_71  : i32 {
      %mul3A_135 = arith.constant 16 : i32
      %mul3A_136 = arith.muli %scan3A_134, %mul3A_135 : i32
      %get3A_137 = arith.constant 0 : i32
      %get3A_138 = arith.index_cast %get3A_137 : i32 to index
      %get3A_139 = arith.index_cast %mul3A_136 : i32 to index
      %get3A_140 = tpu.vector_load %arg20[%get3A_138, %get3A_139] {strides = array<i32>} : memref<16x2048xf32, #tpu.memory_space<vmem>>, vector<1x16xf32>,
      %get3A_141 = vector.shape_cast %get3A_140 : vector<1x16xf32> to vector<16xf32>
      %get3A_142 = arith.constant 1 : i32
      %get3A_143 = arith.index_cast %get3A_142 : i32 to index
      %get3A_144 = arith.index_cast %mul3A_136 : i32 to index
      %get3A_145 = tpu.vector_load %arg20[%get3A_143, %get3A_144] {strides = array<i32>} : memref<16x2048xf32, #tpu.memory_space<vmem>>, vector<1x16xf32>,
      %get3A_146 = vector.shape_cast %get3A_145 : vector<1x16xf32> to vector<16xf32>
      %add3A_147 = arith.addf %get3A_141, %get3A_146 : vector<16xf32>
      %get3A_148 = arith.constant 2 : i32
      %get3A_149 = arith.index_cast %get3A_148 : i32 to index
      %get3A_150 = arith.index_cast %mul3A_136 : i32 to index
      %get3A_151 = tpu.vector_load %arg20[%get3A_149, %get3A_150] {strides = array<i32>} : memref<16x2048xf32, #tpu.memory_space<vmem>>, vector<1x16xf32>,
      %get3A_152 = vector.shape_cast %get3A_151 : vector<1x16xf32> to vector<16xf32>
      %add3A_153 = arith.addf %add3A_147, %get3A_152 : vector<16xf32>
      %get3A_154 = arith.constant 3 : i32
      %get3A_155 = arith.index_cast %get3A_154 : i32 to index
      %get3A_156 = arith.index_cast %mul3A_136 : i32 to index
      %get3A_157 = tpu.vector_load %arg20[%get3A_155, %get3A_156] {strides = array<i32>} : memref<16x2048xf32, #tpu.memory_space<vmem>>, vector<1x16xf32>,
      %get3A_158 = vector.shape_cast %get3A_157 : vector<1x16xf32> to vector<16xf32>
      %add3A_159 = arith.addf %add3A_153, %get3A_158 : vector<16xf32>
      %get3A_160 = arith.constant 4 : i32
      %get3A_161 = arith.index_cast %get3A_160 : i32 to index
      %get3A_162 = arith.index_cast %mul3A_136 : i32 to index
      %get3A_163 = tpu.vector_load %arg20[%get3A_161, %get3A_162] {strides = array<i32>} : memref<16x2048xf32, #tpu.memory_space<vmem>>, vector<1x16xf32>,
      %get3A_164 = vector.shape_cast %get3A_163 : vector<1x16xf32> to vector<16xf32>
      %add3A_165 = arith.addf %add3A_159, %get3A_164 : vector<16xf32>
      %get3A_166 = arith.constant 5 : i32
      %get3A_167 = arith.index_cast %get3A_166 : i32 to index
      %get3A_168 = arith.index_cast %mul3A_136 : i32 to index
      %get3A_169 = tpu.vector_load %arg20[%get3A_167, %get3A_168] {strides = array<i32>} : memref<16x2048xf32, #tpu.memory_space<vmem>>, vector<1x16xf32>,
      %get3A_170 = vector.shape_cast %get3A_169 : vector<1x16xf32> to vector<16xf32>
      %add3A_171 = arith.addf %add3A_165, %get3A_170 : vector<16xf32>
      %get3A_172 = arith.constant 6 : i32
      %get3A_173 = arith.index_cast %get3A_172 : i32 to index
      %get3A_174 = arith.index_cast %mul3A_136 : i32 to index
      %get3A_175 = tpu.vector_load %arg20[%get3A_173, %get3A_174] {strides = array<i32>} : memref<16x2048xf32, #tpu.memory_space<vmem>>, vector<1x16xf32>,
      %get3A_176 = vector.shape_cast %get3A_175 : vector<1x16xf32> to vector<16xf32>
      %add3A_177 = arith.addf %add3A_171, %get3A_176 : vector<16xf32>
      %get3A_178 = arith.constant 7 : i32
      %get3A_179 = arith.index_cast %get3A_178 : i32 to index
      %get3A_180 = arith.index_cast %mul3A_136 : i32 to index
      %get3A_181 = tpu.vector_load %arg20[%get3A_179, %get3A_180] {strides = array<i32>} : memref<16x2048xf32, #tpu.memory_space<vmem>>, vector<1x16xf32>,
      %get3A_182 = vector.shape_cast %get3A_181 : vector<1x16xf32> to vector<16xf32>
      %add3A_183 = arith.addf %add3A_177, %get3A_182 : vector<16xf32>
      %get3A_184 = arith.constant 8 : i32
      %get3A_185 = arith.index_cast %get3A_184 : i32 to index
      %get3A_186 = arith.index_cast %mul3A_136 : i32 to index
      %get3A_187 = tpu.vector_load %arg20[%get3A_185, %get3A_186] {strides = array<i32>} : memref<16x2048xf32, #tpu.memory_space<vmem>>, vector<1x16xf32>,
      %get3A_188 = vector.shape_cast %get3A_187 : vector<1x16xf32> to vector<16xf32>
      %add3A_189 = arith.addf %add3A_183, %get3A_188 : vector<16xf32>
      %get3A_190 = arith.constant 9 : i32
      %get3A_191 = arith.index_cast %get3A_190 : i32 to index
      %get3A_192 = arith.index_cast %mul3A_136 : i32 to index
      %get3A_193 = tpu.vector_load %arg20[%get3A_191, %get3A_192] {strides = array<i32>} : memref<16x2048xf32, #tpu.memory_space<vmem>>, vector<1x16xf32>,
      %get3A_194 = vector.shape_cast %get3A_193 : vector<1x16xf32> to vector<16xf32>
      %add3A_195 = arith.addf %add3A_189, %get3A_194 : vector<16xf32>
      %get3A_196 = arith.constant 10 : i32
      %get3A_197 = arith.index_cast %get3A_196 : i32 to index
      %get3A_198 = arith.index_cast %mul3A_136 : i32 to index
      %get3A_199 = tpu.vector_load %arg20[%get3A_197, %get3A_198] {strides = array<i32>} : memref<16x2048xf32, #tpu.memory_space<vmem>>, vector<1x16xf32>,
      %get3A_200 = vector.shape_cast %get3A_199 : vector<1x16xf32> to vector<16xf32>
      %add3A_201 = arith.addf %add3A_195, %get3A_200 : vector<16xf32>
      %get3A_202 = arith.constant 11 : i32
      %get3A_203 = arith.index_cast %get3A_202 : i32 to index
      %get3A_204 = arith.index_cast %mul3A_136 : i32 to index
      %get3A_205 = tpu.vector_load %arg20[%get3A_203, %get3A_204] {strides = array<i32>} : memref<16x2048xf32, #tpu.memory_space<vmem>>, vector<1x16xf32>,
      %get3A_206 = vector.shape_cast %get3A_205 : vector<1x16xf32> to vector<16xf32>
      %add3A_207 = arith.addf %add3A_201, %get3A_206 : vector<16xf32>
      %get3A_208 = arith.constant 12 : i32
      %get3A_209 = arith.index_cast %get3A_208 : i32 to index
      %get3A_210 = arith.index_cast %mul3A_136 : i32 to index
      %get3A_211 = tpu.vector_load %arg20[%get3A_209, %get3A_210] {strides = array<i32>} : memref<16x2048xf32, #tpu.memory_space<vmem>>, vector<1x16xf32>,
      %get3A_212 = vector.shape_cast %get3A_211 : vector<1x16xf32> to vector<16xf32>
      %add3A_213 = arith.addf %add3A_207, %get3A_212 : vector<16xf32>
      %get3A_214 = arith.constant 13 : i32
      %get3A_215 = arith.index_cast %get3A_214 : i32 to index
      %get3A_216 = arith.index_cast %mul3A_136 : i32 to index
      %get3A_217 = tpu.vector_load %arg20[%get3A_215, %get3A_216] {strides = array<i32>} : memref<16x2048xf32, #tpu.memory_space<vmem>>, vector<1x16xf32>,
      %get3A_218 = vector.shape_cast %get3A_217 : vector<1x16xf32> to vector<16xf32>
      %add3A_219 = arith.addf %add3A_213, %get3A_218 : vector<16xf32>
      %get3A_220 = arith.constant 14 : i32
      %get3A_221 = arith.index_cast %get3A_220 : i32 to index
      %get3A_222 = arith.index_cast %mul3A_136 : i32 to index
      %get3A_223 = tpu.vector_load %arg20[%get3A_221, %get3A_222] {strides = array<i32>} : memref<16x2048xf32, #tpu.memory_space<vmem>>, vector<1x16xf32>,
      %get3A_224 = vector.shape_cast %get3A_223 : vector<1x16xf32> to vector<16xf32>
      %add3A_225 = arith.addf %add3A_219, %get3A_224 : vector<16xf32>
      %get3A_226 = arith.constant 15 : i32
      %get3A_227 = arith.index_cast %get3A_226 : i32 to index
      %get3A_228 = arith.index_cast %mul3A_136 : i32 to index
      %get3A_229 = tpu.vector_load %arg20[%get3A_227, %get3A_228] {strides = array<i32>} : memref<16x2048xf32, #tpu.memory_space<vmem>>, vector<1x16xf32>,
      %get3A_230 = vector.shape_cast %get3A_229 : vector<1x16xf32> to vector<16xf32>
      %add3A_231 = arith.addf %add3A_225, %get3A_230 : vector<16xf32>
      %swap3A = arith.index_cast %mul3A_136 : i32 to index
      %swap3A_232 = tpu.vector_load %arg21[%swap3A] {strides = array<i32>} : memref<2048xf32, #tpu.memory_space<vmem>>, vector<16xf32>,
      %swap3A_233 = vector.shape_cast %swap3A_232 : vector<16xf32> to vector<16xf32>
      %swap3A_234 = vector.shape_cast %add3A_231 : vector<16xf32> to vector<16xf32>
      tpu.vector_store %arg21[%swap3A], %swap3A_234 {strides = array<i32>} : memref<2048xf32, #tpu.memory_space<vmem>>, vector<16xf32>,
    }
    %scan3A_72 = arith.constant 128 : i32
    %sub3A_73 = arith.constant 1 : i32
    %sub3A_74 = vector.broadcast %sub3A_73 : i32 to vector<16xi32>
    %sub3A_75 = arith.subi %iota3A, %sub3A_74 : vector<16xi32>
    %max3A_76 = arith.constant 0 : i32
    %max3A_77 = vector.broadcast %max3A_76 : i32 to vector<16xi32>
    %max3A_78 = arith.maxsi %sub3A_75, %max3A_77 : vector<16xi32>
    %ge3A = arith.constant 1 : i32
    %ge3A_79 = vector.broadcast %ge3A : i32 to vector<16xi32>
    %ge3A_80 = arith.cmpi sge, %iota3A, %ge3A_79 : vector<16xi32>
    %jit3A_81 = arith.constant 1.000000e+00 : f32
    %jit3A_82 = arith.constant 0.000000e+00 : f32
    %broadcast_in_dim3A_83 = vector.broadcast %jit3A_81 : f32 to vector<16xf32>
    %broadcast_in_dim3A_84 = vector.broadcast %jit3A_82 : f32 to vector<16xf32>
    %select_n3A_85 = arith.select %ge3A_80, %broadcast_in_dim3A_83, %broadcast_in_dim3A_84 : vector<16xi1>, vector<16xf32>
    %sub3A_86 = arith.constant 2 : i32
    %sub3A_87 = vector.broadcast %sub3A_86 : i32 to vector<16xi32>
    %sub3A_88 = arith.subi %iota3A, %sub3A_87 : vector<16xi32>
    %max3A_89 = arith.constant 0 : i32
    %max3A_90 = vector.broadcast %max3A_89 : i32 to vector<16xi32>
    %max3A_91 = arith.maxsi %sub3A_88, %max3A_90 : vector<16xi32>
    %ge3A_92 = arith.constant 2 : i32
    %ge3A_93 = vector.broadcast %ge3A_92 : i32 to vector<16xi32>
    %ge3A_94 = arith.cmpi sge, %iota3A, %ge3A_93 : vector<16xi32>
    %jit3A_95 = arith.constant 1.000000e+00 : f32
    %jit3A_96 = arith.constant 0.000000e+00 : f32
    %broadcast_in_dim3A_97 = vector.broadcast %jit3A_95 : f32 to vector<16xf32>
    %broadcast_in_dim3A_98 = vector.broadcast %jit3A_96 : f32 to vector<16xf32>
    %select_n3A_99 = arith.select %ge3A_94, %broadcast_in_dim3A_97, %broadcast_in_dim3A_98 : vector<16xi1>, vector<16xf32>
    %sub3A_100 = arith.constant 4 : i32
    %sub3A_101 = vector.broadcast %sub3A_100 : i32 to vector<16xi32>
    %sub3A_102 = arith.subi %iota3A, %sub3A_101 : vector<16xi32>
    %max3A_103 = arith.constant 0 : i32
    %max3A_104 = vector.broadcast %max3A_103 : i32 to vector<16xi32>
    %max3A_105 = arith.maxsi %sub3A_102, %max3A_104 : vector<16xi32>
    %ge3A_106 = arith.constant 4 : i32
    %ge3A_107 = vector.broadcast %ge3A_106 : i32 to vector<16xi32>
    %ge3A_108 = arith.cmpi sge, %iota3A, %ge3A_107 : vector<16xi32>
    %jit3A_109 = arith.constant 1.000000e+00 : f32
    %jit3A_110 = arith.constant 0.000000e+00 : f32
    %broadcast_in_dim3A_111 = vector.broadcast %jit3A_109 : f32 to vector<16xf32>
    %broadcast_in_dim3A_112 = vector.broadcast %jit3A_110 : f32 to vector<16xf32>
    %select_n3A_113 = arith.select %ge3A_108, %broadcast_in_dim3A_111, %broadcast_in_dim3A_112 : vector<16xi1>, vector<16xf32>
    %sub3A_114 = arith.constant 8 : i32
    %sub3A_115 = vector.broadcast %sub3A_114 : i32 to vector<16xi32>
    %sub3A_116 = arith.subi %iota3A, %sub3A_115 : vector<16xi32>
    %max3A_117 = arith.constant 0 : i32
    %max3A_118 = vector.broadcast %max3A_117 : i32 to vector<16xi32>
    %max3A_119 = arith.maxsi %sub3A_116, %max3A_118 : vector<16xi32>
    %ge3A_120 = arith.constant 8 : i32
    %ge3A_121 = vector.broadcast %ge3A_120 : i32 to vector<16xi32>
    %ge3A_122 = arith.cmpi sge, %iota3A, %ge3A_121 : vector<16xi32>
    %jit3A_123 = arith.constant 1.000000e+00 : f32
    %jit3A_124 = arith.constant 0.000000e+00 : f32
    %broadcast_in_dim3A_125 = vector.broadcast %jit3A_123 : f32 to vector<16xf32>
    %broadcast_in_dim3A_126 = vector.broadcast %jit3A_124 : f32 to vector<16xf32>
    %select_n3A_127 = arith.select %ge3A_122, %broadcast_in_dim3A_125, %broadcast_in_dim3A_126 : vector<16xi1>, vector<16xf32>
    %scan3A_128 = arith.constant 0 : i32
    %scan3A_129 = arith.constant 0 : i32
    %scan3A_130 = arith.constant 32 : i32
    %scan3A_131 = arith.addi %scan3A_129, %scan3A_130 : i32
    %scan3A_132 = arith.constant 1 : i32
    scf.for %scan3A_134 = %scan3A_129 to %scan3A_131 step %scan3A_132  : i32 {
      %mul3A_135 = arith.constant 64 : i32
      %mul3A_136 = arith.muli %scan3A_134, %mul3A_135 : i32
      %add3A_137 = arith.constant 0 : i32
      %add3A_138 = arith.addi %mul3A_136, %add3A_137 : i32
      %get3A_139 = arith.index_cast %add3A_138 : i32 to index
      %get3A_140 = tpu.vector_load %arg21[%get3A_139] {strides = array<i32>} : memref<2048xf32, #tpu.memory_space<vmem>>, vector<16xf32>,
      %get3A_141 = vector.shape_cast %get3A_140 : vector<16xf32> to vector<16xf32>
      %broadcast_in_dim3A_142 = vector.shape_cast %max3A_78 : vector<16xi32> to vector<16x1xi32>
      %gather3A_143 = vector.shape_cast %broadcast_in_dim3A_142 : vector<16x1xi32> to vector<16xi32>
      %gather3A_144 = tpu.dynamic_gather %get3A_141[%gather3A_143] in [0] : vector<16xf32>, vector<16xi32> -> vector<16xf32>
      %mul3A_145 = arith.mulf %gather3A_144, %select_n3A_85 : vector<16xf32>
      %add3A_146 = arith.addf %get3A_141, %mul3A_145 : vector<16xf32>
      %broadcast_in_dim3A_147 = vector.shape_cast %max3A_91 : vector<16xi32> to vector<16x1xi32>
      %gather3A_148 = vector.shape_cast %broadcast_in_dim3A_147 : vector<16x1xi32> to vector<16xi32>
      %gather3A_149 = tpu.dynamic_gather %add3A_146[%gather3A_148] in [0] : vector<16xf32>, vector<16xi32> -> vector<16xf32>
      %mul3A_150 = arith.mulf %gather3A_149, %select_n3A_99 : vector<16xf32>
      %add3A_151 = arith.addf %add3A_146, %mul3A_150 : vector<16xf32>
      %broadcast_in_dim3A_152 = vector.shape_cast %max3A_105 : vector<16xi32> to vector<16x1xi32>
      %gather3A_153 = vector.shape_cast %broadcast_in_dim3A_152 : vector<16x1xi32> to vector<16xi32>
      %gather3A_154 = tpu.dynamic_gather %add3A_151[%gather3A_153] in [0] : vector<16xf32>, vector<16xi32> -> vector<16xf32>
      %mul3A_155 = arith.mulf %gather3A_154, %select_n3A_113 : vector<16xf32>
      %add3A_156 = arith.addf %add3A_151, %mul3A_155 : vector<16xf32>
      %broadcast_in_dim3A_157 = vector.shape_cast %max3A_119 : vector<16xi32> to vector<16x1xi32>
      %gather3A_158 = vector.shape_cast %broadcast_in_dim3A_157 : vector<16x1xi32> to vector<16xi32>
      %gather3A_159 = tpu.dynamic_gather %add3A_156[%gather3A_158] in [0] : vector<16xf32>, vector<16xi32> -> vector<16xf32>
      %mul3A_160 = arith.mulf %gather3A_159, %select_n3A_127 : vector<16xf32>
      %add3A_161 = arith.addf %add3A_156, %mul3A_160 : vector<16xf32>
      %add3A_162 = arith.constant 0.000000e+00 : f32
      %add3A_163 = vector.broadcast %add3A_162 : f32 to vector<16xf32>
      %add3A_164 = arith.addf %add3A_161, %add3A_163 : vector<16xf32>
      %swap3A = arith.index_cast %add3A_138 : i32 to index
      %swap3A_165 = tpu.vector_load %arg21[%swap3A] {strides = array<i32>} : memref<2048xf32, #tpu.memory_space<vmem>>, vector<16xf32>,
      %swap3A_166 = vector.shape_cast %swap3A_165 : vector<16xf32> to vector<16xf32>
      %swap3A_167 = vector.shape_cast %add3A_164 : vector<16xf32> to vector<16xf32>
      tpu.vector_store %arg21[%swap3A], %swap3A_167 {strides = array<i32>} : memref<2048xf32, #tpu.memory_space<vmem>>, vector<16xf32>,
      %slice3A = vector.extract_strided_slice %add3A_164 {offsets = [15], sizes = [1], strides = [1]} : vector<16xf32> to vector<1xf32>
      %squeeze3A = vector.extract %slice3A[0] : f32 from vector<1xf32>
      %add3A_168 = arith.constant 16 : i32
      %add3A_169 = arith.addi %mul3A_136, %add3A_168 : i32
      %get3A_170 = arith.index_cast %add3A_169 : i32 to index
      %get3A_171 = tpu.vector_load %arg21[%get3A_170] {strides = array<i32>} : memref<2048xf32, #tpu.memory_space<vmem>>, vector<16xf32>,
      %get3A_172 = vector.shape_cast %get3A_171 : vector<16xf32> to vector<16xf32>
      %broadcast_in_dim3A_173 = vector.shape_cast %max3A_78 : vector<16xi32> to vector<16x1xi32>
      %gather3A_174 = vector.shape_cast %broadcast_in_dim3A_173 : vector<16x1xi32> to vector<16xi32>
      %gather3A_175 = tpu.dynamic_gather %get3A_172[%gather3A_174] in [0] : vector<16xf32>, vector<16xi32> -> vector<16xf32>
      %mul3A_176 = arith.mulf %gather3A_175, %select_n3A_85 : vector<16xf32>
      %add3A_177 = arith.addf %get3A_172, %mul3A_176 : vector<16xf32>
      %broadcast_in_dim3A_178 = vector.shape_cast %max3A_91 : vector<16xi32> to vector<16x1xi32>
      %gather3A_179 = vector.shape_cast %broadcast_in_dim3A_178 : vector<16x1xi32> to vector<16xi32>
      %gather3A_180 = tpu.dynamic_gather %add3A_177[%gather3A_179] in [0] : vector<16xf32>, vector<16xi32> -> vector<16xf32>
      %mul3A_181 = arith.mulf %gather3A_180, %select_n3A_99 : vector<16xf32>
      %add3A_182 = arith.addf %add3A_177, %mul3A_181 : vector<16xf32>
      %broadcast_in_dim3A_183 = vector.shape_cast %max3A_105 : vector<16xi32> to vector<16x1xi32>
      %gather3A_184 = vector.shape_cast %broadcast_in_dim3A_183 : vector<16x1xi32> to vector<16xi32>
      %gather3A_185 = tpu.dynamic_gather %add3A_182[%gather3A_184] in [0] : vector<16xf32>, vector<16xi32> -> vector<16xf32>
      %mul3A_186 = arith.mulf %gather3A_185, %select_n3A_113 : vector<16xf32>
      %add3A_187 = arith.addf %add3A_182, %mul3A_186 : vector<16xf32>
      %broadcast_in_dim3A_188 = vector.shape_cast %max3A_119 : vector<16xi32> to vector<16x1xi32>
      %gather3A_189 = vector.shape_cast %broadcast_in_dim3A_188 : vector<16x1xi32> to vector<16xi32>
      %gather3A_190 = tpu.dynamic_gather %add3A_187[%gather3A_189] in [0] : vector<16xf32>, vector<16xi32> -> vector<16xf32>
      %mul3A_191 = arith.mulf %gather3A_190, %select_n3A_127 : vector<16xf32>
      %add3A_192 = arith.addf %add3A_187, %mul3A_191 : vector<16xf32>
      %add3A_193 = vector.broadcast %squeeze3A : f32 to vector<16xf32>
      %add3A_194 = arith.addf %add3A_192, %add3A_193 : vector<16xf32>
      %swap3A_195 = arith.index_cast %add3A_169 : i32 to index
      %swap3A_196 = tpu.vector_load %arg21[%swap3A_195] {strides = array<i32>} : memref<2048xf32, #tpu.memory_space<vmem>>, vector<16xf32>,
      %swap3A_197 = vector.shape_cast %swap3A_196 : vector<16xf32> to vector<16xf32>
      %swap3A_198 = vector.shape_cast %add3A_194 : vector<16xf32> to vector<16xf32>
      tpu.vector_store %arg21[%swap3A_195], %swap3A_198 {strides = array<i32>} : memref<2048xf32, #tpu.memory_space<vmem>>, vector<16xf32>,
      %slice3A_199 = vector.extract_strided_slice %add3A_194 {offsets = [15], sizes = [1], strides = [1]} : vector<16xf32> to vector<1xf32>
      %squeeze3A_200 = vector.extract %slice3A_199[0] : f32 from vector<1xf32>
      %add3A_201 = arith.constant 32 : i32
      %add3A_202 = arith.addi %mul3A_136, %add3A_201 : i32
      %get3A_203 = arith.index_cast %add3A_202 : i32 to index
      %get3A_204 = tpu.vector_load %arg21[%get3A_203] {strides = array<i32>} : memref<2048xf32, #tpu.memory_space<vmem>>, vector<16xf32>,
      %get3A_205 = vector.shape_cast %get3A_204 : vector<16xf32> to vector<16xf32>
      %broadcast_in_dim3A_206 = vector.shape_cast %max3A_78 : vector<16xi32> to vector<16x1xi32>
      %gather3A_207 = vector.shape_cast %broadcast_in_dim3A_206 : vector<16x1xi32> to vector<16xi32>
      %gather3A_208 = tpu.dynamic_gather %get3A_205[%gather3A_207] in [0] : vector<16xf32>, vector<16xi32> -> vector<16xf32>
      %mul3A_209 = arith.mulf %gather3A_208, %select_n3A_85 : vector<16xf32>
      %add3A_210 = arith.addf %get3A_205, %mul3A_209 : vector<16xf32>
      %broadcast_in_dim3A_211 = vector.shape_cast %max3A_91 : vector<16xi32> to vector<16x1xi32>
      %gather3A_212 = vector.shape_cast %broadcast_in_dim3A_211 : vector<16x1xi32> to vector<16xi32>
      %gather3A_213 = tpu.dynamic_gather %add3A_210[%gather3A_212] in [0] : vector<16xf32>, vector<16xi32> -> vector<16xf32>
      %mul3A_214 = arith.mulf %gather3A_213, %select_n3A_99 : vector<16xf32>
      %add3A_215 = arith.addf %add3A_210, %mul3A_214 : vector<16xf32>
      %broadcast_in_dim3A_216 = vector.shape_cast %max3A_105 : vector<16xi32> to vector<16x1xi32>
      %gather3A_217 = vector.shape_cast %broadcast_in_dim3A_216 : vector<16x1xi32> to vector<16xi32>
      %gather3A_218 = tpu.dynamic_gather %add3A_215[%gather3A_217] in [0] : vector<16xf32>, vector<16xi32> -> vector<16xf32>
      %mul3A_219 = arith.mulf %gather3A_218, %select_n3A_113 : vector<16xf32>
      %add3A_220 = arith.addf %add3A_215, %mul3A_219 : vector<16xf32>
      %broadcast_in_dim3A_221 = vector.shape_cast %max3A_119 : vector<16xi32> to vector<16x1xi32>
      %gather3A_222 = vector.shape_cast %broadcast_in_dim3A_221 : vector<16x1xi32> to vector<16xi32>
      %gather3A_223 = tpu.dynamic_gather %add3A_220[%gather3A_222] in [0] : vector<16xf32>, vector<16xi32> -> vector<16xf32>
      %mul3A_224 = arith.mulf %gather3A_223, %select_n3A_127 : vector<16xf32>
      %add3A_225 = arith.addf %add3A_220, %mul3A_224 : vector<16xf32>
      %add3A_226 = vector.broadcast %squeeze3A_200 : f32 to vector<16xf32>
      %add3A_227 = arith.addf %add3A_225, %add3A_226 : vector<16xf32>
      %swap3A_228 = arith.index_cast %add3A_202 : i32 to index
      %swap3A_229 = tpu.vector_load %arg21[%swap3A_228] {strides = array<i32>} : memref<2048xf32, #tpu.memory_space<vmem>>, vector<16xf32>,
      %swap3A_230 = vector.shape_cast %swap3A_229 : vector<16xf32> to vector<16xf32>
      %swap3A_231 = vector.shape_cast %add3A_227 : vector<16xf32> to vector<16xf32>
      tpu.vector_store %arg21[%swap3A_228], %swap3A_231 {strides = array<i32>} : memref<2048xf32, #tpu.memory_space<vmem>>, vector<16xf32>,
      %slice3A_232 = vector.extract_strided_slice %add3A_227 {offsets = [15], sizes = [1], strides = [1]} : vector<16xf32> to vector<1xf32>
      %squeeze3A_233 = vector.extract %slice3A_232[0] : f32 from vector<1xf32>
      %add3A_234 = arith.constant 48 : i32
      %add3A_235 = arith.addi %mul3A_136, %add3A_234 : i32
      %get3A_236 = arith.index_cast %add3A_235 : i32 to index
      %get3A_237 = tpu.vector_load %arg21[%get3A_236] {strides = array<i32>} : memref<2048xf32, #tpu.memory_space<vmem>>, vector<16xf32>,
      %get3A_238 = vector.shape_cast %get3A_237 : vector<16xf32> to vector<16xf32>
      %broadcast_in_dim3A_239 = vector.shape_cast %max3A_78 : vector<16xi32> to vector<16x1xi32>
      %gather3A_240 = vector.shape_cast %broadcast_in_dim3A_239 : vector<16x1xi32> to vector<16xi32>
      %gather3A_241 = tpu.dynamic_gather %get3A_238[%gather3A_240] in [0] : vector<16xf32>, vector<16xi32> -> vector<16xf32>
      %mul3A_242 = arith.mulf %gather3A_241, %select_n3A_85 : vector<16xf32>
      %add3A_243 = arith.addf %get3A_238, %mul3A_242 : vector<16xf32>
      %broadcast_in_dim3A_244 = vector.shape_cast %max3A_91 : vector<16xi32> to vector<16x1xi32>
      %gather3A_245 = vector.shape_cast %broadcast_in_dim3A_244 : vector<16x1xi32> to vector<16xi32>
      %gather3A_246 = tpu.dynamic_gather %add3A_243[%gather3A_245] in [0] : vector<16xf32>, vector<16xi32> -> vector<16xf32>
      %mul3A_247 = arith.mulf %gather3A_246, %select_n3A_99 : vector<16xf32>
      %add3A_248 = arith.addf %add3A_243, %mul3A_247 : vector<16xf32>
      %broadcast_in_dim3A_249 = vector.shape_cast %max3A_105 : vector<16xi32> to vector<16x1xi32>
      %gather3A_250 = vector.shape_cast %broadcast_in_dim3A_249 : vector<16x1xi32> to vector<16xi32>
      %gather3A_251 = tpu.dynamic_gather %add3A_248[%gather3A_250] in [0] : vector<16xf32>, vector<16xi32> -> vector<16xf32>
      %mul3A_252 = arith.mulf %gather3A_251, %select_n3A_113 : vector<16xf32>
      %add3A_253 = arith.addf %add3A_248, %mul3A_252 : vector<16xf32>
      %broadcast_in_dim3A_254 = vector.shape_cast %max3A_119 : vector<16xi32> to vector<16x1xi32>
      %gather3A_255 = vector.shape_cast %broadcast_in_dim3A_254 : vector<16x1xi32> to vector<16xi32>
      %gather3A_256 = tpu.dynamic_gather %add3A_253[%gather3A_255] in [0] : vector<16xf32>, vector<16xi32> -> vector<16xf32>
      %mul3A_257 = arith.mulf %gather3A_256, %select_n3A_127 : vector<16xf32>
      %add3A_258 = arith.addf %add3A_253, %mul3A_257 : vector<16xf32>
      %add3A_259 = vector.broadcast %squeeze3A_233 : f32 to vector<16xf32>
      %add3A_260 = arith.addf %add3A_258, %add3A_259 : vector<16xf32>
      %swap3A_261 = arith.index_cast %add3A_235 : i32 to index
      %swap3A_262 = tpu.vector_load %arg21[%swap3A_261] {strides = array<i32>} : memref<2048xf32, #tpu.memory_space<vmem>>, vector<16xf32>,
      %swap3A_263 = vector.shape_cast %swap3A_262 : vector<16xf32> to vector<16xf32>
      %swap3A_264 = vector.shape_cast %add3A_260 : vector<16xf32> to vector<16xf32>
      tpu.vector_store %arg21[%swap3A_261], %swap3A_264 {strides = array<i32>} : memref<2048xf32, #tpu.memory_space<vmem>>, vector<16xf32>,
      %slice3A_265 = vector.extract_strided_slice %add3A_260 {offsets = [15], sizes = [1], strides = [1]} : vector<16xf32> to vector<1xf32>
      %squeeze3A_266 = vector.extract %slice3A_265[0] : f32 from vector<1xf32>
    }
    %scan3A_133 = arith.constant 32 : i32
    "tpu.region"() ({
      %run_scoped3A = tpu.sem_alloc : memref<!tpu.dma_semaphore, #tpu.memory_space<semaphore_mem>>
      %dma_start3A = tpu.memref_slice %arg9[%arg0, %mul3A_66] : memref<2x32768xf32, #tpu.memory_space<hbm>> -> memref<1x2048xf32, #tpu.memory_space<hbm>>
      %dma_start3A_134 = tpu.memref_squeeze %dma_start3A : memref<1x2048xf32, #tpu.memory_space<hbm>> -> memref<2048xf32, #tpu.memory_space<hbm>>
      %dma_start3A_135 = tpu.memref_slice %arg9[%arg0, %mul3A_66] : memref<2x32768xf32, #tpu.memory_space<hbm>> -> memref<1x2048xf32, #tpu.memory_space<hbm>>
      %dma_start3A_136 = tpu.memref_squeeze %dma_start3A_135 : memref<1x2048xf32, #tpu.memory_space<hbm>> -> memref<2048xf32, #tpu.memory_space<hbm>>
      tpu.enqueue_dma source(%arg21 : memref<2048xf32, #tpu.memory_space<vmem>>) target(%dma_start3A_136 : memref<2048xf32, #tpu.memory_space<hbm>>) target_semaphore(%run_scoped3A : memref<!tpu.dma_semaphore, #tpu.memory_space<semaphore_mem>>)
      %dma_wait3A = tpu.memref_slice %arg9[%arg0, %mul3A_66] : memref<2x32768xf32, #tpu.memory_space<hbm>> -> memref<1x2048xf32, #tpu.memory_space<hbm>>
      %dma_wait3A_137 = tpu.memref_squeeze %dma_wait3A : memref<1x2048xf32, #tpu.memory_space<hbm>> -> memref<2048xf32, #tpu.memory_space<hbm>>
      %dma_wait3A_138 = tpu.memref_slice %arg9[%arg0, %mul3A_66] : memref<2x32768xf32, #tpu.memory_space<hbm>> -> memref<1x2048xf32, #tpu.memory_space<hbm>>
      %dma_wait3A_139 = tpu.memref_squeeze %dma_wait3A_138 : memref<1x2048xf32, #tpu.memory_space<hbm>> -> memref<2048xf32, #tpu.memory_space<hbm>>
      tpu.wait_dma2 semaphore(%run_scoped3A : memref<!tpu.dma_semaphore, #tpu.memory_space<semaphore_mem>>) src(%arg21 : memref<2048xf32, #tpu.memory_space<vmem>>) dst(%dma_wait3A_139 : memref<2048xf32, #tpu.memory_space<hbm>>)
      tpu.yield
    }) : () -> ()
    return
  }
}

</mosaic_0001>

<sc_bundles>
// kernel: _ect_sc.3.cloned.1.call-start
scs
__scs_entry_jumppad:
0x0: {  	(pc) =	sbr.rel $0x88, $3  }
0x1: {  	(tag) =	ssettag $0x0;
	lr =	simm.s32 $0x1  }
0x2: {  	[smem:$0x3F9A] =	sst lr;
	_ =	strace $0xD0000000  }
0x3: {  	_ = 	snop  }
0x4: {  	_ = 	snop  }
0x5: {  	_ = 	snop  }
0x6: {  	_ = 	snop  }
0x7: {  	_ = 	snop  }
__scs_overlays_trampoline_lowered:
0x8: {  	[smem:$0x3FA9] =	sst s0  }
0x9: {  	[smem:$0x3FAA] =	sst s1  }
0xa: {  	[smem:$0x3FAB] =	sst s2  }
0xb: {  	[smem:$0x3FAC] =	sst s3  }
0xc: {  	[smem:$0x3FAD] =	sst s4  }
0xd: {  	[smem:$0x3FAE] =	sst s5  }
0xe: {  	[smem:$0x3FAF] =	sst s6  }
0xf: {  	[smem:$0x3FB0] =	sst s7  }
0x10: {  	[smem:$0x3FB1] =	sst s8  }
0x11: {  	[smem:$0x3FB2] =	sst s9;
	s0 =	simm.s32 @!p0 $0x0  }
0x12: {  	s1 =	sld [smem:$0x3F98];
	s0 =	simm.s32 @p0 $0x1  }
0x13: {  	[smem:$0x3FB3] =	sst s0;
	s0 =	simm.s32 @!p1 $0x0  }
0x14: {  	s2 =	sld [smem:$0x3F97];
	s0 =	simm.s32 @p1 $0x1  }
0x15: {  	[smem:$0x3FB4] =	sst s0;
	s0 =	simm.s32 @!p2 $0x0  }
0x16: {  	s3 =	sld [smem:$0x3FDB];
	s0 =	simm.s32 @p2 $0x1  }
0x17: {  	s4 =	simm.s32 $0x1BF5;
	[smem:$0x3FB6] =	sst s0  }
0x18: {  	s0 =	sld [smem:$0x3F99];
	_ =	swait.ge [sflag:s4], $0x0  }
0x19: {  	s7 =	sld [smem:$0x3F9A]  }
0x1a: {  	s8 =	sadd.s32 $0xFFFFE003, lr  }
0x1b: {  	s9 =	sadd.s32 $0xFFFFFEF7, lr;
	s5 =	simm.s32 $0xFFFFFFFF;
	p2 =	slt.u32 s8, $0xFFFFF086  }
0x1c: {  	p1 =	slt.u32 s9, $0xF7A;
	s5 =	simm.s32 @!p2 $0x0  }
0x1d: {  	s5 =	simm.s32 @p1 $0x1;
	p0 =	seq.s32 s7, s2  }
0x1e: {  	s7 =	smul.u32 @!p0 $0xF7A, s2;
	p2 =	seq.s32 @!p0 s5, $0x0  }
0x1f: {  	s9 =	smul.u32 $0xF7A, s1;
	s8 =	simm.s32 @!p0 $0x1BF5;
	p2 =	por !p2, p0  }
0x20: {  	[sflag:s8] =	ssyncset.s32 @!p0 $0xFFFFF086;
	s6 =	sadd.s32 @!p0 s3, s7;
	s7 =	simm.s32 @!p0 $0x108  }
0x21: {  	s3 =	sadd.s32 s3, s9;
	s6 =	sadd.s32 @!p0 $0x88, s6;
	s7 =	simm.s32 @p2 $0x1082  }
0x22: {  	[simem:s7], [sflag:s8] =	dma.local @!p0 [hbm:s6], $0xF7A  }
0x23: {  	s9 =	sor.u32 $0xD0000000, s2;
	s6 =	simm.s32 $0x108;
	_ =	swait.ge @!p0 [sflag:s8], $0x0  }
0x24: {  	s3 =	sadd.s32 $0x88, s3;
	s6 =	simm.s32 @!p1 $0x1082;
	[sflag:s4] =	ssyncset.s32 $0xFFFFF086  }
0x25: {  	[simem:s6], [sflag:s4] =	dma.local [hbm:s3], $0xF7A  }
0x26: {  	[smem:$0x3F9A] =	sst s1;
	(tag) =	ssettag s2;
	_ =	strace s9  }
0x27: {  	s1 =	sld [smem:$0x3FAA]  }
0x28: {  	s2 =	sld [smem:$0x3FAB]  }
0x29: {  	s4 =	sld [smem:$0x3FAD]  }
0x2a: {  	p0 =	seq.s32 s5, $0x0;
	s5 =	sld [smem:$0x3FAE]  }
0x2b: {  	s6 =	sld [smem:$0x3FAF]  }
0x2c: {  	s7 =	sld [smem:$0x3FB0]  }
0x2d: {  	s3 =	simm.s32 $0x108;
	s8 =	sld [smem:$0x3FB1]  }
0x2e: {  	s3 =	simm.s32 @!p0 $0x1082;
	s9 =	sld [smem:$0x3FB2]  }
0x2f: {  	lr =	sadd.s32 s0, s3;
	s0 =	sld [smem:$0x3FA9]  }
0x30: {  	s3 =	sld [smem:$0x3FAC]  }
0x31: {  	[smem:$0x3FB5] =	sst s10  }
0x32: {  	s10 =	sld [smem:$0x3FB3];
	_ =	sdelay $0x3  }
0x33: {  	p0 =	seq.s32 s10, $0x1;
	s10 =	sld [smem:$0x3FB5];
	_ =	sdelay $0x3  }
0x34: {  	[smem:$0x3FB5] =	sst s10  }
0x35: {  	s10 =	sld [smem:$0x3FB4];
	_ =	sdelay $0x3  }
0x36: {  	p1 =	seq.s32 s10, $0x1;
	s10 =	sld [smem:$0x3FB5];
	_ =	sdelay $0x3  }
0x37: {  	[smem:$0x3FB5] =	sst s10  }
0x38: {  	s10 =	sld [smem:$0x3FB6]  }
0x39: {  	_ = 	snop;
	(pc) =	sbr.ind lr, $3  }
0x3a: {  	_ = 	snop  }
0x3b: {  	_ = 	snop  }
0x3c: {  	p2 =	seq.s32 s10, $0x1;
	s10 =	sld [smem:$0x3FB5]  }
0x3d: {  	_ =	shalt  }
0x3e: {  	_ =	shalt  }
0x3f: {  	_ =	shalt  }
0x40: {  	_ =	shalt  }
0x41: {  	_ =	shalt  }
0x42: {  	_ =	shalt  }
0x43: {  	_ =	shalt  }
0x44: {  	_ =	shalt  }
0x45: {  	_ =	shalt  }
0x46: {  	_ =	shalt  }
0x47: {  	_ =	shalt  }
0x48: {  	_ =	shalt  }
0x49: {  	_ =	shalt  }
0x4a: {  	_ =	shalt  }
0x4b: {  	_ =	shalt  }
0x4c: {  	_ =	shalt  }
0x4d: {  	_ =	shalt  }
0x4e: {  	_ =	shalt  }
0x4f: {  	_ =	shalt  }
0x50: {  	_ =	shalt  }
0x51: {  	_ =	shalt  }
0x52: {  	_ =	shalt  }
0x53: {  	_ =	shalt  }
0x54: {  	_ =	shalt  }
0x55: {  	_ =	shalt  }
0x56: {  	_ =	shalt  }
0x57: {  	_ =	shalt  }
0x58: {  	_ =	shalt  }
0x59: {  	_ =	shalt  }
0x5a: {  	_ =	shalt  }
0x5b: {  	_ =	shalt  }
0x5c: {  	_ =	shalt  }
0x5d: {  	_ =	shalt  }
0x5e: {  	_ =	shalt  }
0x5f: {  	_ =	shalt  }
0x60: {  	_ =	shalt  }
0x61: {  	_ =	shalt  }
0x62: {  	_ =	shalt  }
0x63: {  	_ =	shalt  }
0x64: {  	_ =	shalt  }
0x65: {  	_ =	shalt  }
0x66: {  	_ =	shalt  }
0x67: {  	_ =	shalt  }
0x68: {  	_ =	shalt  }
0x69: {  	_ =	shalt  }
0x6a: {  	_ =	shalt  }
0x6b: {  	_ =	shalt  }
0x6c: {  	_ =	shalt  }
0x6d: {  	_ =	shalt  }
0x6e: {  	_ =	shalt  }
0x6f: {  	_ =	shalt  }
0x70: {  	_ =	shalt  }
0x71: {  	_ =	shalt  }
0x72: {  	_ =	shalt  }
0x73: {  	_ =	shalt  }
0x74: {  	_ =	shalt  }
0x75: {  	_ =	shalt  }
0x76: {  	_ =	shalt  }
0x77: {  	_ =	shalt  }
0x78: {  	_ =	shalt  }
0x79: {  	_ =	shalt  }
0x7a: {  	_ =	shalt  }
0x7b: {  	_ =	shalt  }
0x7c: {  	_ =	shalt  }
0x7d: {  	_ =	shalt  }
0x7e: {  	_ =	shalt  }
0x7f: {  	_ =	shalt  }
0x80: {  	_ =	shalt  }
0x81: {  	_ =	shalt  }
0x82: {  	_ =	shalt  }
0x83: {  	_ =	shalt  }
0x84: {  	_ =	shalt  }
0x85: {  	_ =	shalt  }
0x86: {  	_ =	shalt  }
0x87: {  	_ =	shalt  }
.Lfunc_end0:
.L_simem_size_0:
called_computation_lowered:
.L_overlay_start_0:
0x88: {  	s2 =	sld [smem:$0x3FD9]  }
0x89: {  	s3 =	sld [smem:$0x3FFE];
	_ =	sdelay $0x1  }
0x8a: {  	s1 =	srdreg.scid  }
0x8b: {  	s0 =	sand.u32 $0x1, s1  }
0x8c: {  	s18 =	sshll.u32 s0, $0xA;
	s2 =	sadd.s32 s3, s2  }
0x8d: {  	s2 =	sadd.s32 s2, s18  }
0x8e: {  	[smem:$0x3FC1] =	sst s2  }
0x8f: {  	_ = 	snop  }
0x90: {  	s2 =	sld [smem:$0x3FC9]  }
0x91: {  	s19 =	sld [smem:$0x3FC8]  }
0x92: {  	s4 =	sld [smem:$0x3FC7]  }
0x93: {  	s5 =	sld [smem:$0x3FC6]  }
0x94: {  	s6 =	sld [smem:$0x3FC5]  }
0x95: {  	s7 =	sld [smem:$0x3FC4]  }
0x96: {  	s8 =	sld [smem:$0x3FC3]  }
0x97: {  	s9 =	sld [smem:$0x3FD0];
	(tm) =	ssettm $0x1  }
0x98: {  	s10 =	sld [smem:$0x3FFB];
	_ =	sdelay $0x3  }
0x99: {  	_ =	strace s10  }
0x9a: {  	s10 =	sld [smem:$0x3FFC];
	_ =	sdelay $0x3  }
0x9b: {  	_ =	strace s10  }
0x9c: {  	s10 =	sld [smem:$0x3FFD];
	_ =	sdelay $0x3  }
0x9d: {  	_ =	strace s10  }
0x9e: {  	_ =	strace $0x8FFFFFFF  }
0x9f: {  	s20 =	sld [smem:$0x3FDB];
	_ =	sdelay $0x1  }
0xa0: {  	s11 =	simm.s32 $_scs_section_size  }
0xa1: {  	s12 =	simm.s32 $_size__tile_overlayer_lowered;
	s13 =	simm.s32 $_tile_overlayer_lowered  }
0xa2: {  	s23 =	simm.s32 $0x1BFF;
	s22 =	sshll.u32 s13, $0x1;
	s10 =	sadd.s32 s11, s20  }
0xa3: {  	s14 =	simm.s32 $0x0;
	s21 =	sshll.u32 s12, $0x1;
	s12 =	sadd.s32 s22, s10  }
0xa4: {  	[timem:s14], [sflag:s23] =	dma.local [hbm:s12], s21  }
0xa5: {  	_ =	swait.ge [sflag:s23], s21  }
0xa6: {  	s11 =	ssub.s32 $0x0, s21;
	[sflag:s23] =	ssyncset.done $0x0  }
0xa7: {  	[sflag:s23] =	ssyncadd.s32 s11;
	_ =	sdelay $0x1  }
0xa8: {  	s24 =	simm.s32 $0x1B8B  }
0xa9: {  	_ =	swait.ge [sflag:s24], $0x1  }
0xaa: {  	[sflag:s24] =	ssyncset.done $0x0  }
0xab: {  	s25 =	simm.s32 $0x1B8E;
	[sflag:s24] =	ssyncadd.s32 $0xFFFFFFFF  }
0xac: {  	s26 =	simm.s32 $execute0_lowered;
	[smem:$0x3FD2] =	sst s25  }
0xad: {  	s11 =	sshll.u32 s26, $0x1;
	_ =	strace $0x80000046;
	[dreg:$0x1] =	wrdreg $0xFFFFFFFF  }
0xae: {  	s28 =	simm.s32 $_size_execute0_lowered;
	s10 =	sadd.s32 s10, s11;
	[dreg:$0x0] =	wrdreg $0x0  }
0xaf: {  	s11 =	sshll.u32 s28, $0x1;
	[dreg:$0x2] =	wrdreg s10  }
0xb0: {  	[dreg:$0x3] =	wrdreg s11  }
0xb1: {  	[dreg:$0x4] =	wrdreg $0xC0  }
0xb2: {  	_ =	task [dreg:s14], $0x5FFFF  }
0xb3: {  	[dreg:$0x1] =	wrdreg $0xFFFFFFFF  }
0xb4: {  	[dreg:$0x0] =	wrdreg $0x60  }
0xb5: {  	[dreg:$0x2] =	wrdreg s2  }
0xb6: {  	[dreg:$0x3] =	wrdreg s19  }
0xb7: {  	[dreg:$0x4] =	wrdreg s4  }
0xb8: {  	[dreg:$0x5] =	wrdreg s5  }
0xb9: {  	[dreg:$0x6] =	wrdreg s6  }
0xba: {  	[dreg:$0x7] =	wrdreg s7  }
0xbb: {  	[dreg:$0x8] =	wrdreg s8  }
0xbc: {  	[dreg:$0x9] =	wrdreg s9  }
0xbd: {  	[dreg:$0xa] =	wrdreg $0x116800  }
0xbe: {  	[dreg:$0xb] =	wrdreg $0x9  }
0xbf: {  	_ =	task.clear_ibuf [dreg:s14], $0xCFFFF;
	_ =	strace $0x90000046  }
0xc0: {  	s29 =	simm.s32 $0x9;
	_ =	strace $0x80000048  }
0xc1: {  	_ =	swait.ge [sflag:s29], $0x1  }
0xc2: {  	[sflag:s29] =	ssyncadd.s32 $0xFFFFFFFF  }
0xc3: {  	_ =	strace $0x90000048  }
0xc4: {  	_ =	sfence  }
0xc5: {  	s30 =	sld [smem:$0x0];
	_ =	sdelay $0x2  }
0xc6: {  	s31 =	sshll.u32 s1, $0xD;
	s1 =	sshrl.u32 s1, $0x2  }
0xc7: {  	s3 =	sand.u32 $0x4000, s31;
	s1 =	sadd.s32 s1, s30  }
0xc8: {  	s0 =	sor.u32 s3, s0;
	s1 =	sshll.u32 s1, $0x11  }
0xc9: {  	s0 =	sor.u32 s1, s0  }
0xca: {  	s0 =	sadd.s32 $0x8F2B, s0  }
0xcb: {  	[sflag:s0] =	ssyncadd.remote.s32 $0x1  }
0xcc: {  	_ =	sfence.sel $0xFFFF  }
0xcd: {  	[dreg:$0x0] =	wrdreg $0xFFFFFFFF;
	(pc) =	sbr.abs _section_cstart, $3  }
0xce: {  	[dreg:$0x1] =	wrdreg $0xFFFFFFFF  }
0xcf: {  	_ =	task.clear_ibuf [dreg:s14], $0x2FFFF;
	_ =	strace $0x9FFFFFFF  }
0xd0: {  	(tm) =	ssettm $0x7FFFFFFF  }
0xd1: {  	_ =	shalt  }
tec
execute0_lowered:
.L_overlay_start_1:
0x0: {  	(tag) =	ssettag $0x1  }
0x1: {  	v0 =	vimm.f32 $1.500000000e+01;
	vm0 =	vcmask $0x300  }
0x2: {  	vm1 =	vcmask $0x704;
	vm11 =	vcmask $0xB08;
	vm12 =	vcmask $0xF0C  }
0x3: {  	vm13 =	vcmask $0x1310;
	vm14 =	vcmask $0x1714;
	vm15 =	vcmask $0x1B18  }
0x4: {  	vm4 =	vcmask $0x1F1C;
	vm5 =	vcmask $0x2320;
	vm6 =	vcmask $0x2724  }
0x5: {  	vm7 =	vcmask $0x2B28;
	vm8 =	vcmask $0x2F2C;
	vm9 =	vcmask $0x3330  }
0x6: {  	vm10 =	vcmask $0x3734;
	v3 =	vimm.s32 $0x65432100;
	v5 =	vimm.s32 $0xDCBA9876  }
0x7: {  	s0 =	rddreg [dreg:$0x0];
	v10 =	vimm.f32 $1.000000000e+00;
	v6 =	vimm.s32 $0x54321000;
	v0 =	vsel vm0, $0x0, v0  }
0x8: {  	s1 =	rddreg [dreg:$0x1];
	v7 =	vimm.s32 $0xE40000;
	v8 =	vimm.s32 $0xBA987654;
	v0 =	vsel vm1, $0x3F800000, v0  }
0x9: {  	s3 =	rddreg [dreg:$0x2];
	v9 =	vimm.s32 $0x32100000;
	v11 =	vimm.s32 $0x7060504;
	v0 =	vsel vm11, $0x40000000, v0  }
0xa: {  	s5 =	rddreg [dreg:$0x3];
	v3 =	vunpack.c.l.s4.s8 v3;
	v5 =	vunpack.c.l.s4.s8 v5;
	v0 =	vsel vm12, $0x40400000, v0  }
0xb: {  	s2 =	rddreg [dreg:$0x6];
	v6 =	vunpack.c.l.s4.s8 v6;
	v7 =	vunpack.c.l.s2.s4 v7;
	v0 =	vsel vm13, $0x40800000, v0  }
0xc: {  	s14 =	rddreg [dreg:$0x7];
	s4 =	srdreg.scid;
	v8 =	vunpack.c.l.s4.s8 v8;
	v9 =	vunpack.c.l.s4.s8 v9;
	v0 =	vsel vm14, $0x40A00000, v0  }
0xd: {  	s15 =	rddreg [dreg:$0x8];
	s18 =	stileid.u32;
	s28 =	simm.s32 $0x80;
	v11 =	vunpack.c.0.s8.s32 v11;
	vm11 =	vcmask $0x3B38;
	v0 =	vsel vm15, $0x40C00000, v0  }
0xe: {  	s29 =	simm.s32 $0x400;
	s16 =	sand.u32 $0x1, s4;
	s4 =	simm.s32 $0x0;
	v3 =	vunpack.c.0.s8.s32 v3;
	v5 =	vunpack.c.0.s8.s32 v5;
	v0 =	vsel vm4, $0x40E00000, v0  }
0xf: {  	s23 =	sshll.u32 s18, $0xF;
	s24 =	sshll.u32 s18, $0x7;
	s30 =	sshll.u32 s18, $0x9;
	v6 =	vunpack.c.0.s8.s32 v6;
	v7 =	vunpack.c.l.s4.s8 v7;
	v0 =	vsel vm5, $0x41000000, v0  }
0x10: {  	s31 =	sshll.u32 s18, $0xE;
	s6 =	ssub.s32 $0x2, s16;
	[smem:$0x7FF] =	sst s4;
	v8 =	vunpack.c.0.s8.s32 v8;
	v9 =	vunpack.c.0.s8.s32 v9;
	v0 =	vsel vm6, $0x41100000, v0  }
0x11: {  	s8 =	sshll.u32 s16, $0x6;
	s25 =	sand.u32 $0x380, s24;
	s26 =	sshll.u32 s16, $0x4;
	vm12 =	vcmask $0x700;
	v5 =	vand.u32 $0xF, v5;
	v0 =	vsel vm7, $0x41200000, v0  }
0x12: {  	s7 =	sshrl.u32 s6, $0x1;
	_ =	strace $0x80000047;
	s10 =	sor.u32 s8, s24;
	v7 =	vunpack.c.0.s8.s32 v7;
	v8 =	vand.u32 $0xF, v8;
	v1 =	vsel vm8, $0x41300000, v0  }
0x13: {  	s24 =	simm.s32 $0x2E80;
	s17 =	ssub.s32 s6, s7;
	s6 =	sand.u32 $0x40000, s23;
	vm13 =	vcmask $0x3F30;
	v2 =	vsel vm9, $0x41400000, v1;
	v1 =	vimm.s32 $0xEDCBA987  }
0x14: {  	s7 =	sadd.s32 s1, s10;
	s23 =	simm.s32 $0xE80;
	s1 =	simm.s32 $0x0;
	v5 =	vcombine.low v6, v5;
	v6 =	vsel vm12, $0x0, v10;
	v4 =	vunpack.c.l.s4.s8 v1  }
0x15: {  	s9 =	sadd.s32 s6, s15;
	s6 =	sadd.s32 s0, s10;
	s0 =	sadd.s32 s14, s26;
	vm14 =	vcmask $0xF00;
	v8 =	vcombine.low v9, v8;
	v7 =	vand.u32 $0x3, v7  }
0x16: {  	s14 =	sadd.s32 s31, s15;
	s16 =	smax.u32 s17, $0x1;
	s17 =	simm.s32 $0x1;
	vm15 =	vcmask $0x1F00;
	v9 =	vsel vm14, $0x0, v10;
	v4 =	vunpack.c.0.s8.s32 v4  }
0x17: {  	s26 =	simm.s32 $0x6E80;
	s8 =	sadd.s32 s25, s9;
	s9 =	sadd.s32 s3, s10;
	v7 =	vsel vm13, v11, v7;
	v0 =	vimm.s32 $0x0;
	v2 =	vsel vm10, $0x41500000, v2  }
0x18: {  	s10 =	sadd.s32 s5, s10;
	s15 =	sadd.s32 s30, s0;
	s25 =	simm.s32 $0x4E80;
	v1 =	vimm.s32 $0x1;
	v2 =	vsel vm11, $0x41600000, v2;
	v4 =	vand.u32 $0xF, v4  }
0x19: {  	s11 =	sadd.s32 $0x10000, s8;
	s12 =	sadd.s32 $0x20000, s8;
	s13 =	sadd.s32 $0x30000, s8;
	v3 =	vcombine.low v3, v4;
	v4 =	vsel vm0, $0x0, v10;
	v10 =	vsel vm15, $0x0, v10  }
.LBB2_1:
0x1a: {  	[tilespmem:s4], [sflag:$0x1] =	stream.linear.gather [hbm4b:s6+s4], $0x200, $0x38;
	[tilespmem:$0x19680] =	vst v63  }
0x1b: {  	_ =	swait.ge [sflag:s17], $0x200  }
0x1c: {  	[sflag:s17] =	ssyncset.done $0x0  }
0x1d: {  	s0 =	simm.s32 $0x280;
	[sflag:s17] =	ssyncadd.s32 $0xFFFFFE00  }
0x1e: {  	[tilespmem:s0], [sflag:$0x1] =	stream.linear.gather [hbm4b:s7+s4], $0x200, $0x38;
	[tilespmem:$0x19680] =	vst v63  }
0x1f: {  	_ =	swait.ge [sflag:s17], $0x200  }
0x20: {  	[sflag:s17] =	ssyncset.done $0x0  }
0x21: {  	s19 =	simm.s32 $0x500;
	[sflag:s17] =	ssyncadd.s32 $0xFFFFFE00  }
0x22: {  	[tilespmem:s19], [sflag:$0x1] =	stream.linear.gather [hbm4b:s9+s4], $0x200, $0x38;
	[tilespmem:$0x19680] =	vst v63  }
0x23: {  	_ =	swait.ge [sflag:s17], $0x200  }
0x24: {  	[sflag:s17] =	ssyncset.done $0x0  }
0x25: {  	s20 =	simm.s32 $0x780;
	[sflag:s17] =	ssyncadd.s32 $0xFFFFFE00  }
0x26: {  	[tilespmem:s20], [sflag:$0x1] =	stream.linear.gather [hbm4b:s10+s4], $0x200, $0x38;
	[tilespmem:$0x19680] =	vst v63  }
0x27: {  	_ =	swait.ge [sflag:s17], $0x200  }
0x28: {  	[sflag:s17] =	ssyncset.done $0x0  }
0x29: {  	[sflag:s17] =	ssyncadd.s32 $0xFFFFFE00  }
0x2a: {  	s3 =	simm.s32 $0xA00;
	s21 =	rddreg [dreg:$0x4]  }
0x2b: {  	[tilespmem:s3], [sflag:$0x1] =	stream.linear.gather [hbm4b:s21+s4], $0x300, $0x38;
	[tilespmem:$0x19680] =	vst v63  }
0x2c: {  	_ =	swait.ge [sflag:s17], $0x300  }
0x2d: {  	[sflag:s17] =	ssyncset.done $0x0  }
0x2e: {  	[sflag:s17] =	ssyncadd.s32 $0xFFFFFD00  }
0x2f: {  	s30 =	simm.s32 $0xE00;
	s22 =	rddreg [dreg:$0x5]  }
0x30: {  	[tilespmem:s30], [sflag:$0x1] =	stream.linear.gather [hbm4b:s22+s4], $0x80, $0x38;
	[tilespmem:$0x19680] =	vst v63  }
0x31: {  	_ =	swait.ge [sflag:s17], $0x80  }
0x32: {  	[sflag:s17] =	ssyncset.done $0x0  }
0x33: {  	[sflag:s17] =	ssyncadd.s32 $0xFFFFFF80  }
0x34: {  	[tilespmem:s23], [sflag:$0x1] =	stream.linear.gather [hbm4b:s2+s4], $0x2000, $0x38;
	[tilespmem:$0x19680] =	vst v63  }
0x35: {  	_ =	swait.ge [sflag:s17], $0x2000  }
0x36: {  	[sflag:s17] =	ssyncset.done $0x0  }
0x37: {  	[sflag:s17] =	ssyncadd.s32 $0xFFFFE000  }
0x38: {  	[tilespmem:s24], [sflag:$0x1] =	stream.linear.gather [hbm4b:s2+s4], $0x2000, $0x38;
	[tilespmem:$0x19680] =	vst v63  }
0x39: {  	_ =	swait.ge [sflag:s17], $0x2000  }
0x3a: {  	[sflag:s17] =	ssyncset.done $0x0  }
0x3b: {  	[sflag:s17] =	ssyncadd.s32 $0xFFFFE000  }
0x3c: {  	[tilespmem:s25], [sflag:$0x1] =	stream.linear.gather [hbm4b:s2+s4], $0x2000, $0x38;
	[tilespmem:$0x19680] =	vst v63  }
0x3d: {  	_ =	swait.ge [sflag:s17], $0x2000  }
0x3e: {  	[sflag:s17] =	ssyncset.done $0x0  }
0x3f: {  	[sflag:s17] =	ssyncadd.s32 $0xFFFFE000  }
0x40: {  	[tilespmem:s26], [sflag:$0x1] =	stream.linear.gather [hbm4b:s2+s4], $0x2000, $0x38;
	[tilespmem:$0x19680] =	vst v63  }
0x41: {  	_ =	swait.ge [sflag:s17], $0x2000  }
0x42: {  	[sflag:s17] =	ssyncset.done $0x0  }
0x43: {  	[sflag:s17] =	ssyncadd.s32 $0xFFFFE000  }
0x44: {  	v14 =	vld [tilespmem:$0xE00];
	_ =	sdelay $0x2  }
0x45: {  	v11 =	vld [tilespmem:$0xA00]  }
0x46: {  	s31 =	simm.s32 $0x0;
	v12 =	vld [tilespmem:$0xB00]  }
0x47: {  	v25 =	vld.msk [tilespmem:s31+$0x0 ss:$0x0], $0xffff;
	v13 =	vperm.xlane v14, v0;
	v15 =	vperm.xlane v14, v1  }
0x48: {  	v26 =	vld.msk [tilespmem:s31+$0x280 ss:$0x0], $0xffff  }
0x49: {  	v22 =	vld.msk [tilespmem:s31+$0x500 ss:$0x0], $0xffff;
	v15 =	vsub.f32 v15, v13  }
0x4a: {  	v14 =	vld [tilespmem:$0xC00]  }
0x4b: {  	(erf) = vrcp.f32 v15;
	_ =	sdelay $0x1  }
0x4c: {  	v16 =	vmul.f32 v25, v11;
	v17 =	vmul.f32 v26, v12;
	_ =	sdelay $0x1  }
0x4d: {  	v17 =	vadd.f32 v17, v16;
	v18 =	vmul.f32 v22, v14;
	_ =	sdelay $0x1  }
0x4e: {  	v16 =	vadd.f32 $2.100000000e+01, v13;
	v18 =	vadd.f32 v18, v17;
	_ =	sdelay $0x1  }
0x4f: {  	v19 =	vsub.f32 v18, v16  }
0x50: {  	v17 =	vpop (erf)  }
0x51: {  	v19 =	vmul.f32 v19, v17;
	_ =	sdelay $0x1  }
0x52: {  	v19 =	vtrunc.f32 v19  }
0x53: {  	v19 =	vcvt.f32.s32 v19;
	_ =	sdelay $0x1  }
0x54: {  	v19 =	vadd.s32 $0xFFFFFFFF, v19  }
0x55: {  	vm0 =	vgt.s32 v19, $0x0  }
0x56: {  	v19 =	vnsel vm0, $0x0, v19  }
0x57: {  	v23 =	vmin.u32 v19, $0x30  }
0x58: {  	v19 =	vcvt.s32.f32 v23;
	_ =	sdelay $0x1  }
0x59: {  	v18 =	vsub.f32 v18, v13;
	v19 =	vmul.f32 v19, v15;
	_ =	sdelay $0x1  }
0x5a: {  	v24 =	vsub.f32 v18, v19;
	_ =	sdelay $0x1  }
0x5b: {  	(v2sf) =	vpush v23, $0x0;
	v18 =	vmul.f32 v2, v15;
	v19 =	vbroadcast v24, $0x0  }
0x5c: {  	v30 =	vld [tilespmem:s31+$0x780];
	(v2sf) =	vpush v23, $0x1;
	v20 =	vbroadcast v24, $0x1;
	v21 =	vbroadcast v24, $0x2  }
0x5d: {  	v27 =	vbroadcast v24, $0x3;
	v28 =	vbroadcast v24, $0x4;
	v19 =	vsub.f32 v19, v18  }
0x5e: {  	v29 =	vbroadcast v24, $0x5;
	v20 =	vsub.f32 v20, v18;
	v21 =	vsub.f32 v21, v18  }
0x5f: {  	v53 =	vbroadcast v24, $0x8;
	v27 =	vsub.f32 v27, v18;
	v19 =	vmul.f32 $1.442695020e+00, v19  }
0x60: {  	(v2sf) =	vpush v23, $0x2;
	v20 =	vmul.f32 $1.442695020e+00, v20;
	v21 =	vmul.f32 $1.442695020e+00, v21  }
0x61: {  	(v2sf) =	vpush v30, $0x0;
	v27 =	vmul.f32 $1.442695020e+00, v27;
	(erf) = vpow2.f32 v19  }
0x62: {  	v28 =	vsub.f32 v28, v18;
	(erf) = vpow2.f32 v20;
	v20 =	vbroadcast v24, $0x6  }
0x63: {  	v29 =	vsub.f32 v29, v18;
	(erf) = vpow2.f32 v21;
	v21 =	vbroadcast v24, $0x7  }
0x64: {  	v54 =	vbroadcast v24, $0x9;
	v19 =	vmul.f32 $1.442695020e+00, v28;
	v20 =	vsub.f32 v20, v18  }
0x65: {  	v52 =	vmul.f32 $1.442695020e+00, v29;
	(erf) = vpow2.f32 v27;
	v21 =	vsub.f32 v21, v18  }
0x66: {  	(erf) = vpow2.f32 v19;
	v19 =	vmul.f32 $1.442695020e+00, v20;
	v20 =	vsub.f32 v53, v18  }
0x67: {  	v27 =	vsub.f32 v54, v18;
	(erf) = vpow2.f32 v52  }
0x68: {  	v21 =	vmul.f32 $1.442695020e+00, v21;
	v20 =	vmul.f32 $1.442695020e+00, v20  }
0x69: {  	(erf) = vpow2.f32 v19;
	v19 =	vmul.f32 $1.442695020e+00, v27  }
0x6a: {  	(erf) = vpow2.f32 v21;
	v55 =	vpop (erf)  }
0x6b: {  	(erf) = vpow2.f32 v20;
	v21 =	vadd.f32 $1.000000000e+00, v55  }
0x6c: {  	(erf) = vpow2.f32 v19  }
0x6d: {  	v19 =	vpop (erf);
	(erf) = vrcp.f32 v21  }
0x6e: {  	v20 =	vpop (erf)  }
0x6f: {  	v56 =	vpop (erf)  }
0x70: {  	v57 =	vpop (erf)  }
0x71: {  	s0 =	spop (v2sf);
	v58 =	vpop (erf)  }
0x72: {  	s20 =	spop (v2sf);
	v19 =	vadd.f32 $1.000000000e+00, v19;
	v59 =	vpop (erf)  }
0x73: {  	s21 =	spop (v2sf);
	v31 =	vpop (erf)  }
0x74: {  	s18 =	spop (v2sf);
	v32 =	vpop (erf)  }
0x75: {  	s22 =	sshll.u32 s18, $0x9;
	(erf) = vrcp.f32 v19;
	v33 =	vpop (erf)  }
0x76: {  	s18 =	sadd.s32 $0xE80, s22;
	v19 =	vpop (erf)  }
0x77: {  	s3 =	sor.u32 s0, s18;
	v21 =	vperm.xlane v19, v3  }
0x78: {  	v34 =	vld [tilespmem:s3+$0x0]  }
0x79: {  	v21 =	vmul.f32 v4, v21;
	_ =	sdelay $0x1  }
0x7a: {  	v35 =	vadd.f32 $1.000000000e+00, v20;
	v21 =	vsub.f32 v19, v21;
	_ =	sdelay $0x1  }
0x7b: {  	v20 =	vld [tilespmem:$0xB80];
	(erf) = vrcp.f32 v35;
	v34 =	vadd.f32 v21, v34  }
0x7c: {  	s19 =	sadd.s32 $0x2E80, s22;
	v60 =	vpop (erf);
	v19 =	vld [tilespmem:$0xA80]  }
0x7d: {  	(v2sf) =	vpush v23, $0x3;
	s30 =	sor.u32 s20, s19;
	v36 =	vperm.xlane v60, v3;
	v21 =	vld [tilespmem:$0xC80];
	[tilespmem:s3+$0x0] =	vst v34  }
0x7e: {  	v34 =	vld [tilespmem:s30+$0x0]  }
0x7f: {  	v36 =	vmul.f32 v4, v36;
	_ =	sdelay $0x1  }
0x80: {  	v27 =	vadd.f32 $1.000000000e+00, v56;
	v35 =	vsub.f32 v60, v36;
	_ =	sdelay $0x1  }
0x81: {  	(erf) = vrcp.f32 v27;
	v61 =	vadd.f32 v35, v34  }
0x82: {  	s20 =	sadd.s32 $0x4E80, s22;
	v62 =	vpop (erf)  }
0x83: {  	(v2sf) =	vpush v23, $0x4;
	s5 =	sor.u32 s21, s20;
	v63 =	vperm.xlane v62, v3;
	[tilespmem:s30+$0x0] =	vst v61  }
0x84: {  	v27 =	vld [tilespmem:s5+$0x0]  }
0x85: {  	v35 =	vmul.f32 v4, v63;
	_ =	sdelay $0x1  }
0x86: {  	v28 =	vadd.f32 $1.000000000e+00, v57;
	v34 =	vsub.f32 v62, v35;
	_ =	sdelay $0x1  }
0x87: {  	(erf) = vrcp.f32 v28;
	v27 =	vadd.f32 v34, v27  }
0x88: {  	s21 =	sadd.s32 $0x6E80, s22;
	s31 =	spop (v2sf);
	v36 =	vpop (erf)  }
0x89: {  	(v2sf) =	vpush v23, $0x5;
	v37 =	vperm.xlane v36, v3;
	s30 =	sor.u32 s31, s21;
	[tilespmem:s5+$0x0] =	vst v27  }
0x8a: {  	v27 =	vld [tilespmem:s30+$0x0]  }
0x8b: {  	v34 =	vmul.f32 v4, v37;
	_ =	sdelay $0x1  }
0x8c: {  	v29 =	vadd.f32 $1.000000000e+00, v58;
	v28 =	vsub.f32 v36, v34;
	_ =	sdelay $0x1  }
0x8d: {  	v38 =	vbroadcast v24, $0xA;
	(erf) = vrcp.f32 v29;
	v27 =	vadd.f32 v28, v27  }
0x8e: {  	v39 =	vbroadcast v24, $0xB;
	s0 =	spop (v2sf);
	v40 =	vpop (erf)  }
0x8f: {  	(v2sf) =	vpush v23, $0x6;
	s3 =	sor.u32 s0, s18;
	v41 =	vperm.xlane v40, v3;
	v34 =	vsub.f32 v38, v18;
	[tilespmem:s30+$0x0] =	vst v27  }
0x90: {  	v42 =	vsub.f32 v39, v18;
	v43 =	vld [tilespmem:s3+$0x40]  }
0x91: {  	v35 =	vmul.f32 v4, v41;
	v34 =	vmul.f32 $1.442695020e+00, v34  }
0x92: {  	v27 =	vmul.f32 $1.442695020e+00, v42  }
0x93: {  	v30 =	vadd.f32 $1.000000000e+00, v59;
	v29 =	vsub.f32 v40, v35;
	(erf) = vpow2.f32 v34  }
0x94: {  	(erf) = vpow2.f32 v27  }
0x95: {  	(erf) = vrcp.f32 v30;
	v44 =	vadd.f32 v29, v43  }
0x96: {  	v45 =	vpop (erf);
	s5 =	spop (v2sf)  }
0x97: {  	v46 =	vperm.xlane v45, v3;
	(v2sf) =	vpush v23, $0x7;
	s30 =	sor.u32 s5, s19;
	[tilespmem:s3+$0x40] =	vst v44  }
0x98: {  	v27 =	vld [tilespmem:s30+$0x40]  }
0x99: {  	v29 =	vmul.f32 v4, v46;
	_ =	sdelay $0x1  }
0x9a: {  	v47 =	vadd.f32 $1.000000000e+00, v31;
	v28 =	vsub.f32 v45, v29  }
0x9b: {  	v48 =	vpop (erf)  }
0x9c: {  	(erf) = vrcp.f32 v47;
	v49 =	vpop (erf);
	v27 =	vadd.f32 v28, v27  }
0x9d: {  	s31 =	spop (v2sf);
	(v2sf) =	vpush v23, $0x8;
	v50 =	vpop (erf)  }
0x9e: {  	s3 =	sor.u32 s31, s20;
	v51 =	vperm.xlane v50, v3;
	[tilespmem:s30+$0x40] =	vst v27  }
0x9f: {  	v27 =	vld [tilespmem:s3+$0x40]  }
0xa0: {  	v26 =	vmul.f32 v26, v20;
	v31 =	vmul.f32 v4, v51  }
0xa1: {  	v25 =	vmul.f32 v25, v19;
	v22 =	vmul.f32 v22, v21  }
0xa2: {  	v32 =	vadd.f32 $1.000000000e+00, v32;
	v28 =	vsub.f32 v50, v31  }
0xa3: {  	v25 =	vadd.f32 v26, v25  }
0xa4: {  	(erf) = vrcp.f32 v32;
	v52 =	vadd.f32 v28, v27  }
0xa5: {  	v25 =	vadd.f32 v22, v25;
	s0 =	spop (v2sf);
	v22 =	vpop (erf)  }
0xa6: {  	(v2sf) =	vpush v23, $0x9;
	v53 =	vperm.xlane v22, v3;
	s30 =	sor.u32 s0, s21;
	[tilespmem:s3+$0x40] =	vst v52  }
0xa7: {  	v55 =	vld [tilespmem:s30+$0x40]  }
0xa8: {  	v27 =	vmul.f32 v4, v53  }
0xa9: {  	v54 =	vsub.f32 v25, v16  }
0xaa: {  	v56 =	vadd.f32 $1.000000000e+00, v33;
	v22 =	vsub.f32 v22, v27  }
0xab: {  	v26 =	vmul.f32 v54, v17  }
0xac: {  	s31 =	spop (v2sf);
	(v2sf) =	vpush v23, $0xA;
	(erf) = vrcp.f32 v56;
	v22 =	vadd.f32 v22, v55  }
0xad: {  	v26 =	vtrunc.f32 v26;
	v29 =	vadd.f32 $1.000000000e+00, v48;
	v57 =	vpop (erf);
	s3 =	sor.u32 $0x80, s22  }
0xae: {  	v26 =	vcvt.f32.s32 v26;
	v58 =	vperm.xlane v57, v3;
	s31 =	sor.u32 s31, s3;
	[tilespmem:s30+$0x40] =	vst v22  }
0xaf: {  	(erf) = vrcp.f32 v29;
	v59 =	vld [tilespmem:s31+$0xE80]  }
0xb0: {  	v26 =	vadd.s32 $0xFFFFFFFF, v26;
	v60 =	vmul.f32 v4, v58  }
0xb1: {  	vm15 =	vgt.s32 v26, $0x0  }
0xb2: {  	v61 =	vbroadcast v24, $0xC;
	v22 =	vnsel vm15, $0x0, v26;
	v26 =	vsub.f32 v57, v60  }
0xb3: {  	v62 =	vbroadcast v24, $0xD  }
0xb4: {  	v36 =	vsub.f32 v61, v18;
	v22 =	vmin.u32 v22, $0x30;
	v26 =	vadd.f32 v26, v59  }
0xb5: {  	v41 =	vbroadcast v24, $0xE;
	v39 =	vadd.f32 $1.000000000e+00, v49;
	v40 =	vpop (erf);
	s5 =	spop (v2sf);
	v63 =	vcvt.s32.f32 v22  }
0xb6: {  	v42 =	vperm.xlane v40, v3;
	(v2sf) =	vpush v23, $0xB;
	v27 =	vmul.f32 $1.442695020e+00, v36;
	s30 =	sor.u32 s5, s3;
	[tilespmem:s31+$0xE80] =	vst v26  }
0xb7: {  	v25 =	vsub.f32 v25, v13;
	(erf) = vrcp.f32 v39;
	v38 =	vmul.f32 v63, v15;
	v44 =	vld [tilespmem:s30+$0x2E80]  }
0xb8: {  	v37 =	vsub.f32 v62, v18;
	v51 =	vpop (erf);
	v33 =	vmul.f32 v4, v42;
	(erf) = vpow2.f32 v27  }
0xb9: {  	v43 =	vbroadcast v24, $0xF;
	v52 =	vperm.xlane v51, v3;
	v24 =	vsub.f32 v25, v38  }
0xba: {  	v45 =	vsub.f32 v41, v18;
	v28 =	vmul.f32 $1.442695020e+00, v37;
	v46 =	vsub.f32 v40, v33  }
0xbb: {  	s0 =	spop (v2sf);
	(v2sf) =	vpush v23, $0xC;
	v31 =	vmul.f32 v4, v52;
	v47 =	vbroadcast v24, $0x0  }
0xbc: {  	v26 =	vsub.f32 v43, v18;
	v48 =	vbroadcast v24, $0x1;
	v27 =	vadd.f32 v46, v44  }
0xbd: {  	v25 =	vmul.f32 $1.442695020e+00, v45;
	v49 =	vbroadcast v24, $0x2;
	v50 =	vsub.f32 v47, v18  }
0xbe: {  	(erf) = vpow2.f32 v28;
	s31 =	sor.u32 s0, s3;
	v26 =	vmul.f32 $1.442695020e+00, v26;
	v30 =	vsub.f32 v48, v18;
	[tilespmem:s30+$0x2E80] =	vst v27  }
0xbf: {  	(erf) = vpow2.f32 v25;
	v53 =	vsub.f32 v49, v18;
	v25 =	vmul.f32 $1.442695020e+00, v50;
	v27 =	vld [tilespmem:s31+$0x4E80]  }
0xc0: {  	v55 =	vpop (erf);
	(erf) = vpow2.f32 v26;
	v54 =	vmul.f32 $1.442695020e+00, v30  }
0xc1: {  	v56 =	vpop (erf);
	v26 =	vmul.f32 $1.442695020e+00, v53;
	(erf) = vpow2.f32 v25  }
0xc2: {  	v28 =	vsub.f32 v51, v31;
	v57 =	vadd.f32 $1.000000000e+00, v56;
	(erf) = vpow2.f32 v54  }
0xc3: {  	(erf) = vpow2.f32 v26  }
0xc4: {  	(erf) = vrcp.f32 v57;
	v58 =	vadd.f32 v28, v27  }
0xc5: {  	s5 =	spop (v2sf)  }
0xc6: {  	(v2sf) =	vpush v23, $0xD;
	v59 =	vperm.xlane v55, v3;
	s3 =	sor.u32 s5, s3;
	[tilespmem:s31+$0x4E80] =	vst v58  }
0xc7: {  	v60 =	vpop (erf);
	v61 =	vld [tilespmem:s3+$0x6E80]  }
0xc8: {  	v26 =	vmul.f32 v4, v59;
	v62 =	vpop (erf)  }
0xc9: {  	v63 =	vpop (erf)  }
0xca: {  	v25 =	vadd.f32 $1.000000000e+00, v60;
	v26 =	vsub.f32 v55, v26;
	v36 =	vpop (erf)  }
0xcb: {  	v37 =	vpop (erf)  }
0xcc: {  	(erf) = vrcp.f32 v25;
	v38 =	vpop (erf);
	v26 =	vadd.f32 v26, v61  }
0xcd: {  	s31 =	spop (v2sf);
	v39 =	vpop (erf)  }
0xce: {  	(v2sf) =	vpush v23, $0xE;
	s30 =	sor.u32 s31, s18;
	v40 =	vperm.xlane v39, v3;
	[tilespmem:s3+$0x6E80] =	vst v26  }
0xcf: {  	v26 =	vld [tilespmem:s30+$0xC0]  }
0xd0: {  	v32 =	vmul.f32 v4, v40;
	_ =	sdelay $0x1  }
0xd1: {  	v28 =	vadd.f32 $1.000000000e+00, v62;
	v27 =	vsub.f32 v39, v32;
	_ =	sdelay $0x1  }
0xd2: {  	(erf) = vrcp.f32 v28;
	v26 =	vadd.f32 v27, v26  }
0xd3: {  	s0 =	spop (v2sf);
	v41 =	vpop (erf)  }
0xd4: {  	(v2sf) =	vpush v23, $0xF;
	v42 =	vperm.xlane v41, v3;
	s3 =	sor.u32 s0, s19;
	[tilespmem:s30+$0xC0] =	vst v26  }
0xd5: {  	v23 =	vld [tilespmem:s3+$0xC0]  }
0xd6: {  	v43 =	vmul.f32 v4, v42;
	_ =	sdelay $0x1  }
0xd7: {  	v44 =	vadd.f32 $1.000000000e+00, v63;
	v26 =	vsub.f32 v41, v43  }
0xd8: {  	v45 =	vbroadcast v24, $0x3  }
0xd9: {  	v46 =	vbroadcast v24, $0x4;
	(erf) = vrcp.f32 v44;
	v23 =	vadd.f32 v26, v23  }
0xda: {  	v47 =	vsub.f32 v45, v18;
	v48 =	vbroadcast v24, $0x5;
	v49 =	vpop (erf);
	s5 =	spop (v2sf)  }
0xdb: {  	v29 =	vsub.f32 v46, v18;
	v50 =	vperm.xlane v49, v3;
	(v2sf) =	vpush v22, $0x0;
	s30 =	sor.u32 s5, s20;
	[tilespmem:s3+$0xC0] =	vst v23  }
0xdc: {  	v51 =	vsub.f32 v48, v18;
	v23 =	vmul.f32 $1.442695020e+00, v47;
	v52 =	vld [tilespmem:s30+$0xC0]  }
0xdd: {  	v29 =	vmul.f32 $1.442695020e+00, v29;
	v32 =	vmul.f32 v4, v50  }
0xde: {  	v26 =	vmul.f32 $1.442695020e+00, v51;
	(erf) = vpow2.f32 v23  }
0xdf: {  	v28 =	vsub.f32 v49, v32;
	v23 =	vadd.f32 $1.000000000e+00, v36;
	(erf) = vpow2.f32 v29  }
0xe0: {  	(erf) = vpow2.f32 v26  }
0xe1: {  	(erf) = vrcp.f32 v23;
	v23 =	vadd.f32 v28, v52  }
0xe2: {  	v53 =	vpop (erf);
	s31 =	spop (v2sf)  }
0xe3: {  	v54 =	vperm.xlane v53, v3;
	(v2sf) =	vpush v22, $0x1;
	s3 =	sor.u32 s31, s21;
	[tilespmem:s30+$0xC0] =	vst v23  }
0xe4: {  	v23 =	vld [tilespmem:s3+$0xC0]  }
0xe5: {  	v27 =	vmul.f32 v4, v54;
	_ =	sdelay $0x1  }
0xe6: {  	v55 =	vadd.f32 $1.000000000e+00, v37;
	v26 =	vsub.f32 v53, v27;
	v56 =	vpop (erf)  }
0xe7: {  	v57 =	vpop (erf)  }
0xe8: {  	(erf) = vrcp.f32 v55;
	v58 =	vpop (erf);
	v23 =	vadd.f32 v26, v23  }
0xe9: {  	s0 =	spop (v2sf);
	s30 =	sor.u32 $0x100, s22;
	v59 =	vpop (erf)  }
0xea: {  	(v2sf) =	vpush v22, $0x2;
	s31 =	sor.u32 s0, s30;
	v60 =	vperm.xlane v59, v3;
	[tilespmem:s3+$0xC0] =	vst v23  }
0xeb: {  	v23 =	vld [tilespmem:s31+$0xE80]  }
0xec: {  	v30 =	vmul.f32 v4, v60;
	_ =	sdelay $0x1  }
0xed: {  	v25 =	vadd.f32 $1.000000000e+00, v38;
	v26 =	vsub.f32 v59, v30  }
0xee: {  	v61 =	vbroadcast v24, $0x6  }
0xef: {  	v62 =	vbroadcast v24, $0x7;
	(erf) = vrcp.f32 v25;
	v23 =	vadd.f32 v26, v23  }
0xf0: {  	v63 =	vsub.f32 v61, v18;
	v36 =	vbroadcast v24, $0x8;
	s5 =	spop (v2sf);
	v37 =	vpop (erf)  }
0xf1: {  	v31 =	vsub.f32 v62, v18;
	(v2sf) =	vpush v22, $0x3;
	s3 =	sor.u32 s5, s30;
	v38 =	vperm.xlane v37, v3;
	[tilespmem:s31+$0xE80] =	vst v23  }
0xf2: {  	v39 =	vsub.f32 v36, v18;
	v23 =	vmul.f32 $1.442695020e+00, v63;
	v40 =	vld [tilespmem:s3+$0x2E80]  }
0xf3: {  	v31 =	vmul.f32 $1.442695020e+00, v31;
	v32 =	vmul.f32 v4, v38  }
0xf4: {  	(erf) = vpow2.f32 v23;
	v23 =	vmul.f32 $1.442695020e+00, v39  }
0xf5: {  	v41 =	vadd.f32 $1.000000000e+00, v56;
	v42 =	vsub.f32 v37, v32;
	(erf) = vpow2.f32 v31  }
0xf6: {  	(erf) = vpow2.f32 v23  }
0xf7: {  	(erf) = vrcp.f32 v41;
	v23 =	vadd.f32 v42, v40  }
0xf8: {  	s0 =	spop (v2sf);
	v43 =	vpop (erf)  }
0xf9: {  	(v2sf) =	vpush v22, $0x4;
	v44 =	vperm.xlane v43, v3;
	s31 =	sor.u32 s0, s30;
	[tilespmem:s3+$0x2E80] =	vst v23  }
0xfa: {  	v23 =	vld [tilespmem:s31+$0x4E80]  }
0xfb: {  	v26 =	vmul.f32 v4, v44;
	_ =	sdelay $0x1  }
0xfc: {  	v27 =	vadd.f32 $1.000000000e+00, v57;
	v25 =	vsub.f32 v43, v26;
	v45 =	vpop (erf)  }
0xfd: {  	v46 =	vpop (erf)  }
0xfe: {  	(erf) = vrcp.f32 v27;
	v47 =	vpop (erf);
	v23 =	vadd.f32 v25, v23  }
0xff: {  	s5 =	spop (v2sf);
	v48 =	vpop (erf)  }
0x100: {  	(v2sf) =	vpush v22, $0x5;
	s3 =	sor.u32 s5, s30;
	v49 =	vperm.xlane v48, v3;
	[tilespmem:s31+$0x4E80] =	vst v23  }
0x101: {  	v23 =	vld [tilespmem:s3+$0x6E80]  }
0x102: {  	v30 =	vmul.f32 v4, v49;
	_ =	sdelay $0x1  }
0x103: {  	v28 =	vadd.f32 $1.000000000e+00, v58;
	v25 =	vsub.f32 v48, v30;
	_ =	sdelay $0x1  }
0x104: {  	(erf) = vrcp.f32 v28;
	v23 =	vadd.f32 v25, v23  }
0x105: {  	s31 =	spop (v2sf);
	v50 =	vpop (erf)  }
0x106: {  	(v2sf) =	vpush v22, $0x6;
	s30 =	sor.u32 s31, s18;
	v51 =	vperm.xlane v50, v3;
	[tilespmem:s3+$0x6E80] =	vst v23  }
0x107: {  	v23 =	vld [tilespmem:s30+$0x140]  }
0x108: {  	v28 =	vmul.f32 v4, v51;
	_ =	sdelay $0x1  }
0x109: {  	v29 =	vadd.f32 $1.000000000e+00, v45;
	v25 =	vsub.f32 v50, v28;
	_ =	sdelay $0x1  }
0x10a: {  	(erf) = vrcp.f32 v29;
	v23 =	vadd.f32 v25, v23  }
0x10b: {  	v52 =	vbroadcast v24, $0x9;
	s0 =	spop (v2sf);
	v53 =	vpop (erf)  }
0x10c: {  	(v2sf) =	vpush v22, $0x7;
	v54 =	vperm.xlane v53, v3;
	s3 =	sor.u32 s0, s19;
	[tilespmem:s30+$0x140] =	vst v23  }
0x10d: {  	v23 =	vsub.f32 v52, v18;
	v55 =	vld [tilespmem:s3+$0x140]  }
0x10e: {  	v29 =	vmul.f32 v4, v54  }
0x10f: {  	v23 =	vmul.f32 $1.442695020e+00, v23  }
0x110: {  	v26 =	vadd.f32 $1.000000000e+00, v46;
	v28 =	vsub.f32 v53, v29  }
0x111: {  	(erf) = vpow2.f32 v23  }
0x112: {  	(erf) = vrcp.f32 v26;
	v23 =	vadd.f32 v28, v55  }
0x113: {  	v56 =	vpop (erf);
	s5 =	spop (v2sf)  }
0x114: {  	v57 =	vperm.xlane v56, v3;
	s30 =	sor.u32 s5, s20;
	[tilespmem:s3+$0x140] =	vst v23  }
0x115: {  	(v2sf) =	vpush v22, $0x8;
	v23 =	vld [tilespmem:s30+$0x140]  }
0x116: {  	v26 =	vmul.f32 v4, v57;
	_ =	sdelay $0x1  }
0x117: {  	v25 =	vsub.f32 v56, v26  }
0x118: {  	v58 =	vbroadcast v24, $0xA;
	v27 =	vadd.f32 $1.000000000e+00, v47  }
0x119: {  	v61 =	vpop (erf);
	v23 =	vadd.f32 v25, v23  }
0x11a: {  	v60 =	vbroadcast v24, $0xB;
	v59 =	vsub.f32 v58, v18;
	s31 =	spop (v2sf);
	(erf) = vrcp.f32 v27;
	v63 =	vpop (erf)  }
0x11b: {  	v62 =	vbroadcast v24, $0xC;
	s3 =	sor.u32 s31, s21;
	v33 =	vperm.xlane v63, v3;
	[tilespmem:s30+$0x140] =	vst v23  }
0x11c: {  	(v2sf) =	vpush v22, $0x9;
	v28 =	vsub.f32 v60, v18;
	v26 =	vmul.f32 $1.442695020e+00, v59;
	v34 =	vld [tilespmem:s3+$0x140]  }
0x11d: {  	v23 =	vsub.f32 v62, v18;
	v36 =	vmul.f32 v4, v33  }
0x11e: {  	v35 =	vmul.f32 $1.442695020e+00, v28;
	(erf) = vpow2.f32 v26  }
0x11f: {  	v23 =	vmul.f32 $1.442695020e+00, v23;
	v38 =	vsub.f32 v63, v36  }
0x120: {  	(erf) = vpow2.f32 v35;
	v37 =	vadd.f32 $1.000000000e+00, v61  }
0x121: {  	v39 =	vbroadcast v24, $0xD;
	(erf) = vpow2.f32 v23;
	v23 =	vadd.f32 v38, v34  }
0x122: {  	(erf) = vrcp.f32 v37  }
0x123: {  	s22 =	sor.u32 $0x180, s22;
	s0 =	spop (v2sf);
	v40 =	vpop (erf);
	[tilespmem:s3+$0x140] =	vst v23;
	v23 =	vsub.f32 v39, v18  }
0x124: {  	(v2sf) =	vpush v22, $0xA;
	v41 =	vperm.xlane v40, v3;
	s30 =	sor.u32 s0, s22  }
0x125: {  	v42 =	vld [tilespmem:s30+$0xE80];
	v23 =	vmul.f32 $1.442695020e+00, v23  }
0x126: {  	v27 =	vmul.f32 v4, v41  }
0x127: {  	v43 =	vpop (erf)  }
0x128: {  	v28 =	vadd.f32 $1.000000000e+00, v43;
	v26 =	vsub.f32 v40, v27  }
0x129: {  	(erf) = vpow2.f32 v23;
	v23 =	vpop (erf)  }
0x12a: {  	(erf) = vrcp.f32 v28;
	v25 =	vadd.f32 v26, v42;
	v44 =	vpop (erf)  }
0x12b: {  	v45 =	vbroadcast v24, $0xE;
	s5 =	spop (v2sf);
	v46 =	vpop (erf)  }
0x12c: {  	(v2sf) =	vpush v22, $0xB;
	s3 =	sor.u32 s5, s22;
	[tilespmem:s30+$0xE80] =	vst v25;
	v47 =	vperm.xlane v46, v3  }
0x12d: {  	v48 =	vsub.f32 v45, v18;
	v49 =	vld [tilespmem:s3+$0x2E80]  }
0x12e: {  	v23 =	vadd.f32 $1.000000000e+00, v23;
	v29 =	vmul.f32 v4, v47  }
0x12f: {  	v25 =	vmul.f32 $1.442695020e+00, v48  }
0x130: {  	v28 =	vsub.f32 v46, v29  }
0x131: {  	(erf) = vpow2.f32 v25  }
0x132: {  	(erf) = vrcp.f32 v23;
	v23 =	vpop (erf);
	v50 =	vadd.f32 v28, v49  }
0x133: {  	s31 =	spop (v2sf);
	v51 =	vpop (erf)  }
0x134: {  	(v2sf) =	vpush v22, $0xC;
	s30 =	sor.u32 s31, s22;
	v52 =	vperm.xlane v51, v3;
	[tilespmem:s3+$0x2E80] =	vst v50  }
0x135: {  	v25 =	vld [tilespmem:s30+$0x4E80]  }
0x136: {  	v28 =	vmul.f32 v4, v52;
	_ =	sdelay $0x1  }
0x137: {  	v27 =	vadd.f32 $1.000000000e+00, v44;
	v26 =	vsub.f32 v51, v28  }
0x138: {  	v24 =	vbroadcast v24, $0xF  }
0x139: {  	(erf) = vrcp.f32 v27;
	v53 =	vpop (erf);
	v25 =	vadd.f32 v26, v25  }
0x13a: {  	v24 =	vsub.f32 v24, v18;
	s0 =	spop (v2sf);
	v54 =	vpop (erf)  }
0x13b: {  	(v2sf) =	vpush v22, $0xD;
	s3 =	sor.u32 s0, s22;
	v55 =	vperm.xlane v54, v3;
	[tilespmem:s30+$0x4E80] =	vst v25  }
0x13c: {  	v24 =	vmul.f32 $1.442695020e+00, v24;
	v25 =	vld [tilespmem:s3+$0x6E80]  }
0x13d: {  	v23 =	vadd.f32 $1.000000000e+00, v23;
	v28 =	vmul.f32 v4, v55  }
0x13e: {  	(erf) = vpow2.f32 v24  }
0x13f: {  	(erf) = vrcp.f32 v23;
	v26 =	vsub.f32 v54, v28;
	_ =	sdelay $0x1  }
0x140: {  	v23 =	vadd.f32 v26, v25  }
0x141: {  	s5 =	spop (v2sf);
	v56 =	vpop (erf)  }
0x142: {  	(v2sf) =	vpush v22, $0xE;
	s18 =	sor.u32 s5, s18;
	v57 =	vperm.xlane v56, v3;
	[tilespmem:s3+$0x6E80] =	vst v23  }
0x143: {  	v23 =	vld [tilespmem:s18+$0x1C0]  }
0x144: {  	v25 =	vmul.f32 v4, v57  }
0x145: {  	v58 =	vadd.f32 $1.000000000e+00, v53  }
0x146: {  	v59 =	vpop (erf);
	v24 =	vsub.f32 v56, v25  }
0x147: {  	(erf) = vrcp.f32 v58;
	v60 =	vpop (erf)  }
0x148: {  	v61 =	vperm.xlane v60, v3;
	v23 =	vadd.f32 v24, v23  }
0x149: {  	s22 =	spop (v2sf)  }
0x14a: {  	(v2sf) =	vpush v22, $0xF;
	s3 =	sor.u32 s22, s19;
	[tilespmem:s18+$0x1C0] =	vst v23;
	v23 =	vmul.f32 v4, v61  }
0x14b: {  	v22 =	vld [tilespmem:s3+$0x1C0]  }
0x14c: {  	v23 =	vsub.f32 v60, v23;
	_ =	sdelay $0x1  }
0x14d: {  	v25 =	vadd.f32 $1.000000000e+00, v59;
	_ =	sdelay $0x1  }
0x14e: {  	(erf) = vrcp.f32 v25;
	v22 =	vadd.f32 v23, v22;
	v23 =	vpop (erf)  }
0x14f: {  	s30 =	spop (v2sf);
	v62 =	vperm.xlane v23, v3  }
0x150: {  	s18 =	sor.u32 s30, s20;
	[tilespmem:s3+$0x1C0] =	vst v22  }
0x151: {  	v22 =	vld [tilespmem:s18+$0x1C0];
	v24 =	vmul.f32 v4, v62;
	_ =	sdelay $0x1  }
0x152: {  	v23 =	vsub.f32 v23, v24;
	_ =	sdelay $0x2  }
0x153: {  	v22 =	vadd.f32 v23, v22  }
0x154: {  	s31 =	spop (v2sf);
	v23 =	vpop (erf)  }
0x155: {  	s19 =	sor.u32 s31, s21;
	v63 =	vperm.xlane v23, v3;
	[tilespmem:s18+$0x1C0] =	vst v22  }
0x156: {  	v22 =	vld [tilespmem:s19+$0x1C0]  }
0x157: {  	v24 =	vmul.f32 v4, v63;
	_ =	sdelay $0x1  }
0x158: {  	v23 =	vsub.f32 v23, v24;
	_ =	sdelay $0x1  }
0x159: {  	s18 =	simm.s32 $0x4;
	v22 =	vadd.f32 v23, v22  }
.LBB2_2:
0x15a: {  	p0 =	sne.s32 s18, $0x7FC;
	s3 =	smov.u32 s18;
	s18 =	sadd.s32 $0x4, s18  }
0x15b: {  	s3 =	sshra.s32 s3, $0x2;
	[tilespmem:s19+$0x1C0] =	vst v22  }
0x15c: {  	v22 =	vld.msk [tilespmem:s3+$0x0 ss:$0x0], $0xffff  }
0x15d: {  	v23 =	vld.msk [tilespmem:s3+$0x280 ss:$0x0], $0xffff  }
0x15e: {  	v24 =	vld.msk [tilespmem:s3+$0x500 ss:$0x0], $0xffff;
	_ =	sdelay $0x3  }
0x15f: {  	v25 =	vmul.f32 v22, v11;
	v22 =	vmul.f32 v22, v19  }
0x160: {  	v26 =	vmul.f32 v23, v12;
	v23 =	vmul.f32 v23, v20  }
0x161: {  	v27 =	vmul.f32 v24, v14  }
0x162: {  	v25 =	vadd.f32 v26, v25;
	v22 =	vadd.f32 v23, v22;
	v23 =	vmul.f32 v24, v21;
	_ =	sdelay $0x1  }
0x163: {  	v24 =	vadd.f32 v27, v25;
	v25 =	vadd.f32 v23, v22;
	_ =	sdelay $0x1  }
0x164: {  	v22 =	vsub.f32 v24, v16;
	v23 =	vsub.f32 v25, v16;
	_ =	sdelay $0x1  }
0x165: {  	v22 =	vmul.f32 v22, v17;
	v23 =	vmul.f32 v23, v17;
	_ =	sdelay $0x1  }
0x166: {  	v22 =	vtrunc.f32 v22;
	v23 =	vtrunc.f32 v23  }
0x167: {  	v22 =	vcvt.f32.s32 v22;
	v23 =	vcvt.f32.s32 v23;
	_ =	sdelay $0x1  }
0x168: {  	v22 =	vadd.s32 $0xFFFFFFFF, v22;
	v23 =	vadd.s32 $0xFFFFFFFF, v23  }
0x169: {  	vm0 =	vgt.s32 v22, $0x0;
	vm1 =	vgt.s32 v23, $0x0  }
0x16a: {  	v22 =	vnsel vm0, $0x0, v22;
	v26 =	vnsel vm1, $0x0, v23  }
0x16b: {  	v25 =	vsub.f32 v25, v13;
	v23 =	vmin.u32 v22, $0x30;
	v22 =	vmin.u32 v26, $0x30  }
0x16c: {  	v26 =	vcvt.s32.f32 v23;
	v27 =	vcvt.s32.f32 v22;
	(v2sf) =	vpush v23, $0x0  }
0x16d: {  	v24 =	vsub.f32 v24, v13;
	(v2sf) =	vpush v23, $0x1  }
0x16e: {  	v26 =	vmul.f32 v26, v15;
	v27 =	vmul.f32 v27, v15;
	(v2sf) =	vpush v23, $0x2;
	_ =	sdelay $0x1  }
0x16f: {  	v26 =	vsub.f32 v24, v26;
	v24 =	vsub.f32 v25, v27;
	_ =	sdelay $0x1  }
0x170: {  	v25 =	vbroadcast v26, $0x0;
	v27 =	vbroadcast v26, $0x1  }
0x171: {  	v28 =	vbroadcast v26, $0x2;
	v29 =	vbroadcast v26, $0x3  }
0x172: {  	v30 =	vbroadcast v26, $0x4;
	v25 =	vsub.f32 v25, v18;
	v27 =	vsub.f32 v27, v18  }
0x173: {  	v31 =	vbroadcast v26, $0x5;
	v28 =	vsub.f32 v28, v18;
	v29 =	vsub.f32 v29, v18  }
0x174: {  	v30 =	vsub.f32 v30, v18;
	v25 =	vmul.f32 $1.442695020e+00, v25;
	v27 =	vmul.f32 $1.442695020e+00, v27;
	v32 =	vld [tilespmem:s3+$0x780]  }
0x175: {  	v31 =	vsub.f32 v31, v18;
	v28 =	vmul.f32 $1.442695020e+00, v28;
	v29 =	vmul.f32 $1.442695020e+00, v29  }
0x176: {  	v30 =	vmul.f32 $1.442695020e+00, v30;
	(erf) = vpow2.f32 v25  }
0x177: {  	v25 =	vmul.f32 $1.442695020e+00, v31;
	(erf) = vpow2.f32 v27  }
0x178: {  	v27 =	vbroadcast v26, $0x6;
	(erf) = vpow2.f32 v28  }
0x179: {  	v28 =	vbroadcast v26, $0x7;
	(v2sf) =	vpush v32, $0x0;
	s21 =	spop (v2sf);
	(erf) = vpow2.f32 v29  }
0x17a: {  	v27 =	vsub.f32 v27, v18;
	v29 =	vbroadcast v26, $0x8;
	s22 =	spop (v2sf);
	(erf) = vpow2.f32 v30  }
0x17b: {  	v28 =	vsub.f32 v28, v18;
	v30 =	vbroadcast v26, $0x9;
	s30 =	spop (v2sf);
	(erf) = vpow2.f32 v25  }
0x17c: {  	v25 =	vmul.f32 $1.442695020e+00, v27;
	v27 =	vsub.f32 v29, v18;
	v29 =	vbroadcast v26, $0xA  }
0x17d: {  	v32 =	vbroadcast v26, $0xB;
	v28 =	vmul.f32 $1.442695020e+00, v28;
	v30 =	vsub.f32 v30, v18  }
0x17e: {  	v27 =	vmul.f32 $1.442695020e+00, v27;
	v29 =	vsub.f32 v29, v18;
	(erf) = vpow2.f32 v25  }
0x17f: {  	v25 =	vmul.f32 $1.442695020e+00, v30;
	v30 =	vsub.f32 v32, v18;
	v31 =	vpop (erf);
	(erf) = vpow2.f32 v28  }
0x180: {  	v29 =	vmul.f32 $1.442695020e+00, v29;
	v28 =	vadd.f32 $1.000000000e+00, v31;
	v31 =	vpop (erf);
	(erf) = vpow2.f32 v27  }
0x181: {  	v30 =	vmul.f32 $1.442695020e+00, v30;
	v27 =	vadd.f32 $1.000000000e+00, v31;
	v31 =	vpop (erf);
	(erf) = vpow2.f32 v25  }
0x182: {  	v25 =	vadd.f32 $1.000000000e+00, v31;
	v31 =	vbroadcast v26, $0xC;
	v32 =	vpop (erf);
	(erf) = vrcp.f32 v28  }
0x183: {  	v28 =	vadd.f32 $1.000000000e+00, v32;
	v32 =	vbroadcast v26, $0xD;
	v33 =	vpop (erf);
	(erf) = vrcp.f32 v27  }
0x184: {  	v27 =	vadd.f32 $1.000000000e+00, v33;
	v31 =	vsub.f32 v31, v18;
	v33 =	vpop (erf);
	(erf) = vrcp.f32 v25  }
0x185: {  	v25 =	vadd.f32 $1.000000000e+00, v33;
	v32 =	vsub.f32 v32, v18;
	(erf) = vrcp.f32 v28  }
0x186: {  	v34 =	vmul.f32 $1.442695020e+00, v31;
	(erf) = vrcp.f32 v27  }
0x187: {  	v27 =	vmul.f32 $1.442695020e+00, v32;
	v28 =	vpop (erf);
	(erf) = vrcp.f32 v25  }
0x188: {  	v33 =	vadd.f32 $1.000000000e+00, v28;
	v28 =	vbroadcast v26, $0xE;
	s3 =	spop (v2sf);
	v31 =	vpop (erf);
	(erf) = vpow2.f32 v29  }
0x189: {  	v26 =	vbroadcast v26, $0xF;
	s3 =	sshll.u32 s3, $0x9;
	v29 =	vadd.f32 $1.000000000e+00, v31;
	v31 =	vpop (erf);
	(erf) = vpow2.f32 v30  }
0x18a: {  	s19 =	sadd.s32 $0xE80, s3;
	v32 =	vsub.f32 v28, v18;
	v28 =	vadd.f32 $1.000000000e+00, v31;
	s31 =	sor.u32 $0x100, s3;
	s20 =	sor.u32 $0x180, s3;
	(erf) = vrcp.f32 v33;
	v25 =	vpop (erf)  }
0x18b: {  	v26 =	vsub.f32 v26, v18;
	s5 =	sor.u32 s21, s19;
	v25 =	vadd.f32 $1.000000000e+00, v25;
	v30 =	vpop (erf);
	(erf) = vrcp.f32 v29  }
0x18c: {  	v29 =	vperm.xlane v30, v3;
	v31 =	vld [tilespmem:s5+$0x0];
	v33 =	vpop (erf);
	(erf) = vrcp.f32 v28  }
0x18d: {  	v28 =	vperm.xlane v33, v3;
	v35 =	vpop (erf);
	(erf) = vrcp.f32 v25  }
0x18e: {  	v25 =	vmul.f32 v4, v29;
	v29 =	vperm.xlane v35, v3;
	v36 =	vpop (erf)  }
0x18f: {  	v28 =	vmul.f32 v4, v28;
	v41 =	vperm.xlane v36, v3;
	v38 =	vpop (erf)  }
0x190: {  	v25 =	vsub.f32 v30, v25;
	v29 =	vmul.f32 v4, v29;
	v42 =	vperm.xlane v38, v3;
	v39 =	vpop (erf)  }
0x191: {  	v40 =	vsub.f32 v33, v28;
	v28 =	vmul.f32 v4, v41;
	v41 =	vperm.xlane v39, v3;
	v37 =	vpop (erf)  }
0x192: {  	s21 =	sadd.s32 $0x2E80, s3;
	v25 =	vadd.f32 v25, v31;
	v35 =	vsub.f32 v35, v29;
	v29 =	vmul.f32 v4, v42;
	v30 =	vpop (erf)  }
0x193: {  	s0 =	sor.u32 s22, s21;
	v36 =	vsub.f32 v36, v28;
	v28 =	vmul.f32 v4, v41;
	(v2sf) =	vpush v23, $0x3;
	v33 =	vpop (erf)  }
0x194: {  	[tilespmem:s5+$0x0] =	vst v25;
	v31 =	vsub.f32 v38, v29;
	v25 =	vperm.xlane v33, v3;
	v29 =	vadd.f32 $1.000000000e+00, v37;
	v37 =	vpop (erf)  }
0x195: {  	v41 =	vadd.f32 $1.000000000e+00, v30;
	v38 =	vld [tilespmem:s0+$0x0];
	v28 =	vsub.f32 v39, v28;
	v39 =	vperm.xlane v37, v3;
	v42 =	vpop (erf)  }
0x196: {  	v25 =	vmul.f32 v4, v25;
	v43 =	vperm.xlane v42, v3;
	v44 =	vpop (erf)  }
0x197: {  	v39 =	vmul.f32 v4, v39;
	v45 =	vperm.xlane v44, v3  }
0x198: {  	v30 =	vsub.f32 v33, v25;
	v25 =	vmul.f32 v4, v43;
	(erf) = vrcp.f32 v29  }
0x199: {  	v33 =	vsub.f32 v37, v39;
	v37 =	vmul.f32 v4, v45;
	(erf) = vrcp.f32 v41  }
0x19a: {  	s22 =	sadd.s32 $0x4E80, s3;
	v38 =	vadd.f32 v40, v38;
	v29 =	vsub.f32 v42, v25;
	(erf) = vpow2.f32 v34  }
0x19b: {  	s5 =	sor.u32 s30, s22;
	v25 =	vsub.f32 v44, v37;
	(v2sf) =	vpush v23, $0x4;
	(erf) = vpow2.f32 v27  }
0x19c: {  	v26 =	vmul.f32 $1.442695020e+00, v26;
	v27 =	vmul.f32 $1.442695020e+00, v32;
	[tilespmem:s0+$0x0] =	vst v38  }
0x19d: {  	v34 =	vbroadcast v24, $0x0;
	v37 =	vbroadcast v24, $0x1;
	v32 =	vld [tilespmem:s5+$0x0]  }
0x19e: {  	v38 =	vbroadcast v24, $0x2;
	(erf) = vpow2.f32 v27  }
0x19f: {  	v27 =	vsub.f32 v34, v18;
	v34 =	vsub.f32 v37, v18;
	(erf) = vpow2.f32 v26  }
0x1a0: {  	v37 =	vbroadcast v24, $0x3;
	v26 =	vsub.f32 v38, v18;
	v38 =	vbroadcast v24, $0x4  }
0x1a1: {  	v27 =	vmul.f32 $1.442695020e+00, v27;
	v34 =	vmul.f32 $1.442695020e+00, v34;
	v39 =	vpop (erf)  }
0x1a2: {  	s30 =	sadd.s32 $0x6E80, s3;
	v26 =	vmul.f32 $1.442695020e+00, v26;
	v32 =	vadd.f32 v35, v32;
	v43 =	vperm.xlane v39, v3;
	s0 =	spop (v2sf);
	v40 =	vpop (erf)  }
0x1a3: {  	s0 =	sor.u32 s0, s30;
	v41 =	vperm.xlane v40, v3;
	(v2sf) =	vpush v23, $0x5;
	v42 =	vpop (erf);
	(erf) = vpow2.f32 v27  }
0x1a4: {  	[tilespmem:s5+$0x0] =	vst v32;
	v32 =	vadd.f32 $1.000000000e+00, v42;
	v27 =	vmul.f32 v4, v43;
	v35 =	vpop (erf);
	(erf) = vpow2.f32 v34  }
0x1a5: {  	v34 =	vld [tilespmem:s0+$0x0];
	v35 =	vadd.f32 $1.000000000e+00, v35;
	v41 =	vmul.f32 v4, v41;
	(erf) = vpow2.f32 v26  }
0x1a6: {  	v37 =	vsub.f32 v37, v18;
	v27 =	vsub.f32 v39, v27;
	(erf) = vrcp.f32 v32  }
0x1a7: {  	v32 =	vsub.f32 v38, v18;
	v26 =	vsub.f32 v40, v41;
	v38 =	vpop (erf);
	(erf) = vrcp.f32 v35  }
0x1a8: {  	v37 =	vmul.f32 $1.442695020e+00, v37;
	v35 =	vadd.f32 $1.000000000e+00, v38;
	v38 =	vbroadcast v24, $0x5;
	v39 =	vpop (erf)  }
0x1a9: {  	v40 =	vbroadcast v24, $0x6;
	v32 =	vmul.f32 $1.442695020e+00, v32;
	v39 =	vadd.f32 $1.000000000e+00, v39  }
0x1aa: {  	v34 =	vadd.f32 v36, v34;
	v41 =	vsub.f32 v38, v18;
	s5 =	spop (v2sf);
	(erf) = vrcp.f32 v35  }
0x1ab: {  	v35 =	vsub.f32 v40, v18;
	s5 =	sor.u32 s5, s19;
	(v2sf) =	vpush v23, $0x6;
	(erf) = vrcp.f32 v39  }
0x1ac: {  	[tilespmem:s0+$0x0] =	vst v34;
	v34 =	vmul.f32 $1.442695020e+00, v41;
	v36 =	vpop (erf);
	(erf) = vpow2.f32 v37  }
0x1ad: {  	v35 =	vmul.f32 $1.442695020e+00, v35;
	v37 =	vld [tilespmem:s5+$0x40];
	v36 =	vadd.f32 $1.000000000e+00, v36;
	v38 =	vpop (erf);
	(erf) = vpow2.f32 v32  }
0x1ae: {  	v32 =	vbroadcast v24, $0x7;
	v38 =	vadd.f32 $1.000000000e+00, v38;
	v39 =	vpop (erf);
	(erf) = vpow2.f32 v34  }
0x1af: {  	v34 =	vadd.f32 $1.000000000e+00, v39;
	v39 =	vbroadcast v24, $0x8;
	v40 =	vpop (erf);
	(erf) = vrcp.f32 v36  }
0x1b0: {  	v32 =	vsub.f32 v32, v18;
	v36 =	vperm.xlane v40, v3;
	v41 =	vpop (erf);
	(erf) = vrcp.f32 v38  }
0x1b1: {  	v43 =	vperm.xlane v41, v3;
	v39 =	vsub.f32 v39, v18;
	(erf) = vrcp.f32 v34  }
0x1b2: {  	v31 =	vadd.f32 v31, v37;
	v34 =	vmul.f32 v4, v36;
	s0 =	spop (v2sf);
	(erf) = vpow2.f32 v35  }
0x1b3: {  	v32 =	vmul.f32 $1.442695020e+00, v32;
	s0 =	sor.u32 s0, s21;
	v35 =	vmul.f32 v4, v43;
	(v2sf) =	vpush v23, $0x7;
	v37 =	vpop (erf)  }
0x1b4: {  	[tilespmem:s5+$0x40] =	vst v31;
	v42 =	vsub.f32 v40, v34;
	v31 =	vperm.xlane v37, v3;
	v34 =	vmul.f32 $1.442695020e+00, v39;
	v38 =	vpop (erf)  }
0x1b5: {  	v39 =	vld [tilespmem:s0+$0x40];
	v36 =	vsub.f32 v41, v35;
	v35 =	vperm.xlane v38, v3;
	v40 =	vpop (erf);
	(erf) = vpow2.f32 v32  }
0x1b6: {  	v31 =	vmul.f32 v4, v31;
	v32 =	vadd.f32 $1.000000000e+00, v40;
	v40 =	vpop (erf);
	(erf) = vpow2.f32 v34  }
0x1b7: {  	v34 =	vmul.f32 v4, v35;
	v35 =	vadd.f32 $1.000000000e+00, v40;
	v40 =	vbroadcast v24, $0x9;
	v41 =	vpop (erf)  }
0x1b8: {  	v37 =	vsub.f32 v37, v31;
	v31 =	vadd.f32 $1.000000000e+00, v41;
	v41 =	vpop (erf);
	(erf) = vrcp.f32 v32  }
0x1b9: {  	v32 =	vsub.f32 v38, v34;
	v34 =	vperm.xlane v41, v3;
	v43 =	vpop (erf);
	(erf) = vrcp.f32 v35  }
0x1ba: {  	v28 =	vadd.f32 v28, v39;
	v35 =	vperm.xlane v43, v3;
	s5 =	spop (v2sf);
	v39 =	vpop (erf);
	(erf) = vrcp.f32 v31  }
0x1bb: {  	s5 =	sor.u32 s5, s22;
	v31 =	vmul.f32 v4, v34;
	v34 =	vperm.xlane v39, v3;
	(v2sf) =	vpush v23, $0x8;
	v38 =	vpop (erf)  }
0x1bc: {  	v45 =	vsub.f32 v40, v18;
	[tilespmem:s0+$0x40] =	vst v28;
	v28 =	vadd.f32 $1.000000000e+00, v38;
	v35 =	vmul.f32 v4, v35  }
0x1bd: {  	v44 =	vld [tilespmem:s5+$0x40];
	v38 =	vsub.f32 v41, v31;
	v34 =	vmul.f32 v4, v34;
	v41 =	vbroadcast v24, $0xA  }
0x1be: {  	v31 =	vsub.f32 v43, v35;
	v35 =	vmul.f32 $1.442695020e+00, v45;
	v40 =	vpop (erf);
	(erf) = vrcp.f32 v28  }
0x1bf: {  	v40 =	vadd.f32 $1.000000000e+00, v40;
	v28 =	vsub.f32 v39, v34;
	v34 =	vbroadcast v24, $0xB;
	v39 =	vpop (erf)  }
0x1c0: {  	v41 =	vsub.f32 v41, v18;
	v39 =	vadd.f32 $1.000000000e+00, v39;
	(erf) = vpow2.f32 v35  }
0x1c1: {  	v35 =	vbroadcast v24, $0xC;
	v34 =	vsub.f32 v34, v18;
	v43 =	vpop (erf);
	(erf) = vrcp.f32 v40  }
0x1c2: {  	v30 =	vadd.f32 v30, v44;
	v40 =	vperm.xlane v43, v3;
	s0 =	spop (v2sf);
	v44 =	vpop (erf);
	(erf) = vrcp.f32 v39  }
0x1c3: {  	v41 =	vmul.f32 $1.442695020e+00, v41;
	s0 =	sor.u32 s0, s30;
	v39 =	vperm.xlane v44, v3;
	(v2sf) =	vpush v23, $0x9;
	v45 =	vpop (erf)  }
0x1c4: {  	v35 =	vsub.f32 v35, v18;
	[tilespmem:s5+$0x40] =	vst v30;
	v30 =	vmul.f32 v4, v40;
	v40 =	vperm.xlane v45, v3  }
0x1c5: {  	v46 =	vld [tilespmem:s0+$0x40];
	v47 =	vmul.f32 v4, v39;
	(erf) = vpow2.f32 v41  }
0x1c6: {  	v39 =	vsub.f32 v43, v30;
	v30 =	vmul.f32 v4, v40;
	v40 =	vmul.f32 $1.442695020e+00, v34  }
0x1c7: {  	v35 =	vmul.f32 $1.442695020e+00, v35;
	v41 =	vbroadcast v24, $0xD;
	v34 =	vsub.f32 v44, v47;
	v43 =	vpop (erf)  }
0x1c8: {  	v30 =	vsub.f32 v45, v30;
	v44 =	vperm.xlane v43, v3;
	(erf) = vpow2.f32 v40  }
0x1c9: {  	v40 =	vsub.f32 v41, v18;
	v41 =	vbroadcast v24, $0xE;
	v45 =	vpop (erf);
	(erf) = vpow2.f32 v35  }
0x1ca: {  	s3 =	sor.u32 $0x80, s3;
	v33 =	vadd.f32 v33, v46;
	v35 =	vmul.f32 v4, v44;
	v44 =	vadd.f32 $1.000000000e+00, v45;
	s5 =	spop (v2sf);
	v45 =	vpop (erf)  }
0x1cb: {  	v40 =	vmul.f32 $1.442695020e+00, v40;
	s5 =	sor.u32 s5, s3;
	v48 =	vperm.xlane v45, v3;
	(v2sf) =	vpush v23, $0xA;
	v47 =	vpop (erf)  }
0x1cc: {  	[tilespmem:s0+$0x40] =	vst v33;
	v35 =	vsub.f32 v43, v35;
	v33 =	vperm.xlane v47, v3;
	(erf) = vrcp.f32 v44  }
0x1cd: {  	v41 =	vsub.f32 v41, v18;
	v43 =	vld [tilespmem:s5+$0xE80];
	v44 =	vmul.f32 v4, v48;
	(erf) = vpow2.f32 v40  }
0x1ce: {  	v24 =	vbroadcast v24, $0xF;
	v48 =	vmul.f32 v4, v33;
	v46 =	vpop (erf)  }
0x1cf: {  	v41 =	vmul.f32 $1.442695020e+00, v41;
	v33 =	vsub.f32 v45, v44;
	v44 =	vadd.f32 $1.000000000e+00, v46  }
0x1d0: {  	v45 =	vsub.f32 v24, v18;
	v24 =	vsub.f32 v47, v48  }
0x1d1: {  	v40 =	vpop (erf);
	(erf) = vrcp.f32 v44  }
0x1d2: {  	v29 =	vadd.f32 v29, v43;
	v44 =	vadd.f32 $1.000000000e+00, v40;
	s0 =	spop (v2sf);
	v43 =	vpop (erf);
	(erf) = vpow2.f32 v41  }
0x1d3: {  	v41 =	vmul.f32 $1.442695020e+00, v45;
	s0 =	sor.u32 s0, s3;
	v43 =	vadd.f32 $1.000000000e+00, v43;
	(v2sf) =	vpush v23, $0xB  }
0x1d4: {  	[tilespmem:s5+$0xE80] =	vst v29;
	(erf) = vrcp.f32 v44  }
0x1d5: {  	v29 =	vld [tilespmem:s0+$0x2E80];
	v40 =	vpop (erf);
	(erf) = vrcp.f32 v43  }
0x1d6: {  	v43 =	vperm.xlane v40, v3;
	v44 =	vpop (erf);
	(erf) = vpow2.f32 v41  }
0x1d7: {  	v41 =	vadd.f32 $1.000000000e+00, v44  }
0x1d8: {  	v44 =	vmul.f32 v4, v43  }
0x1d9: {  	(erf) = vrcp.f32 v41  }
0x1da: {  	v25 =	vadd.f32 v25, v29;
	v40 =	vsub.f32 v40, v44;
	s5 =	spop (v2sf);
	v29 =	vpop (erf)  }
0x1db: {  	s5 =	sor.u32 s5, s3;
	v41 =	vperm.xlane v29, v3;
	(v2sf) =	vpush v23, $0xC;
	v43 =	vpop (erf)  }
0x1dc: {  	[tilespmem:s0+$0x2E80] =	vst v25;
	v25 =	vadd.f32 $1.000000000e+00, v43  }
0x1dd: {  	v44 =	vld [tilespmem:s5+$0x4E80];
	v41 =	vmul.f32 v4, v41;
	v45 =	vpop (erf)  }
0x1de: {  	v46 =	vperm.xlane v45, v3;
	v47 =	vpop (erf);
	(erf) = vrcp.f32 v25  }
0x1df: {  	v43 =	vsub.f32 v29, v41;
	v25 =	vperm.xlane v47, v3;
	v29 =	vpop (erf)  }
0x1e0: {  	v29 =	vadd.f32 $1.000000000e+00, v29;
	v41 =	vmul.f32 v4, v46  }
0x1e1: {  	v25 =	vmul.f32 v4, v25  }
0x1e2: {  	v27 =	vadd.f32 v27, v44;
	v41 =	vsub.f32 v45, v41;
	s0 =	spop (v2sf);
	v44 =	vpop (erf);
	(erf) = vrcp.f32 v29  }
0x1e3: {  	s0 =	sor.u32 s0, s3;
	v29 =	vsub.f32 v47, v25;
	v25 =	vperm.xlane v44, v3;
	(v2sf) =	vpush v23, $0xD  }
0x1e4: {  	[tilespmem:s5+$0x4E80] =	vst v27  }
0x1e5: {  	v45 =	vld [tilespmem:s0+$0x6E80];
	v46 =	vmul.f32 v4, v25;
	_ =	sdelay $0x1  }
0x1e6: {  	v27 =	vsub.f32 v44, v46;
	v25 =	vpop (erf)  }
0x1e7: {  	v44 =	vperm.xlane v25, v3;
	_ =	sdelay $0x1  }
0x1e8: {  	v26 =	vadd.f32 v26, v45;
	v44 =	vmul.f32 v4, v44;
	s3 =	spop (v2sf)  }
0x1e9: {  	s3 =	sor.u32 s3, s19;
	(v2sf) =	vpush v23, $0xE;
	v45 =	vpop (erf)  }
0x1ea: {  	[tilespmem:s0+$0x6E80] =	vst v26;
	v26 =	vsub.f32 v25, v44;
	v25 =	vperm.xlane v45, v3  }
0x1eb: {  	v44 =	vld [tilespmem:s3+$0xC0]  }
0x1ec: {  	v25 =	vmul.f32 v4, v25;
	_ =	sdelay $0x1  }
0x1ed: {  	v25 =	vsub.f32 v45, v25;
	_ =	sdelay $0x1  }
0x1ee: {  	v42 =	vadd.f32 v42, v44;
	s0 =	spop (v2sf)  }
0x1ef: {  	s0 =	sor.u32 s0, s21;
	(v2sf) =	vpush v23, $0xF  }
0x1f0: {  	[tilespmem:s3+$0xC0] =	vst v42  }
0x1f1: {  	v23 =	vld [tilespmem:s0+$0xC0];
	_ =	sdelay $0x4  }
0x1f2: {  	v23 =	vadd.f32 v36, v23;
	s3 =	spop (v2sf)  }
0x1f3: {  	s3 =	sor.u32 s3, s22;
	(v2sf) =	vpush v22, $0x0  }
0x1f4: {  	[tilespmem:s0+$0xC0] =	vst v23  }
0x1f5: {  	v23 =	vld [tilespmem:s3+$0xC0];
	_ =	sdelay $0x4  }
0x1f6: {  	v23 =	vadd.f32 v37, v23;
	s0 =	spop (v2sf)  }
0x1f7: {  	s0 =	sor.u32 s0, s30;
	(v2sf) =	vpush v22, $0x1  }
0x1f8: {  	[tilespmem:s3+$0xC0] =	vst v23  }
0x1f9: {  	v23 =	vld [tilespmem:s0+$0xC0];
	_ =	sdelay $0x4  }
0x1fa: {  	v23 =	vadd.f32 v32, v23;
	s3 =	spop (v2sf)  }
0x1fb: {  	s3 =	sor.u32 s3, s31;
	(v2sf) =	vpush v22, $0x2  }
0x1fc: {  	[tilespmem:s0+$0xC0] =	vst v23  }
0x1fd: {  	v23 =	vld [tilespmem:s3+$0xE80];
	_ =	sdelay $0x4  }
0x1fe: {  	v23 =	vadd.f32 v38, v23;
	s0 =	spop (v2sf)  }
0x1ff: {  	s0 =	sor.u32 s0, s31;
	(v2sf) =	vpush v22, $0x3  }
0x200: {  	[tilespmem:s3+$0xE80] =	vst v23  }
0x201: {  	v23 =	vld [tilespmem:s0+$0x2E80];
	_ =	sdelay $0x4  }
0x202: {  	v23 =	vadd.f32 v31, v23;
	s3 =	spop (v2sf)  }
0x203: {  	s3 =	sor.u32 s3, s31;
	(v2sf) =	vpush v22, $0x4  }
0x204: {  	[tilespmem:s0+$0x2E80] =	vst v23  }
0x205: {  	v23 =	vld [tilespmem:s3+$0x4E80];
	_ =	sdelay $0x4  }
0x206: {  	v23 =	vadd.f32 v28, v23;
	s0 =	spop (v2sf)  }
0x207: {  	s0 =	sor.u32 s0, s31;
	(v2sf) =	vpush v22, $0x5  }
0x208: {  	[tilespmem:s3+$0x4E80] =	vst v23  }
0x209: {  	v23 =	vld [tilespmem:s0+$0x6E80];
	_ =	sdelay $0x4  }
0x20a: {  	v23 =	vadd.f32 v39, v23;
	s3 =	spop (v2sf)  }
0x20b: {  	s3 =	sor.u32 s3, s19;
	(v2sf) =	vpush v22, $0x6  }
0x20c: {  	[tilespmem:s0+$0x6E80] =	vst v23  }
0x20d: {  	v23 =	vld [tilespmem:s3+$0x140];
	_ =	sdelay $0x4  }
0x20e: {  	v23 =	vadd.f32 v34, v23;
	s0 =	spop (v2sf)  }
0x20f: {  	s0 =	sor.u32 s0, s21;
	(v2sf) =	vpush v22, $0x7  }
0x210: {  	[tilespmem:s3+$0x140] =	vst v23  }
0x211: {  	v23 =	vld [tilespmem:s0+$0x140];
	_ =	sdelay $0x4  }
0x212: {  	v23 =	vadd.f32 v30, v23;
	s3 =	spop (v2sf)  }
0x213: {  	s3 =	sor.u32 s3, s22;
	(v2sf) =	vpush v22, $0x8  }
0x214: {  	[tilespmem:s0+$0x140] =	vst v23  }
0x215: {  	v23 =	vld [tilespmem:s3+$0x140];
	_ =	sdelay $0x4  }
0x216: {  	v23 =	vadd.f32 v35, v23;
	s0 =	spop (v2sf)  }
0x217: {  	s0 =	sor.u32 s0, s30;
	(v2sf) =	vpush v22, $0x9  }
0x218: {  	[tilespmem:s3+$0x140] =	vst v23  }
0x219: {  	v23 =	vld [tilespmem:s0+$0x140];
	_ =	sdelay $0x4  }
0x21a: {  	v23 =	vadd.f32 v33, v23;
	s3 =	spop (v2sf)  }
0x21b: {  	s3 =	sor.u32 s3, s20;
	(v2sf) =	vpush v22, $0xA  }
0x21c: {  	[tilespmem:s0+$0x140] =	vst v23  }
0x21d: {  	v23 =	vld [tilespmem:s3+$0xE80];
	_ =	sdelay $0x4  }
0x21e: {  	v23 =	vadd.f32 v24, v23;
	s0 =	spop (v2sf)  }
0x21f: {  	s0 =	sor.u32 s0, s20;
	(v2sf) =	vpush v22, $0xB  }
0x220: {  	[tilespmem:s3+$0xE80] =	vst v23  }
0x221: {  	v23 =	vld [tilespmem:s0+$0x2E80];
	_ =	sdelay $0x4  }
0x222: {  	v23 =	vadd.f32 v40, v23;
	s3 =	spop (v2sf)  }
0x223: {  	s3 =	sor.u32 s3, s20;
	(v2sf) =	vpush v22, $0xC  }
0x224: {  	[tilespmem:s0+$0x2E80] =	vst v23  }
0x225: {  	v23 =	vld [tilespmem:s3+$0x4E80];
	_ =	sdelay $0x4  }
0x226: {  	v23 =	vadd.f32 v43, v23;
	s0 =	spop (v2sf)  }
0x227: {  	s0 =	sor.u32 s0, s20;
	(v2sf) =	vpush v22, $0xD  }
0x228: {  	[tilespmem:s3+$0x4E80] =	vst v23  }
0x229: {  	v23 =	vld [tilespmem:s0+$0x6E80];
	_ =	sdelay $0x4  }
0x22a: {  	v23 =	vadd.f32 v41, v23;
	s3 =	spop (v2sf)  }
0x22b: {  	s3 =	sor.u32 s3, s19;
	(v2sf) =	vpush v22, $0xE  }
0x22c: {  	[tilespmem:s0+$0x6E80] =	vst v23  }
0x22d: {  	v23 =	vld [tilespmem:s3+$0x1C0];
	_ =	sdelay $0x4  }
0x22e: {  	v23 =	vadd.f32 v29, v23;
	s0 =	spop (v2sf)  }
0x22f: {  	s0 =	sor.u32 s0, s21;
	(v2sf) =	vpush v22, $0xF  }
0x230: {  	[tilespmem:s3+$0x1C0] =	vst v23  }
0x231: {  	v22 =	vld [tilespmem:s0+$0x1C0];
	_ =	sdelay $0x4  }
0x232: {  	v22 =	vadd.f32 v27, v22;
	s3 =	spop (v2sf)  }
0x233: {  	s3 =	sor.u32 s3, s22  }
0x234: {  	[tilespmem:s0+$0x1C0] =	vst v22  }
0x235: {  	v22 =	vld [tilespmem:s3+$0x1C0];
	_ =	sdelay $0x4  }
0x236: {  	v22 =	vadd.f32 v26, v22;
	s0 =	spop (v2sf)  }
0x237: {  	s19 =	sor.u32 s0, s30  }
0x238: {  	[tilespmem:s3+$0x1C0] =	vst v22  }
0x239: {  	v22 =	vld [tilespmem:s19+$0x1C0]  }
.Ltmp0:
0x23a: {  	(pc) =	sbr.rel @p0 .LBB2_2-.Ltmp0, $2  }
0x23b: {  	_ =	sdelay $0x2  }
0x23c: {  	v22 =	vadd.f32 v25, v22  }
0x23d: {  	_ = 	snop  }
0x23e: {  	[tilespmem:s19+$0x1C0] =	vst v22  }
0x23f: {  	[spmem:s8] =	stream.strided.scatter [tilespmem:s23], [sflag:$0x1], $0x2000, s29, s28, $0x38;
	[tilespmem:$0x19680] =	vst v63  }
0x240: {  	_ =	swait.ge [sflag:s17], $0x2000  }
0x241: {  	[sflag:s17] =	ssyncset.done $0x0  }
0x242: {  	[sflag:s17] =	ssyncadd.s32 $0xFFFFE000  }
0x243: {  	[spmem:s11] =	stream.strided.scatter [tilespmem:s24], [sflag:$0x1], $0x2000, s29, s28, $0x38;
	[tilespmem:$0x19680] =	vst v63  }
0x244: {  	_ =	swait.ge [sflag:s17], $0x2000  }
0x245: {  	[sflag:s17] =	ssyncset.done $0x0  }
0x246: {  	[sflag:s17] =	ssyncadd.s32 $0xFFFFE000  }
0x247: {  	[spmem:s12] =	stream.strided.scatter [tilespmem:s25], [sflag:$0x1], $0x2000, s29, s28, $0x38;
	[tilespmem:$0x19680] =	vst v63  }
0x248: {  	_ =	swait.ge [sflag:s17], $0x2000  }
0x249: {  	[sflag:s17] =	ssyncset.done $0x0  }
0x24a: {  	[sflag:s17] =	ssyncadd.s32 $0xFFFFE000  }
0x24b: {  	[spmem:s13] =	stream.strided.scatter [tilespmem:s26], [sflag:$0x1], $0x2000, s29, s28, $0x38;
	[tilespmem:$0x19680] =	vst v63  }
0x24c: {  	_ =	swait.ge [sflag:s17], $0x2000  }
0x24d: {  	[sflag:s17] =	ssyncset.done $0x0  }
0x24e: {  	s0 =	simm.s32 $0x4000;
	[sflag:s17] =	ssyncadd.s32 $0xFFFFE000  }
0x24f: {  	s3 =	simm.s32 $0x40000;
	s5 =	simm.s32 $0x8E80;
	[bflag:$0x0] =	sbarrier.arrive $0xFFFF  }
0x250: {  	[tilespmem:s5], [sflag:$0x1] =	stream.strided.gather [spmem:s14], $0x8000, s3, s0, $0x38;
	[tilespmem:$0x19680] =	vst v63  }
0x251: {  	s21 =	simm.s32 $0x0;
	_ =	swait.ge [sflag:s17], $0x8000  }
0x252: {  	s22 =	sand.u32 $0x70, s21;
	s0 =	sand.u32 $0x3C00, s21;
	[sflag:s17] =	ssyncset.done $0x0  }
0x253: {  	s0 =	sor.u32 s22, s0;
	[sflag:s17] =	ssyncadd.s32 $0xFFFF8000  }
0x254: {  	v11 =	vld [tilespmem:s0+$0x8F00]  }
0x255: {  	v12 =	vld [tilespmem:s0+$0x8E80];
	_ =	sdelay $0x1  }
0x256: {  	v13 =	vld [tilespmem:s0+$0x8F80];
	_ =	sdelay $0x1  }
0x257: {  	v14 =	vld [tilespmem:s0+$0x9000]  }
0x258: {  	v11 =	vadd.f32 v11, v12  }
0x259: {  	v52 =	vld [tilespmem:s0+$0x9080]  }
0x25a: {  	v11 =	vadd.f32 v13, v11  }
0x25b: {  	v53 =	vld [tilespmem:s0+$0x9100]  }
0x25c: {  	v11 =	vadd.f32 v14, v11  }
0x25d: {  	v54 =	vld [tilespmem:s0+$0x9180]  }
0x25e: {  	v11 =	vadd.f32 v52, v11  }
0x25f: {  	v55 =	vld [tilespmem:s0+$0x9200]  }
0x260: {  	v11 =	vadd.f32 v53, v11  }
0x261: {  	v56 =	vld [tilespmem:s0+$0xCE80]  }
0x262: {  	v11 =	vadd.f32 v54, v11  }
0x263: {  	v57 =	vld [tilespmem:s0+$0xCF00]  }
0x264: {  	v11 =	vadd.f32 v55, v11  }
0x265: {  	v58 =	vld [tilespmem:s0+$0xCF80]  }
0x266: {  	v11 =	vadd.f32 v56, v11  }
0x267: {  	v59 =	vld [tilespmem:s0+$0xD000]  }
0x268: {  	v11 =	vadd.f32 v57, v11  }
0x269: {  	v60 =	vld [tilespmem:s0+$0xD080]  }
0x26a: {  	v11 =	vadd.f32 v58, v11  }
0x26b: {  	v61 =	vld [tilespmem:s0+$0xD100]  }
0x26c: {  	v11 =	vadd.f32 v59, v11  }
0x26d: {  	v62 =	vld [tilespmem:s0+$0xD180]  }
0x26e: {  	v11 =	vadd.f32 v60, v11  }
0x26f: {  	v63 =	vld [tilespmem:s0+$0xD200]  }
0x270: {  	v11 =	vadd.f32 v61, v11;
	_ =	sdelay $0x1  }
0x271: {  	v11 =	vadd.f32 v62, v11;
	_ =	sdelay $0x1  }
0x272: {  	s30 =	simm.s32 $0x10;
	s19 =	simm.s32 $0x80;
	v11 =	vadd.f32 v63, v11  }
0x273: {  	s31 =	sand.u32 $0x3C00, s19;
	s3 =	simm.s32 $0x10E80;
	s0 =	sand.u32 $0x70, s30  }
0x274: {  	s20 =	simm.s32 $0x20;
	s18 =	sor.u32 s0, s31;
	[tilespmem:s3+$0x0] =	vst v11  }
.LBB2_4:
0x275: {  	p0 =	sne.s32 s20, $0x7F0;
	v11 =	vld [tilespmem:s18+$0x8F00]  }
0x276: {  	v12 =	vld [tilespmem:s18+$0x8E80];
	_ =	sdelay $0x1  }
0x277: {  	v13 =	vld [tilespmem:s18+$0x8F80];
	_ =	sdelay $0x1  }
0x278: {  	v14 =	vld [tilespmem:s18+$0x9000]  }
0x279: {  	v11 =	vadd.f32 v11, v12  }
0x27a: {  	v12 =	vld [tilespmem:s18+$0x9080]  }
0x27b: {  	v11 =	vadd.f32 v13, v11  }
0x27c: {  	v13 =	vld [tilespmem:s18+$0x9100]  }
0x27d: {  	v11 =	vadd.f32 v14, v11  }
0x27e: {  	v14 =	vld [tilespmem:s18+$0x9180]  }
0x27f: {  	v11 =	vadd.f32 v12, v11  }
0x280: {  	v12 =	vld [tilespmem:s18+$0x9200]  }
0x281: {  	v11 =	vadd.f32 v13, v11  }
0x282: {  	v13 =	vld [tilespmem:s18+$0xCE80]  }
0x283: {  	v11 =	vadd.f32 v14, v11  }
0x284: {  	v14 =	vld [tilespmem:s18+$0xCF00]  }
0x285: {  	v11 =	vadd.f32 v12, v11  }
0x286: {  	v12 =	vld [tilespmem:s18+$0xCF80]  }
0x287: {  	v11 =	vadd.f32 v13, v11  }
0x288: {  	v13 =	vld [tilespmem:s18+$0xD000]  }
0x289: {  	v11 =	vadd.f32 v14, v11  }
0x28a: {  	v14 =	vld [tilespmem:s18+$0xD080]  }
0x28b: {  	v11 =	vadd.f32 v12, v11  }
0x28c: {  	v12 =	vld [tilespmem:s18+$0xD100]  }
0x28d: {  	v11 =	vadd.f32 v13, v11  }
0x28e: {  	v13 =	vld [tilespmem:s18+$0xD180]  }
0x28f: {  	v11 =	vadd.f32 v14, v11  }
0x290: {  	v14 =	vld [tilespmem:s18+$0xD200]  }
0x291: {  	v11 =	vadd.f32 v12, v11;
	_ =	sdelay $0x1  }
.Ltmp1:
0x292: {  	v11 =	vadd.f32 v13, v11;
	(pc) =	sbr.rel @p0 .LBB2_4-.Ltmp1, $4  }
0x293: {  	_ = 	snop  }
0x294: {  	s19 =	sadd.s32 $0x80, s19;
	v11 =	vadd.f32 v14, v11  }
0x295: {  	s0 =	sand.u32 $0x70, s20;
	s3 =	sadd.s32 $0x10, s3;
	s5 =	sand.u32 $0x3C00, s19  }
0x296: {  	s20 =	sadd.s32 $0x10, s20;
	s18 =	sor.u32 s0, s5;
	[tilespmem:s3+$0x0] =	vst v11  }
0x297: {  	v11 =	vld [tilespmem:s18+$0x8F00]  }
0x298: {  	v12 =	vld [tilespmem:s18+$0x8E80];
	_ =	sdelay $0x1  }
0x299: {  	v13 =	vld [tilespmem:s18+$0x8F80];
	_ =	sdelay $0x1  }
0x29a: {  	v14 =	vld [tilespmem:s18+$0x9000]  }
0x29b: {  	v11 =	vadd.f32 v11, v12  }
0x29c: {  	v12 =	vld [tilespmem:s18+$0x9080]  }
0x29d: {  	v11 =	vadd.f32 v13, v11  }
0x29e: {  	v13 =	vld [tilespmem:s18+$0x9100]  }
0x29f: {  	v11 =	vadd.f32 v14, v11  }
0x2a0: {  	v14 =	vld [tilespmem:s18+$0x9180]  }
0x2a1: {  	v11 =	vadd.f32 v12, v11  }
0x2a2: {  	v12 =	vld [tilespmem:s18+$0x9200]  }
0x2a3: {  	v11 =	vadd.f32 v13, v11  }
0x2a4: {  	v13 =	vld [tilespmem:s18+$0xCE80]  }
0x2a5: {  	v11 =	vadd.f32 v14, v11  }
0x2a6: {  	v14 =	vld [tilespmem:s18+$0xCF00]  }
0x2a7: {  	v11 =	vadd.f32 v12, v11  }
0x2a8: {  	v12 =	vld [tilespmem:s18+$0xCF80]  }
0x2a9: {  	v11 =	vadd.f32 v13, v11  }
0x2aa: {  	v13 =	vld [tilespmem:s18+$0xD000]  }
0x2ab: {  	v11 =	vadd.f32 v14, v11  }
0x2ac: {  	v14 =	vld [tilespmem:s18+$0xD080]  }
0x2ad: {  	v11 =	vadd.f32 v12, v11  }
0x2ae: {  	v12 =	vld [tilespmem:s18+$0xD100]  }
0x2af: {  	v11 =	vadd.f32 v13, v11  }
0x2b0: {  	v13 =	vld [tilespmem:s18+$0xD180]  }
0x2b1: {  	v11 =	vadd.f32 v14, v11  }
0x2b2: {  	v14 =	vld [tilespmem:s18+$0xD200]  }
0x2b3: {  	v11 =	vadd.f32 v12, v11;
	_ =	sdelay $0x1  }
0x2b4: {  	v11 =	vadd.f32 v13, v11;
	_ =	sdelay $0x1  }
0x2b5: {  	v11 =	vadd.f32 v14, v11  }
0x2b6: {  	s0 =	sadd.s32 $0x10, s3  }
0x2b7: {  	s3 =	simm.s32 $0x0;
	[tilespmem:s0+$0x0] =	vst v11  }
0x2b8: {  	v11 =	vld [tilespmem:s3+$0x10E80];
	_ =	sdelay $0x3  }
0x2b9: {  	v12 =	vld [tilespmem:s3+$0x10E90]  }
0x2ba: {  	v13 =	vperm.xlane v11, v3;
	_ =	sdelay $0x1  }
0x2bb: {  	v13 =	vmul.f32 v4, v13  }
0x2bc: {  	v14 =	vld [tilespmem:s3+$0x10EA0]  }
0x2bd: {  	v11 =	vadd.f32 v13, v11;
	v13 =	vperm.xlane v12, v3;
	_ =	sdelay $0x1  }
0x2be: {  	v15 =	vperm.xlane v11, v5;
	v13 =	vmul.f32 v4, v13;
	_ =	sdelay $0x1  }
0x2bf: {  	v16 =	vld [tilespmem:s3+$0x10EB0];
	v15 =	vmul.f32 v6, v15;
	v12 =	vadd.f32 v13, v12;
	v13 =	vperm.xlane v14, v3;
	_ =	sdelay $0x1  }
0x2c0: {  	v11 =	vadd.f32 v15, v11;
	v15 =	vperm.xlane v12, v5;
	v13 =	vmul.f32 v4, v13;
	_ =	sdelay $0x1  }
0x2c1: {  	v17 =	vperm.xlane v11, v8;
	v15 =	vmul.f32 v6, v15;
	v13 =	vadd.f32 v13, v14  }
0x2c2: {  	v14 =	vperm.xlane v16, v3  }
0x2c3: {  	v17 =	vmul.f32 v9, v17;
	v12 =	vadd.f32 v15, v12;
	v15 =	vperm.xlane v13, v5  }
0x2c4: {  	v14 =	vmul.f32 v4, v14  }
0x2c5: {  	v11 =	vadd.f32 v17, v11;
	v17 =	vperm.xlane v12, v8;
	v15 =	vmul.f32 v6, v15  }
0x2c6: {  	v14 =	vadd.f32 v14, v16  }
0x2c7: {  	v16 =	vperm.xlane v11, v7;
	v17 =	vmul.f32 v9, v17;
	v13 =	vadd.f32 v15, v13  }
0x2c8: {  	v15 =	vperm.xlane v14, v5  }
0x2c9: {  	v16 =	vmul.f32 v10, v16;
	v12 =	vadd.f32 v17, v12;
	v17 =	vperm.xlane v13, v8  }
0x2ca: {  	v15 =	vmul.f32 v6, v15  }
0x2cb: {  	v11 =	vadd.f32 v16, v11;
	v16 =	vperm.xlane v12, v7;
	v17 =	vmul.f32 v9, v17  }
0x2cc: {  	v14 =	vadd.f32 v15, v14  }
0x2cd: {  	v11 =	vadd.f32 $0.0e+00, v11;
	v15 =	vmul.f32 v10, v16;
	v13 =	vadd.f32 v17, v13  }
0x2ce: {  	v16 =	vperm.xlane v14, v8  }
0x2cf: {  	s18 =	simm.s32 $0x40;
	v17 =	vbroadcast v11, $0xF;
	[tilespmem:s3+$0x10E80] =	vst v11;
	v11 =	vadd.f32 v15, v12;
	v12 =	vperm.xlane v13, v7  }
0x2d0: {  	v15 =	vmul.f32 v9, v16;
	v16 =	vld [tilespmem:s18+$0x10E80]  }
0x2d1: {  	v11 =	vadd.f32 v11, v17;
	v12 =	vmul.f32 v10, v12  }
0x2d2: {  	v14 =	vadd.f32 v15, v14  }
0x2d3: {  	[tilespmem:s3+$0x10E90] =	vst v11;
	v12 =	vadd.f32 v12, v13;
	v13 =	vbroadcast v11, $0xF  }
0x2d4: {  	v15 =	vperm.xlane v14, v7;
	v11 =	vld [tilespmem:s18+$0x10E90]  }
0x2d5: {  	v17 =	vperm.xlane v16, v3;
	v12 =	vadd.f32 v12, v13  }
0x2d6: {  	v13 =	vmul.f32 v10, v15  }
0x2d7: {  	v15 =	vmul.f32 v4, v17;
	[tilespmem:s3+$0x10EA0] =	vst v12  }
0x2d8: {  	v17 =	vbroadcast v12, $0xF;
	v14 =	vadd.f32 v13, v14;
	v12 =	vld [tilespmem:s18+$0x10EA0]  }
0x2d9: {  	v13 =	vadd.f32 v15, v16;
	v15 =	vperm.xlane v11, v3  }
0x2da: {  	s19 =	simm.s32 $0x200;
	v14 =	vadd.f32 v14, v17  }
.LBB2_6:
0x2db: {  	p0 =	sne.s32 s19, $0x1F00;
	v16 =	vperm.xlane v13, v5;
	v15 =	vmul.f32 v4, v15;
	s0 =	smov.u32 s19;
	s19 =	sadd.s32 $0x100, s19  }
0x2dc: {  	[tilespmem:s3+$0x10EB0] =	vst v14;
	s3 =	smov.u32 s18  }
0x2dd: {  	v14 =	vmul.f32 v6, v16;
	v11 =	vadd.f32 v15, v11;
	v15 =	vperm.xlane v12, v3;
	v16 =	vld [tilespmem:s3+$0x10EB0];
	_ =	sdelay $0x1  }
0x2de: {  	v13 =	vadd.f32 v14, v13;
	v14 =	vperm.xlane v11, v5;
	v15 =	vmul.f32 v4, v15;
	_ =	sdelay $0x1  }
0x2df: {  	v17 =	vperm.xlane v13, v8;
	v14 =	vmul.f32 v6, v14;
	v12 =	vadd.f32 v15, v12  }
0x2e0: {  	v15 =	vperm.xlane v16, v3  }
0x2e1: {  	v17 =	vmul.f32 v9, v17;
	v11 =	vadd.f32 v14, v11;
	v14 =	vperm.xlane v12, v5  }
0x2e2: {  	v15 =	vmul.f32 v4, v15  }
0x2e3: {  	v13 =	vadd.f32 v17, v13;
	v17 =	vperm.xlane v11, v8;
	v14 =	vmul.f32 v6, v14  }
0x2e4: {  	v15 =	vadd.f32 v15, v16  }
0x2e5: {  	v16 =	vperm.xlane v13, v7;
	v17 =	vmul.f32 v9, v17;
	v12 =	vadd.f32 v14, v12  }
0x2e6: {  	v14 =	vperm.xlane v15, v5  }
0x2e7: {  	v16 =	vmul.f32 v10, v16;
	v11 =	vadd.f32 v17, v11;
	v17 =	vperm.xlane v12, v8  }
0x2e8: {  	v14 =	vmul.f32 v6, v14  }
0x2e9: {  	v13 =	vadd.f32 v16, v13;
	v16 =	vperm.xlane v11, v7;
	v17 =	vmul.f32 v9, v17  }
0x2ea: {  	v14 =	vadd.f32 v14, v15  }
0x2eb: {  	v13 =	vadd.f32 $0.0e+00, v13;
	v15 =	vmul.f32 v10, v16;
	v12 =	vadd.f32 v17, v12  }
0x2ec: {  	v16 =	vperm.xlane v14, v8  }
0x2ed: {  	s18 =	sshra.s32 s0, $0x2;
	[tilespmem:s3+$0x10E80] =	vst v13;
	v11 =	vadd.f32 v15, v11;
	v13 =	vbroadcast v13, $0xF;
	v15 =	vperm.xlane v12, v7  }
0x2ee: {  	v17 =	vld [tilespmem:s18+$0x10E80];
	v16 =	vmul.f32 v9, v16  }
0x2ef: {  	v11 =	vadd.f32 v11, v13;
	v13 =	vmul.f32 v10, v15  }
0x2f0: {  	v14 =	vadd.f32 v16, v14  }
0x2f1: {  	[tilespmem:s3+$0x10E90] =	vst v11;
	v12 =	vadd.f32 v13, v12;
	v13 =	vbroadcast v11, $0xF  }
0x2f2: {  	v11 =	vld [tilespmem:s18+$0x10E90];
	v15 =	vperm.xlane v14, v7  }
0x2f3: {  	v16 =	vperm.xlane v17, v3;
	v12 =	vadd.f32 v12, v13  }
.Ltmp2:
0x2f4: {  	v13 =	vmul.f32 v10, v15;
	(pc) =	sbr.rel @p0 .LBB2_6-.Ltmp2, $4  }
0x2f5: {  	v15 =	vmul.f32 v4, v16;
	[tilespmem:s3+$0x10EA0] =	vst v12;
	v16 =	vbroadcast v12, $0xF  }
0x2f6: {  	v12 =	vld [tilespmem:s18+$0x10EA0];
	v14 =	vadd.f32 v13, v14  }
0x2f7: {  	v13 =	vadd.f32 v15, v17;
	v15 =	vperm.xlane v11, v3  }
0x2f8: {  	v14 =	vadd.f32 v14, v16  }
0x2f9: {  	v16 =	vperm.xlane v13, v5  }
0x2fa: {  	v15 =	vmul.f32 v4, v15;
	[tilespmem:s3+$0x10EB0] =	vst v14  }
0x2fb: {  	v44 =	vmul.f32 v6, v16;
	v45 =	vld [tilespmem:s18+$0x10EB0]  }
0x2fc: {  	v11 =	vadd.f32 v15, v11;
	v46 =	vperm.xlane v12, v3  }
0x2fd: {  	v47 =	vadd.f32 v44, v13  }
0x2fe: {  	v48 =	vperm.xlane v11, v5;
	v15 =	vmul.f32 v4, v46  }
0x2ff: {  	v17 =	vperm.xlane v47, v8  }
0x300: {  	v14 =	vmul.f32 v6, v48;
	v49 =	vadd.f32 v15, v12;
	v50 =	vperm.xlane v45, v3  }
0x301: {  	v17 =	vmul.f32 v9, v17  }
0x302: {  	v11 =	vadd.f32 v14, v11;
	v51 =	vperm.xlane v49, v5;
	v15 =	vmul.f32 v4, v50  }
0x303: {  	v13 =	vadd.f32 v17, v47  }
0x304: {  	v52 =	vperm.xlane v11, v8;
	v14 =	vmul.f32 v6, v51;
	v15 =	vadd.f32 v15, v45  }
0x305: {  	v53 =	vperm.xlane v13, v7  }
0x306: {  	v17 =	vmul.f32 v9, v52;
	v12 =	vadd.f32 v14, v49;
	v54 =	vperm.xlane v15, v5  }
0x307: {  	v16 =	vmul.f32 v10, v53  }
0x308: {  	v11 =	vadd.f32 v17, v11;
	v55 =	vperm.xlane v12, v8;
	v14 =	vmul.f32 v6, v54  }
0x309: {  	v13 =	vadd.f32 v16, v13  }
0x30a: {  	v56 =	vperm.xlane v11, v7;
	v17 =	vmul.f32 v9, v55;
	v14 =	vadd.f32 v14, v15  }
0x30b: {  	v13 =	vadd.f32 $0.0e+00, v13  }
0x30c: {  	v57 =	vmul.f32 v10, v56;
	v12 =	vadd.f32 v17, v12;
	v58 =	vperm.xlane v14, v8  }
0x30d: {  	v59 =	vbroadcast v13, $0xF  }
0x30e: {  	v11 =	vadd.f32 v57, v11;
	v60 =	vperm.xlane v12, v7;
	v16 =	vmul.f32 v9, v58;
	_ =	sdelay $0x1  }
0x30f: {  	v11 =	vadd.f32 v11, v59;
	v15 =	vmul.f32 v10, v60;
	v14 =	vadd.f32 v16, v14;
	_ =	sdelay $0x1  }
0x310: {  	v12 =	vadd.f32 v15, v12;
	v61 =	vbroadcast v11, $0xF;
	v16 =	vperm.xlane v14, v7;
	_ =	sdelay $0x1  }
0x311: {  	v12 =	vadd.f32 v12, v61;
	v62 =	vmul.f32 v10, v16;
	_ =	sdelay $0x1  }
0x312: {  	v63 =	vbroadcast v12, $0xF;
	v14 =	vadd.f32 v62, v14  }
0x313: {  	[tilespmem:s18+$0x10E80] =	vst v13  }
0x314: {  	s1 =	sadd.s32 $0x1, s1;
	[tilespmem:s18+$0x10E90] =	vst v11;
	v11 =	vadd.f32 v14, v63  }
0x315: {  	p0 =	sne.s32 s1, s16;
	[tilespmem:s18+$0x10EA0] =	vst v12  }
.Ltmp3:
0x316: {  	s0 =	simm.s32 $0x100;
	s31 =	simm.s32 $0x10E80;
	[tilespmem:s18+$0x10EB0] =	vst v11;
	(pc) =	sbr.rel @p0 .LBB2_1-.Ltmp3, $4  }
0x317: {  	[hbm4b:s15+s28] =	stream.strided.scatter [tilespmem:s31], [sflag:$0x1], $0x800, s0, s28, $0x38;
	[tilespmem:$0x19680] =	vst v63  }
0x318: {  	_ =	swait.ge [sflag:s17], $0x800  }
0x319: {  	[sflag:s17] =	ssyncset.done $0x0  }
0x31a: {  	[sflag:s17] =	ssyncadd.s32 $0xFFFFF800  }
0x31b: {  	_ =	sfence.sel $0x180000  }
0x31c: {  	[bflag:$0x0] =	sbarrier.arrive $0xFFFF  }
0x31d: {  	_ =	strace $0x90000047  }
0x31e: {  	s0 =	stileid.u32;
	[bflag:$0x2] =	sbarrier.arrive $0xFFFF  }
0x31f: {  	p0 =	sne.s32 s0, $0x0;
	s0 =	rddreg [dreg:$0x9]  }
0x320: {  	s0 =	sadd.s32 @!p0 $0x100000, s0  }
0x321: {  	[sflag:s0] =	ssyncadd.tile.s32 @!p0 $0x1;
	_ =	shalt  }
.Lfunc_end2:
_tile_overlayer_lowered:
.L_overlay_start_2:
0x322: {  	(tag) =	ssettag $0x2  }
0x323: {  	s0 =	rddreg [dreg:$0x0];
	s2 =	stileid.u32  }
0x324: {  	s1 =	rddreg [dreg:$0x1];
	p0 =	sne.s32 s2, $0x0  }
0x325: {  	s3 =	rddreg [dreg:$0x2];
	[bflag:$0x3] =	sbarrier.arrive $0xFFFF;
	s2 =	simm.s32 @!p0 $0x1C01  }
0x326: {  	[timem:s3], [sflag:s2] =	dma.local @!p0 [hbm:s0], s1  }
0x327: {  	s0 =	simm.s32 @!p0 $0x1  }
0x328: {  	_ =	swait.ge @!p0 [sflag:s0], s1  }
0x329: {  	s1 =	ssub.s32 @!p0 $0x0, s1;
	[sflag:s0] =	ssyncset.done @!p0 $0x0  }
0x32a: {  	[sflag:s0] =	ssyncadd.s32 @!p0 s1  }
0x32b: {  	[bflag:$0x3] =	sbarrier.arrive $0xFFFF  }
0x32c: {  	_ =	shalt  }

</sc_bundles>
